<compile_context>
chip_gen: v7x
topology: tpu7x:2x2x1
jax: 0.10.2.dev20260603
libtpu: 0.0.44.dev20260713+nightly
codegen_flags: <defaults>
</compile_context>

<pallas_src>
import functools

import jax
import jax.numpy as jnp
from jax import lax
from jax.experimental import pallas as pl
from jax.experimental.pallas import tpu as pltpu
from jax.experimental.pallas import tpu_sc as plsc

NC = 2
NS = 16
NW = NC * NS
CHUNK = 88
CHUNK_W = 88
WDEG = 16
FAST_C = 0
SHARE_AGG1 = 0.623
SHARE_AGG2 = 0.580


def _sc_mesh():
    return plsc.VectorSubcoreMesh(core_axis_name="c", subcore_axis_name="s")


def _make_deg_kernel(nacc, nch0, nch1, CHUNK=CHUNK):
    rpt = nacc // NS
    nch = max(nch0, nch1)

    @functools.partial(
        pl.kernel,
        out_type=jax.ShapeDtypeStruct((NC * nacc, WDEG), jnp.float32),
        mesh=_sc_mesh(),
        compiler_params=pltpu.CompilerParams(use_tc_tiling_on_sc=False),
        scratch_types=[
            pltpu.VMEM((nch, CHUNK), jnp.int32),
            pltpu.VMEM((CHUNK, WDEG), jnp.float32),
            pltpu.VMEM_SHARED((nacc, WDEG), jnp.float32),
        ],
    )
    def deg_kernel(dst_hbm, zeros_hbm, out_hbm, dst_v, ones_v, acc_sh):
        c = lax.axis_index("c")
        s = lax.axis_index("s")
        wid = s * NC + c
        pltpu.sync_copy(dst_hbm.at[wid], dst_v)

        def fill(i, carry):
            ones_v[i, :] = jnp.ones((WDEG,), jnp.float32)
            return carry

        lax.fori_loop(0, CHUNK, fill, 0)
        pltpu.sync_copy(zeros_hbm.at[pl.ds(s * rpt, rpt)],
                        acc_sh.at[pl.ds(s * rpt, rpt)])
        plsc.subcore_barrier()

        def body(j, carry):
            pltpu.sync_copy(ones_v, acc_sh.at[dst_v.at[j]], add=True)
            return carry

        lax.fori_loop(0, jnp.where(c == 0, nch0, nch1), body, 0)
        plsc.subcore_barrier()
        pltpu.sync_copy(acc_sh.at[pl.ds(s * rpt, rpt)],
                        out_hbm.at[pl.ds(c * nacc + s * rpt, rpt)])

    return deg_kernel


NBUF = 2


def _make_agg_kernel(nacc, nch0, nch1, width, CHUNK=CHUNK):
    rpt = nacc // NS
    nch = max(nch0, nch1)

    @functools.partial(
        pl.kernel,
        out_type=jax.ShapeDtypeStruct((NC * nacc, width), jnp.float32),
        mesh=_sc_mesh(),
        compiler_params=pltpu.CompilerParams(use_tc_tiling_on_sc=False),
        scratch_types=[
            pltpu.VMEM((nch, CHUNK), jnp.int32),
            pltpu.VMEM((nch, CHUNK), jnp.int32),
            pltpu.VMEM_SHARED((nacc, width), jnp.float32),
        ] + [pltpu.VMEM((CHUNK, width), jnp.float32) for _ in range(NBUF)]
          + [pltpu.SemaphoreType.DMA for _ in range(NBUF)],
    )
    def agg_kernel(hs_hbm, src_hbm, dst_hbm, out_hbm,
                   src_v, dst_v, acc_sh_ref, *bufs_and_sems):
        rows = list(bufs_and_sems[:NBUF])
        sems = list(bufs_and_sems[NBUF:])
        c = lax.axis_index("c")
        s = lax.axis_index("s")
        wid = s * NC + c
        pltpu.sync_copy(src_hbm.at[wid], src_v)
        pltpu.sync_copy(dst_hbm.at[wid], dst_v)

        zvec = jnp.zeros((16,), jnp.float32)

        def zfill(i, carry):
            for k in range(width // 16):
                rows[0][i, pl.ds(k * 16, 16)] = zvec
            return carry

        lax.fori_loop(0, CHUNK, zfill, 0)
        full, part = rpt // CHUNK, rpt % CHUNK
        for t in range(full):
            pltpu.sync_copy(rows[0],
                            acc_sh_ref.at[pl.ds(s * rpt + t * CHUNK, CHUNK)])
        if part:
            pltpu.sync_copy(rows[0].at[pl.ds(0, part)],
                            acc_sh_ref.at[pl.ds(s * rpt + full * CHUNK, part)])
        plsc.subcore_barrier()

        nch_dyn = jnp.where(c == 0, nch0, nch1)
        for b in range(min(NBUF, min(nch0, nch1))):
            pltpu.async_copy(hs_hbm.at[src_v.at[b]], rows[b], sems[b])

        def step(j, b):
            pltpu.make_async_copy(hs_hbm.at[src_v.at[0]], rows[b], sems[b]).wait()
            pltpu.sync_copy(rows[b], acc_sh_ref.at[dst_v.at[j]], add=True)

            @pl.when(j + NBUF < nch_dyn)
            def _():
                pltpu.async_copy(hs_hbm.at[src_v.at[j + NBUF]], rows[b], sems[b])

        def body(g, carry):
            for b in range(NBUF):
                step(g * NBUF + b, b)
            return carry

        lax.fori_loop(0, nch_dyn // NBUF, body, 0)

        plsc.subcore_barrier()
        for t in range(full):
            pltpu.sync_copy(acc_sh_ref.at[pl.ds(s * rpt + t * CHUNK, CHUNK)],
                            rows[0])
            pltpu.sync_copy(rows[0],
                            out_hbm.at[pl.ds(c * nacc + s * rpt + t * CHUNK,
                                             CHUNK)])
        if part:
            pltpu.sync_copy(acc_sh_ref.at[pl.ds(s * rpt + full * CHUNK, part)],
                            rows[0].at[pl.ds(0, part)])
            pltpu.sync_copy(rows[0].at[pl.ds(0, part)],
                            out_hbm.at[pl.ds(c * nacc + s * rpt + full * CHUNK,
                                             part)])

    return agg_kernel


def _make_layer1_body(n, nacc):
    def body(x_ref, w_ref, deg_ref, hs_ref, dinv_ref):
        deg = (deg_ref[pl.ds(0, n), pl.ds(0, 1)]
               + deg_ref[pl.ds(nacc, n), pl.ds(0, 1)] + 1.0)
        dinv = lax.rsqrt(deg)
        h = jnp.dot(x_ref[...], w_ref[...], preferred_element_type=jnp.float32)
        hs_ref[...] = h * dinv
        dinv_ref[...] = dinv
    return body


def _make_layer2_body(n, nacc):
    def body(agg_ref, hs1_ref, dinv_ref, b1_ref, w2_ref, hs2_ref):
        dinv = dinv_ref[...]
        acc = agg_ref[pl.ds(0, n), :] + agg_ref[pl.ds(nacc, n), :]
        x1 = jnp.maximum(dinv * (acc + hs1_ref[...]) + b1_ref[...], 0.0)
        hs2_ref[...] = jnp.dot(
            x1, w2_ref[...], preferred_element_type=jnp.float32) * dinv
    return body


def _make_out_body(n, nacc):
    def body(agg_ref, hs2_ref, dinv_ref, b2_ref, out_ref):
        acc = agg_ref[pl.ds(0, n), :] + agg_ref[pl.ds(nacc, n), :]
        z = dinv_ref[...] * (acc + hs2_ref[...]) + b2_ref[...]
        m = jnp.max(z, axis=1, keepdims=True)
        zs = z - m
        out_ref[...] = zs - jnp.log(jnp.sum(jnp.exp(zs), axis=1, keepdims=True))
    return body


def kernel(features, edge_index, W1, b1, W2, b2):
    n, f_in = features.shape
    hid = W1.shape[1]
    cdim = W2.shape[1]
    e = edge_index.shape[1]

    nacc = (n // (NS * 8) + 1) * (NS * 8)

    def partition(share, chunk=CHUNK):
        ntot = 2 * ((e + 2 * NS * chunk - 1) // (2 * NS * chunk))
        nchf = int(round(ntot * share / 2)) * 2
        nchs = ntot - nchf
        ef = NS * nchf * chunk
        pad = NS * ntot * chunk - e

        def part(idx, fill):
            idx_p = jnp.concatenate([idx, jnp.full((pad,), fill, jnp.int32)])
            f = idx_p[:ef].reshape(NS, nchf, chunk)
            sl = idx_p[ef:].reshape(NS, nchs, chunk)
            sl = jnp.pad(sl, ((0, 0), (0, nchf - nchs), (0, 0)),
                         constant_values=fill)
            pair = (f, sl) if FAST_C == 0 else (sl, f)
            return jnp.stack(pair, axis=1).reshape(NW, nchf, chunk)

        nch0, nch1 = (nchf, nchs) if FAST_C == 0 else (nchs, nchf)
        return nch0, nch1, part(edge_index[0], 0), part(edge_index[1], n)

    nch0, nch1, src_p, dst_p = partition(SHARE_AGG1)
    nch0b, nch1b, src_pb, dst_pb = partition(SHARE_AGG2, CHUNK_W)

    zeros_deg = jnp.zeros((nacc, WDEG), jnp.float32)

    deg_out = _make_deg_kernel(nacc, nch0, nch1)(dst_p, zeros_deg)

    hs1, dinv = pl.pallas_call(
        _make_layer1_body(n, nacc),
        out_shape=[
            jax.ShapeDtypeStruct((n, hid), jnp.float32),
            jax.ShapeDtypeStruct((n, 1), jnp.float32),
        ],
    )(features, W1, deg_out)

    agg1 = _make_agg_kernel(nacc, nch0, nch1, hid)(hs1, src_p, dst_p)

    hs2 = pl.pallas_call(
        _make_layer2_body(n, nacc),
        out_shape=jax.ShapeDtypeStruct((n, cdim), jnp.float32),
    )(agg1, hs1, dinv, b1.reshape(1, hid), W2)

    agg2 = _make_agg_kernel(nacc, nch0b, nch1b, cdim, CHUNK_W)(hs2, src_pb, dst_pb)

    out = pl.pallas_call(
        _make_out_body(n, nacc),
        out_shape=jax.ShapeDtypeStruct((n, cdim), jnp.float32),
    )(agg2, hs2, dinv, b2.reshape(1, cdim))

    return out

# --- scband reference (transcript-rebuilt; emitter-appended) ---
"""Pipeline reference for scband-gcn-net2-48206712930320 (READ-ONLY COPY).

The authoritative reference and input builder live on the scoring server;
editing this copy changes nothing except your own understanding.
"""

import jax, jax.numpy as jnp
import numpy as np

N = 10000
E = 320000
F_IN = 128
HID = 128
C = 64


def setup_inputs(seed: int = 0) -> dict:
    key = jax.random.key(seed)
    k1, k2, k3, k4 = jax.random.split(key, 4)
    features = jax.random.normal(k1, (N, F_IN), dtype=jnp.float32)
    edge_index = jax.random.randint(k2, (2, E), 0, N, dtype=jnp.int32)
    # GCNConv params (glorot-style init); biases zero
    W1 = jax.random.normal(k3, (F_IN, HID), dtype=jnp.float32) * (1.0 / np.sqrt(F_IN))
    b1 = jnp.zeros((HID,), dtype=jnp.float32)
    W2 = jax.random.normal(k4, (HID, C), dtype=jnp.float32) * (1.0 / np.sqrt(HID))
    b2 = jnp.zeros((C,), dtype=jnp.float32)
    return {"features": features, "edge_index": edge_index, "W1": W1, "b1": b1, "W2": W2, "b2": b2}


def gcn_conv(x, edge_index, W, b):
    # Faithful PyG GCNConv: add self-loops, symmetric deg^{-1/2} normalization,
    # linear transform, scatter-add aggregation over destination nodes, bias.
    n = x.shape[0]
    loop = jnp.arange(n, dtype=edge_index.dtype)
    src = jnp.concatenate([edge_index[0], loop])
    dst = jnp.concatenate([edge_index[1], loop])
    ew = jnp.ones(src.shape[0], dtype=x.dtype)
    deg = jnp.zeros((n,), dtype=x.dtype).at[dst].add(ew)
    deg_inv_sqrt = jnp.where(deg > 0, 1.0 / jnp.sqrt(deg), 0.0)
    norm = deg_inv_sqrt[src] * ew * deg_inv_sqrt[dst]
    h = x @ W
    msg = h[src] * norm[:, None]
    out = jnp.zeros((n, h.shape[1]), dtype=x.dtype).at[dst].add(msg)
    return out + b


def reference(features, edge_index, W1, b1, W2, b2):
    x = jax.nn.relu(gcn_conv(features, edge_index, W1, b1))
    # dropout is identity in eval mode (training=False)
    x = gcn_conv(x, edge_index, W2, b2)
    return jax.nn.log_softmax(x, axis=1)

if __name__ == "__main__":
    import jax
    _d = setup_inputs()
    print(jax.jit(kernel)(*tuple(_d.values())))

</pallas_src>

<mosaic_0001>
#map = affine_map<(d0, d1) -> (0, 0)>
#map1 = affine_map<(d0, d1) -> (0, 0, 0)>
module attributes {stable_mosaic.version = 14 : i64} {
  func.func @agg_kernel(%arg0: i32, %arg1: i32, %arg2: memref<10000x128xf32, #tpu.memory_space<hbm>>, %arg3: memref<32x142x88xi32, #tpu.memory_space<hbm>>, %arg4: memref<32x142x88xi32, #tpu.memory_space<hbm>>, %arg5: memref<20224x128xf32, #tpu.memory_space<hbm>>, %arg6: memref<142x88xi32, #tpu.memory_space<vmem>>, %arg7: memref<142x88xi32, #tpu.memory_space<vmem>>, %arg8: memref<10112x128xf32, #tpu.memory_space<vmem_shared>>, %arg9: memref<88x128xf32, #tpu.memory_space<vmem>>, %arg10: memref<88x128xf32, #tpu.memory_space<vmem>>, %arg11: memref<!tpu.dma_semaphore, #tpu.memory_space<semaphore_mem>>, %arg12: memref<!tpu.dma_semaphore, #tpu.memory_space<semaphore_mem>>) attributes {dimension_semantics = [#tpu.dimension_semantics<core_parallel>, #tpu.dimension_semantics<subcore_parallel>], iteration_bounds = array<i64: 2, 16>, scalar_prefetch = 0 : i64, scratch_operands = 7 : i64, tpu.core_type = #tpu.core_type<sc_vector_subcore>, window_params = [{transform_indices = #map}, {transform_indices = #map1}, {transform_indices = #map1}, {transform_indices = #map}]} {
    %mul3A = arith.constant 2 : i32
    %mul3A_0 = arith.muli %arg1, %mul3A : i32
    %add3A = arith.addi %mul3A_0, %arg0 : i32
    "tpu.region"() ({
      %run_scoped3A = tpu.sem_alloc : memref<!tpu.dma_semaphore, #tpu.memory_space<semaphore_mem>>
      %dma_start3A_170 = arith.constant 0 : i32
      %dma_start3A_171 = arith.constant 0 : i32
      %dma_start3A_172 = tpu.memref_slice %arg3[%add3A, %dma_start3A_170, %dma_start3A_171] : memref<32x142x88xi32, #tpu.memory_space<hbm>> -> memref<1x142x88xi32, #tpu.memory_space<hbm>>
      %dma_start3A_173 = tpu.memref_squeeze %dma_start3A_172 : memref<1x142x88xi32, #tpu.memory_space<hbm>> -> memref<142x88xi32, #tpu.memory_space<hbm>>
      %dma_start3A_174 = arith.constant 0 : i32
      %dma_start3A_175 = arith.constant 0 : i32
      %dma_start3A_176 = tpu.memref_slice %arg3[%add3A, %dma_start3A_174, %dma_start3A_175] : memref<32x142x88xi32, #tpu.memory_space<hbm>> -> memref<1x142x88xi32, #tpu.memory_space<hbm>>
      %dma_start3A_177 = tpu.memref_squeeze %dma_start3A_176 : memref<1x142x88xi32, #tpu.memory_space<hbm>> -> memref<142x88xi32, #tpu.memory_space<hbm>>
      tpu.enqueue_dma source(%dma_start3A_177 : memref<142x88xi32, #tpu.memory_space<hbm>>) target(%arg6 : memref<142x88xi32, #tpu.memory_space<vmem>>) target_semaphore(%run_scoped3A : memref<!tpu.dma_semaphore, #tpu.memory_space<semaphore_mem>>)
      %dma_wait3A = arith.constant 0 : i32
      %dma_wait3A_178 = arith.constant 0 : i32
      %dma_wait3A_179 = tpu.memref_slice %arg3[%add3A, %dma_wait3A, %dma_wait3A_178] : memref<32x142x88xi32, #tpu.memory_space<hbm>> -> memref<1x142x88xi32, #tpu.memory_space<hbm>>
      %dma_wait3A_180 = tpu.memref_squeeze %dma_wait3A_179 : memref<1x142x88xi32, #tpu.memory_space<hbm>> -> memref<142x88xi32, #tpu.memory_space<hbm>>
      %dma_wait3A_181 = arith.constant 0 : i32
      %dma_wait3A_182 = arith.constant 0 : i32
      %dma_wait3A_183 = tpu.memref_slice %arg3[%add3A, %dma_wait3A_181, %dma_wait3A_182] : memref<32x142x88xi32, #tpu.memory_space<hbm>> -> memref<1x142x88xi32, #tpu.memory_space<hbm>>
      %dma_wait3A_184 = tpu.memref_squeeze %dma_wait3A_183 : memref<1x142x88xi32, #tpu.memory_space<hbm>> -> memref<142x88xi32, #tpu.memory_space<hbm>>
      tpu.wait_dma2 semaphore(%run_scoped3A : memref<!tpu.dma_semaphore, #tpu.memory_space<semaphore_mem>>) src(%dma_wait3A_184 : memref<142x88xi32, #tpu.memory_space<hbm>>) dst(%arg6 : memref<142x88xi32, #tpu.memory_space<vmem>>)
      tpu.yield
    }) : () -> ()
    "tpu.region"() ({
      %run_scoped3A = tpu.sem_alloc : memref<!tpu.dma_semaphore, #tpu.memory_space<semaphore_mem>>
      %dma_start3A_170 = arith.constant 0 : i32
      %dma_start3A_171 = arith.constant 0 : i32
      %dma_start3A_172 = tpu.memref_slice %arg4[%add3A, %dma_start3A_170, %dma_start3A_171] : memref<32x142x88xi32, #tpu.memory_space<hbm>> -> memref<1x142x88xi32, #tpu.memory_space<hbm>>
      %dma_start3A_173 = tpu.memref_squeeze %dma_start3A_172 : memref<1x142x88xi32, #tpu.memory_space<hbm>> -> memref<142x88xi32, #tpu.memory_space<hbm>>
      %dma_start3A_174 = arith.constant 0 : i32
      %dma_start3A_175 = arith.constant 0 : i32
      %dma_start3A_176 = tpu.memref_slice %arg4[%add3A, %dma_start3A_174, %dma_start3A_175] : memref<32x142x88xi32, #tpu.memory_space<hbm>> -> memref<1x142x88xi32, #tpu.memory_space<hbm>>
      %dma_start3A_177 = tpu.memref_squeeze %dma_start3A_176 : memref<1x142x88xi32, #tpu.memory_space<hbm>> -> memref<142x88xi32, #tpu.memory_space<hbm>>
      tpu.enqueue_dma source(%dma_start3A_177 : memref<142x88xi32, #tpu.memory_space<hbm>>) target(%arg7 : memref<142x88xi32, #tpu.memory_space<vmem>>) target_semaphore(%run_scoped3A : memref<!tpu.dma_semaphore, #tpu.memory_space<semaphore_mem>>)
      %dma_wait3A = arith.constant 0 : i32
      %dma_wait3A_178 = arith.constant 0 : i32
      %dma_wait3A_179 = tpu.memref_slice %arg4[%add3A, %dma_wait3A, %dma_wait3A_178] : memref<32x142x88xi32, #tpu.memory_space<hbm>> -> memref<1x142x88xi32, #tpu.memory_space<hbm>>
      %dma_wait3A_180 = tpu.memref_squeeze %dma_wait3A_179 : memref<1x142x88xi32, #tpu.memory_space<hbm>> -> memref<142x88xi32, #tpu.memory_space<hbm>>
      %dma_wait3A_181 = arith.constant 0 : i32
      %dma_wait3A_182 = arith.constant 0 : i32
      %dma_wait3A_183 = tpu.memref_slice %arg4[%add3A, %dma_wait3A_181, %dma_wait3A_182] : memref<32x142x88xi32, #tpu.memory_space<hbm>> -> memref<1x142x88xi32, #tpu.memory_space<hbm>>
      %dma_wait3A_184 = tpu.memref_squeeze %dma_wait3A_183 : memref<1x142x88xi32, #tpu.memory_space<hbm>> -> memref<142x88xi32, #tpu.memory_space<hbm>>
      tpu.wait_dma2 semaphore(%run_scoped3A : memref<!tpu.dma_semaphore, #tpu.memory_space<semaphore_mem>>) src(%dma_wait3A_184 : memref<142x88xi32, #tpu.memory_space<hbm>>) dst(%arg7 : memref<142x88xi32, #tpu.memory_space<vmem>>)
      tpu.yield
    }) : () -> ()
    %broadcast_in_dim3A = arith.constant 0.000000e+00 : f32
    %broadcast_in_dim3A_1 = vector.broadcast %broadcast_in_dim3A : f32 to vector<16xf32>
    %scan3A = arith.constant 0 : i32
    %scan3A_2 = arith.constant 0 : i32
    %scan3A_3 = arith.constant 88 : i32
    %scan3A_4 = arith.addi %scan3A_2, %scan3A_3 : i32
    %scan3A_5 = arith.constant 1 : i32
    scf.for %scan3A_170 = %scan3A_2 to %scan3A_4 step %scan3A_5  : i32 {
      %swap3A = arith.index_cast %scan3A_170 : i32 to index
      %swap3A_171 = arith.constant 0 : index
      %swap3A_172 = tpu.vector_load %arg9[%swap3A, %swap3A_171] {strides = array<i32>} : memref<88x128xf32, #tpu.memory_space<vmem>>, vector<1x16xf32>,
      %swap3A_173 = vector.shape_cast %swap3A_172 : vector<1x16xf32> to vector<16xf32>
      %swap3A_174 = vector.shape_cast %broadcast_in_dim3A_1 : vector<16xf32> to vector<1x16xf32>
      tpu.vector_store %arg9[%swap3A, %swap3A_171], %swap3A_174 {strides = array<i32>} : memref<88x128xf32, #tpu.memory_space<vmem>>, vector<1x16xf32>,
      %swap3A_175 = arith.index_cast %scan3A_170 : i32 to index
      %swap3A_176 = arith.constant 16 : index
      %swap3A_177 = tpu.vector_load %arg9[%swap3A_175, %swap3A_176] {strides = array<i32>} : memref<88x128xf32, #tpu.memory_space<vmem>>, vector<1x16xf32>,
      %swap3A_178 = vector.shape_cast %swap3A_177 : vector<1x16xf32> to vector<16xf32>
      %swap3A_179 = vector.shape_cast %broadcast_in_dim3A_1 : vector<16xf32> to vector<1x16xf32>
      tpu.vector_store %arg9[%swap3A_175, %swap3A_176], %swap3A_179 {strides = array<i32>} : memref<88x128xf32, #tpu.memory_space<vmem>>, vector<1x16xf32>,
      %swap3A_180 = arith.index_cast %scan3A_170 : i32 to index
      %swap3A_181 = arith.constant 32 : index
      %swap3A_182 = tpu.vector_load %arg9[%swap3A_180, %swap3A_181] {strides = array<i32>} : memref<88x128xf32, #tpu.memory_space<vmem>>, vector<1x16xf32>,
      %swap3A_183 = vector.shape_cast %swap3A_182 : vector<1x16xf32> to vector<16xf32>
      %swap3A_184 = vector.shape_cast %broadcast_in_dim3A_1 : vector<16xf32> to vector<1x16xf32>
      tpu.vector_store %arg9[%swap3A_180, %swap3A_181], %swap3A_184 {strides = array<i32>} : memref<88x128xf32, #tpu.memory_space<vmem>>, vector<1x16xf32>,
      %swap3A_185 = arith.index_cast %scan3A_170 : i32 to index
      %swap3A_186 = arith.constant 48 : index
      %swap3A_187 = tpu.vector_load %arg9[%swap3A_185, %swap3A_186] {strides = array<i32>} : memref<88x128xf32, #tpu.memory_space<vmem>>, vector<1x16xf32>,
      %swap3A_188 = vector.shape_cast %swap3A_187 : vector<1x16xf32> to vector<16xf32>
      %swap3A_189 = vector.shape_cast %broadcast_in_dim3A_1 : vector<16xf32> to vector<1x16xf32>
      tpu.vector_store %arg9[%swap3A_185, %swap3A_186], %swap3A_189 {strides = array<i32>} : memref<88x128xf32, #tpu.memory_space<vmem>>, vector<1x16xf32>,
      %swap3A_190 = arith.index_cast %scan3A_170 : i32 to index
      %swap3A_191 = arith.constant 64 : index
      %swap3A_192 = tpu.vector_load %arg9[%swap3A_190, %swap3A_191] {strides = array<i32>} : memref<88x128xf32, #tpu.memory_space<vmem>>, vector<1x16xf32>,
      %swap3A_193 = vector.shape_cast %swap3A_192 : vector<1x16xf32> to vector<16xf32>
      %swap3A_194 = vector.shape_cast %broadcast_in_dim3A_1 : vector<16xf32> to vector<1x16xf32>
      tpu.vector_store %arg9[%swap3A_190, %swap3A_191], %swap3A_194 {strides = array<i32>} : memref<88x128xf32, #tpu.memory_space<vmem>>, vector<1x16xf32>,
      %swap3A_195 = arith.index_cast %scan3A_170 : i32 to index
      %swap3A_196 = arith.constant 80 : index
      %swap3A_197 = tpu.vector_load %arg9[%swap3A_195, %swap3A_196] {strides = array<i32>} : memref<88x128xf32, #tpu.memory_space<vmem>>, vector<1x16xf32>,
      %swap3A_198 = vector.shape_cast %swap3A_197 : vector<1x16xf32> to vector<16xf32>
      %swap3A_199 = vector.shape_cast %broadcast_in_dim3A_1 : vector<16xf32> to vector<1x16xf32>
      tpu.vector_store %arg9[%swap3A_195, %swap3A_196], %swap3A_199 {strides = array<i32>} : memref<88x128xf32, #tpu.memory_space<vmem>>, vector<1x16xf32>,
      %swap3A_200 = arith.index_cast %scan3A_170 : i32 to index
      %swap3A_201 = arith.constant 96 : index
      %swap3A_202 = tpu.vector_load %arg9[%swap3A_200, %swap3A_201] {strides = array<i32>} : memref<88x128xf32, #tpu.memory_space<vmem>>, vector<1x16xf32>,
      %swap3A_203 = vector.shape_cast %swap3A_202 : vector<1x16xf32> to vector<16xf32>
      %swap3A_204 = vector.shape_cast %broadcast_in_dim3A_1 : vector<16xf32> to vector<1x16xf32>
      tpu.vector_store %arg9[%swap3A_200, %swap3A_201], %swap3A_204 {strides = array<i32>} : memref<88x128xf32, #tpu.memory_space<vmem>>, vector<1x16xf32>,
      %swap3A_205 = arith.index_cast %scan3A_170 : i32 to index
      %swap3A_206 = arith.constant 112 : index
      %swap3A_207 = tpu.vector_load %arg9[%swap3A_205, %swap3A_206] {strides = array<i32>} : memref<88x128xf32, #tpu.memory_space<vmem>>, vector<1x16xf32>,
      %swap3A_208 = vector.shape_cast %swap3A_207 : vector<1x16xf32> to vector<16xf32>
      %swap3A_209 = vector.shape_cast %broadcast_in_dim3A_1 : vector<16xf32> to vector<1x16xf32>
      tpu.vector_store %arg9[%swap3A_205, %swap3A_206], %swap3A_209 {strides = array<i32>} : memref<88x128xf32, #tpu.memory_space<vmem>>, vector<1x16xf32>,
    }
    %scan3A_6 = arith.constant 88 : i32
    %mul3A_7 = arith.constant 632 : i32
    %mul3A_8 = arith.muli %arg1, %mul3A_7 : i32
    %add3A_9 = arith.constant 0 : i32
    %add3A_10 = arith.addi %mul3A_8, %add3A_9 : i32
    "tpu.region"() ({
      %run_scoped3A = tpu.sem_alloc : memref<!tpu.dma_semaphore, #tpu.memory_space<semaphore_mem>>
      %dma_start3A_170 = arith.constant 0 : i32
      %dma_start3A_171 = tpu.memref_slice %arg8[%add3A_10, %dma_start3A_170] : memref<10112x128xf32, #tpu.memory_space<vmem_shared>> -> memref<88x128xf32, #tpu.memory_space<vmem_shared>>
      %dma_start3A_172 = arith.constant 0 : i32
      %dma_start3A_173 = tpu.memref_slice %arg8[%add3A_10, %dma_start3A_172] : memref<10112x128xf32, #tpu.memory_space<vmem_shared>> -> memref<88x128xf32, #tpu.memory_space<vmem_shared>>
      tpu.enqueue_dma source(%arg9 : memref<88x128xf32, #tpu.memory_space<vmem>>) target(%dma_start3A_173 : memref<88x128xf32, #tpu.memory_space<vmem_shared>>) target_semaphore(%run_scoped3A : memref<!tpu.dma_semaphore, #tpu.memory_space<semaphore_mem>>)
      %dma_wait3A = arith.constant 0 : i32
      %dma_wait3A_174 = tpu.memref_slice %arg8[%add3A_10, %dma_wait3A] : memref<10112x128xf32, #tpu.memory_space<vmem_shared>> -> memref<88x128xf32, #tpu.memory_space<vmem_shared>>
      %dma_wait3A_175 = arith.constant 0 : i32
      %dma_wait3A_176 = tpu.memref_slice %arg8[%add3A_10, %dma_wait3A_175] : memref<10112x128xf32, #tpu.memory_space<vmem_shared>> -> memref<88x128xf32, #tpu.memory_space<vmem_shared>>
      tpu.wait_dma2 semaphore(%run_scoped3A : memref<!tpu.dma_semaphore, #tpu.memory_space<semaphore_mem>>) src(%arg9 : memref<88x128xf32, #tpu.memory_space<vmem>>) dst(%dma_wait3A_176 : memref<88x128xf32, #tpu.memory_space<vmem_shared>>)
      tpu.yield
    }) : () -> ()
    %mul3A_11 = arith.constant 632 : i32
    %mul3A_12 = arith.muli %arg1, %mul3A_11 : i32
    %add3A_13 = arith.constant 88 : i32
    %add3A_14 = arith.addi %mul3A_12, %add3A_13 : i32
    "tpu.region"() ({
      %run_scoped3A = tpu.sem_alloc : memref<!tpu.dma_semaphore, #tpu.memory_space<semaphore_mem>>
      %dma_start3A_170 = arith.constant 0 : i32
      %dma_start3A_171 = tpu.memref_slice %arg8[%add3A_14, %dma_start3A_170] : memref<10112x128xf32, #tpu.memory_space<vmem_shared>> -> memref<88x128xf32, #tpu.memory_space<vmem_shared>>
      %dma_start3A_172 = arith.constant 0 : i32
      %dma_start3A_173 = tpu.memref_slice %arg8[%add3A_14, %dma_start3A_172] : memref<10112x128xf32, #tpu.memory_space<vmem_shared>> -> memref<88x128xf32, #tpu.memory_space<vmem_shared>>
      tpu.enqueue_dma source(%arg9 : memref<88x128xf32, #tpu.memory_space<vmem>>) target(%dma_start3A_173 : memref<88x128xf32, #tpu.memory_space<vmem_shared>>) target_semaphore(%run_scoped3A : memref<!tpu.dma_semaphore, #tpu.memory_space<semaphore_mem>>)
      %dma_wait3A = arith.constant 0 : i32
      %dma_wait3A_174 = tpu.memref_slice %arg8[%add3A_14, %dma_wait3A] : memref<10112x128xf32, #tpu.memory_space<vmem_shared>> -> memref<88x128xf32, #tpu.memory_space<vmem_shared>>
      %dma_wait3A_175 = arith.constant 0 : i32
      %dma_wait3A_176 = tpu.memref_slice %arg8[%add3A_14, %dma_wait3A_175] : memref<10112x128xf32, #tpu.memory_space<vmem_shared>> -> memref<88x128xf32, #tpu.memory_space<vmem_shared>>
      tpu.wait_dma2 semaphore(%run_scoped3A : memref<!tpu.dma_semaphore, #tpu.memory_space<semaphore_mem>>) src(%arg9 : memref<88x128xf32, #tpu.memory_space<vmem>>) dst(%dma_wait3A_176 : memref<88x128xf32, #tpu.memory_space<vmem_shared>>)
      tpu.yield
    }) : () -> ()
    %mul3A_15 = arith.constant 632 : i32
    %mul3A_16 = arith.muli %arg1, %mul3A_15 : i32
    %add3A_17 = arith.constant 176 : i32
    %add3A_18 = arith.addi %mul3A_16, %add3A_17 : i32
    "tpu.region"() ({
      %run_scoped3A = tpu.sem_alloc : memref<!tpu.dma_semaphore, #tpu.memory_space<semaphore_mem>>
      %dma_start3A_170 = arith.constant 0 : i32
      %dma_start3A_171 = tpu.memref_slice %arg8[%add3A_18, %dma_start3A_170] : memref<10112x128xf32, #tpu.memory_space<vmem_shared>> -> memref<88x128xf32, #tpu.memory_space<vmem_shared>>
      %dma_start3A_172 = arith.constant 0 : i32
      %dma_start3A_173 = tpu.memref_slice %arg8[%add3A_18, %dma_start3A_172] : memref<10112x128xf32, #tpu.memory_space<vmem_shared>> -> memref<88x128xf32, #tpu.memory_space<vmem_shared>>
      tpu.enqueue_dma source(%arg9 : memref<88x128xf32, #tpu.memory_space<vmem>>) target(%dma_start3A_173 : memref<88x128xf32, #tpu.memory_space<vmem_shared>>) target_semaphore(%run_scoped3A : memref<!tpu.dma_semaphore, #tpu.memory_space<semaphore_mem>>)
      %dma_wait3A = arith.constant 0 : i32
      %dma_wait3A_174 = tpu.memref_slice %arg8[%add3A_18, %dma_wait3A] : memref<10112x128xf32, #tpu.memory_space<vmem_shared>> -> memref<88x128xf32, #tpu.memory_space<vmem_shared>>
      %dma_wait3A_175 = arith.constant 0 : i32
      %dma_wait3A_176 = tpu.memref_slice %arg8[%add3A_18, %dma_wait3A_175] : memref<10112x128xf32, #tpu.memory_space<vmem_shared>> -> memref<88x128xf32, #tpu.memory_space<vmem_shared>>
      tpu.wait_dma2 semaphore(%run_scoped3A : memref<!tpu.dma_semaphore, #tpu.memory_space<semaphore_mem>>) src(%arg9 : memref<88x128xf32, #tpu.memory_space<vmem>>) dst(%dma_wait3A_176 : memref<88x128xf32, #tpu.memory_space<vmem_shared>>)
      tpu.yield
    }) : () -> ()
    %mul3A_19 = arith.constant 632 : i32
    %mul3A_20 = arith.muli %arg1, %mul3A_19 : i32
    %add3A_21 = arith.constant 264 : i32
    %add3A_22 = arith.addi %mul3A_20, %add3A_21 : i32
    "tpu.region"() ({
      %run_scoped3A = tpu.sem_alloc : memref<!tpu.dma_semaphore, #tpu.memory_space<semaphore_mem>>
      %dma_start3A_170 = arith.constant 0 : i32
      %dma_start3A_171 = tpu.memref_slice %arg8[%add3A_22, %dma_start3A_170] : memref<10112x128xf32, #tpu.memory_space<vmem_shared>> -> memref<88x128xf32, #tpu.memory_space<vmem_shared>>
      %dma_start3A_172 = arith.constant 0 : i32
      %dma_start3A_173 = tpu.memref_slice %arg8[%add3A_22, %dma_start3A_172] : memref<10112x128xf32, #tpu.memory_space<vmem_shared>> -> memref<88x128xf32, #tpu.memory_space<vmem_shared>>
      tpu.enqueue_dma source(%arg9 : memref<88x128xf32, #tpu.memory_space<vmem>>) target(%dma_start3A_173 : memref<88x128xf32, #tpu.memory_space<vmem_shared>>) target_semaphore(%run_scoped3A : memref<!tpu.dma_semaphore, #tpu.memory_space<semaphore_mem>>)
      %dma_wait3A = arith.constant 0 : i32
      %dma_wait3A_174 = tpu.memref_slice %arg8[%add3A_22, %dma_wait3A] : memref<10112x128xf32, #tpu.memory_space<vmem_shared>> -> memref<88x128xf32, #tpu.memory_space<vmem_shared>>
      %dma_wait3A_175 = arith.constant 0 : i32
      %dma_wait3A_176 = tpu.memref_slice %arg8[%add3A_22, %dma_wait3A_175] : memref<10112x128xf32, #tpu.memory_space<vmem_shared>> -> memref<88x128xf32, #tpu.memory_space<vmem_shared>>
      tpu.wait_dma2 semaphore(%run_scoped3A : memref<!tpu.dma_semaphore, #tpu.memory_space<semaphore_mem>>) src(%arg9 : memref<88x128xf32, #tpu.memory_space<vmem>>) dst(%dma_wait3A_176 : memref<88x128xf32, #tpu.memory_space<vmem_shared>>)
      tpu.yield
    }) : () -> ()
    %mul3A_23 = arith.constant 632 : i32
    %mul3A_24 = arith.muli %arg1, %mul3A_23 : i32
    %add3A_25 = arith.constant 352 : i32
    %add3A_26 = arith.addi %mul3A_24, %add3A_25 : i32
    "tpu.region"() ({
      %run_scoped3A = tpu.sem_alloc : memref<!tpu.dma_semaphore, #tpu.memory_space<semaphore_mem>>
      %dma_start3A_170 = arith.constant 0 : i32
      %dma_start3A_171 = tpu.memref_slice %arg8[%add3A_26, %dma_start3A_170] : memref<10112x128xf32, #tpu.memory_space<vmem_shared>> -> memref<88x128xf32, #tpu.memory_space<vmem_shared>>
      %dma_start3A_172 = arith.constant 0 : i32
      %dma_start3A_173 = tpu.memref_slice %arg8[%add3A_26, %dma_start3A_172] : memref<10112x128xf32, #tpu.memory_space<vmem_shared>> -> memref<88x128xf32, #tpu.memory_space<vmem_shared>>
      tpu.enqueue_dma source(%arg9 : memref<88x128xf32, #tpu.memory_space<vmem>>) target(%dma_start3A_173 : memref<88x128xf32, #tpu.memory_space<vmem_shared>>) target_semaphore(%run_scoped3A : memref<!tpu.dma_semaphore, #tpu.memory_space<semaphore_mem>>)
      %dma_wait3A = arith.constant 0 : i32
      %dma_wait3A_174 = tpu.memref_slice %arg8[%add3A_26, %dma_wait3A] : memref<10112x128xf32, #tpu.memory_space<vmem_shared>> -> memref<88x128xf32, #tpu.memory_space<vmem_shared>>
      %dma_wait3A_175 = arith.constant 0 : i32
      %dma_wait3A_176 = tpu.memref_slice %arg8[%add3A_26, %dma_wait3A_175] : memref<10112x128xf32, #tpu.memory_space<vmem_shared>> -> memref<88x128xf32, #tpu.memory_space<vmem_shared>>
      tpu.wait_dma2 semaphore(%run_scoped3A : memref<!tpu.dma_semaphore, #tpu.memory_space<semaphore_mem>>) src(%arg9 : memref<88x128xf32, #tpu.memory_space<vmem>>) dst(%dma_wait3A_176 : memref<88x128xf32, #tpu.memory_space<vmem_shared>>)
      tpu.yield
    }) : () -> ()
    %mul3A_27 = arith.constant 632 : i32
    %mul3A_28 = arith.muli %arg1, %mul3A_27 : i32
    %add3A_29 = arith.constant 440 : i32
    %add3A_30 = arith.addi %mul3A_28, %add3A_29 : i32
    "tpu.region"() ({
      %run_scoped3A = tpu.sem_alloc : memref<!tpu.dma_semaphore, #tpu.memory_space<semaphore_mem>>
      %dma_start3A_170 = arith.constant 0 : i32
      %dma_start3A_171 = tpu.memref_slice %arg8[%add3A_30, %dma_start3A_170] : memref<10112x128xf32, #tpu.memory_space<vmem_shared>> -> memref<88x128xf32, #tpu.memory_space<vmem_shared>>
      %dma_start3A_172 = arith.constant 0 : i32
      %dma_start3A_173 = tpu.memref_slice %arg8[%add3A_30, %dma_start3A_172] : memref<10112x128xf32, #tpu.memory_space<vmem_shared>> -> memref<88x128xf32, #tpu.memory_space<vmem_shared>>
      tpu.enqueue_dma source(%arg9 : memref<88x128xf32, #tpu.memory_space<vmem>>) target(%dma_start3A_173 : memref<88x128xf32, #tpu.memory_space<vmem_shared>>) target_semaphore(%run_scoped3A : memref<!tpu.dma_semaphore, #tpu.memory_space<semaphore_mem>>)
      %dma_wait3A = arith.constant 0 : i32
      %dma_wait3A_174 = tpu.memref_slice %arg8[%add3A_30, %dma_wait3A] : memref<10112x128xf32, #tpu.memory_space<vmem_shared>> -> memref<88x128xf32, #tpu.memory_space<vmem_shared>>
      %dma_wait3A_175 = arith.constant 0 : i32
      %dma_wait3A_176 = tpu.memref_slice %arg8[%add3A_30, %dma_wait3A_175] : memref<10112x128xf32, #tpu.memory_space<vmem_shared>> -> memref<88x128xf32, #tpu.memory_space<vmem_shared>>
      tpu.wait_dma2 semaphore(%run_scoped3A : memref<!tpu.dma_semaphore, #tpu.memory_space<semaphore_mem>>) src(%arg9 : memref<88x128xf32, #tpu.memory_space<vmem>>) dst(%dma_wait3A_176 : memref<88x128xf32, #tpu.memory_space<vmem_shared>>)
      tpu.yield
    }) : () -> ()
    %mul3A_31 = arith.constant 632 : i32
    %mul3A_32 = arith.muli %arg1, %mul3A_31 : i32
    %add3A_33 = arith.constant 528 : i32
    %add3A_34 = arith.addi %mul3A_32, %add3A_33 : i32
    "tpu.region"() ({
      %run_scoped3A = tpu.sem_alloc : memref<!tpu.dma_semaphore, #tpu.memory_space<semaphore_mem>>
      %dma_start3A_170 = arith.constant 0 : i32
      %dma_start3A_171 = tpu.memref_slice %arg8[%add3A_34, %dma_start3A_170] : memref<10112x128xf32, #tpu.memory_space<vmem_shared>> -> memref<88x128xf32, #tpu.memory_space<vmem_shared>>
      %dma_start3A_172 = arith.constant 0 : i32
      %dma_start3A_173 = tpu.memref_slice %arg8[%add3A_34, %dma_start3A_172] : memref<10112x128xf32, #tpu.memory_space<vmem_shared>> -> memref<88x128xf32, #tpu.memory_space<vmem_shared>>
      tpu.enqueue_dma source(%arg9 : memref<88x128xf32, #tpu.memory_space<vmem>>) target(%dma_start3A_173 : memref<88x128xf32, #tpu.memory_space<vmem_shared>>) target_semaphore(%run_scoped3A : memref<!tpu.dma_semaphore, #tpu.memory_space<semaphore_mem>>)
      %dma_wait3A = arith.constant 0 : i32
      %dma_wait3A_174 = tpu.memref_slice %arg8[%add3A_34, %dma_wait3A] : memref<10112x128xf32, #tpu.memory_space<vmem_shared>> -> memref<88x128xf32, #tpu.memory_space<vmem_shared>>
      %dma_wait3A_175 = arith.constant 0 : i32
      %dma_wait3A_176 = tpu.memref_slice %arg8[%add3A_34, %dma_wait3A_175] : memref<10112x128xf32, #tpu.memory_space<vmem_shared>> -> memref<88x128xf32, #tpu.memory_space<vmem_shared>>
      tpu.wait_dma2 semaphore(%run_scoped3A : memref<!tpu.dma_semaphore, #tpu.memory_space<semaphore_mem>>) src(%arg9 : memref<88x128xf32, #tpu.memory_space<vmem>>) dst(%dma_wait3A_176 : memref<88x128xf32, #tpu.memory_space<vmem_shared>>)
      tpu.yield
    }) : () -> ()
    %mul3A_35 = arith.constant 632 : i32
    %mul3A_36 = arith.muli %arg1, %mul3A_35 : i32
    %add3A_37 = arith.constant 616 : i32
    %add3A_38 = arith.addi %mul3A_36, %add3A_37 : i32
    "tpu.region"() ({
      %run_scoped3A = tpu.sem_alloc : memref<!tpu.dma_semaphore, #tpu.memory_space<semaphore_mem>>
      %dma_start3A_170 = arith.constant 0 : i32
      %dma_start3A_171 = arith.constant 0 : i32
      %dma_start3A_172 = tpu.memref_slice %arg9[%dma_start3A_170, %dma_start3A_171] : memref<88x128xf32, #tpu.memory_space<vmem>> -> memref<16x128xf32, #tpu.memory_space<vmem>>
      %dma_start3A_173 = arith.constant 0 : i32
      %dma_start3A_174 = tpu.memref_slice %arg8[%add3A_38, %dma_start3A_173] : memref<10112x128xf32, #tpu.memory_space<vmem_shared>> -> memref<16x128xf32, #tpu.memory_space<vmem_shared>>
      %dma_start3A_175 = arith.constant 0 : i32
      %dma_start3A_176 = tpu.memref_slice %arg8[%add3A_38, %dma_start3A_175] : memref<10112x128xf32, #tpu.memory_space<vmem_shared>> -> memref<16x128xf32, #tpu.memory_space<vmem_shared>>
      %dma_start3A_177 = arith.constant 0 : i32
      %dma_start3A_178 = arith.constant 0 : i32
      %dma_start3A_179 = tpu.memref_slice %arg9[%dma_start3A_177, %dma_start3A_178] : memref<88x128xf32, #tpu.memory_space<vmem>> -> memref<16x128xf32, #tpu.memory_space<vmem>>
      tpu.enqueue_dma source(%dma_start3A_179 : memref<16x128xf32, #tpu.memory_space<vmem>>) target(%dma_start3A_176 : memref<16x128xf32, #tpu.memory_space<vmem_shared>>) target_semaphore(%run_scoped3A : memref<!tpu.dma_semaphore, #tpu.memory_space<semaphore_mem>>)
      %dma_wait3A = arith.constant 0 : i32
      %dma_wait3A_180 = arith.constant 0 : i32
      %dma_wait3A_181 = tpu.memref_slice %arg9[%dma_wait3A, %dma_wait3A_180] : memref<88x128xf32, #tpu.memory_space<vmem>> -> memref<16x128xf32, #tpu.memory_space<vmem>>
      %dma_wait3A_182 = arith.constant 0 : i32
      %dma_wait3A_183 = tpu.memref_slice %arg8[%add3A_38, %dma_wait3A_182] : memref<10112x128xf32, #tpu.memory_space<vmem_shared>> -> memref<16x128xf32, #tpu.memory_space<vmem_shared>>
      %dma_wait3A_184 = arith.constant 0 : i32
      %dma_wait3A_185 = tpu.memref_slice %arg8[%add3A_38, %dma_wait3A_184] : memref<10112x128xf32, #tpu.memory_space<vmem_shared>> -> memref<16x128xf32, #tpu.memory_space<vmem_shared>>
      %dma_wait3A_186 = arith.constant 0 : i32
      %dma_wait3A_187 = arith.constant 0 : i32
      %dma_wait3A_188 = tpu.memref_slice %arg9[%dma_wait3A_186, %dma_wait3A_187] : memref<88x128xf32, #tpu.memory_space<vmem>> -> memref<16x128xf32, #tpu.memory_space<vmem>>
      tpu.wait_dma2 semaphore(%run_scoped3A : memref<!tpu.dma_semaphore, #tpu.memory_space<semaphore_mem>>) src(%dma_wait3A_188 : memref<16x128xf32, #tpu.memory_space<vmem>>) dst(%dma_wait3A_185 : memref<16x128xf32, #tpu.memory_space<vmem_shared>>)
      tpu.yield
    }) : () -> ()
    %barrier3A = arith.constant 0 : index
    tpu.barrier barrier_id(%barrier3A)
    %eq3A = arith.constant 0 : i32
    %eq3A_39 = arith.cmpi eq, %arg0, %eq3A : i32
    %jit3A = arith.constant 142 : i32
    %jit3A_40 = arith.constant 86 : i32
    %select_n3A = arith.select %eq3A_39, %jit3A, %jit3A_40 : i32
    %dma_start3A = arith.constant 0 : i32
    %dma_start3A_41 = arith.constant 0 : i32
    %dma_start3A_42 = tpu.memref_slice %arg6[%dma_start3A, %dma_start3A_41] : memref<142x88xi32, #tpu.memory_space<vmem>> -> memref<1x88xi32, #tpu.memory_space<vmem>>
    %dma_start3A_43 = tpu.memref_squeeze %dma_start3A_42 : memref<1x88xi32, #tpu.memory_space<vmem>> -> memref<88xi32, #tpu.memory_space<vmem>>
    %dma_start3A_44 = arith.constant 0 : i32
    %dma_start3A_45 = arith.constant 0 : i32
    %dma_start3A_46 = tpu.memref_slice %arg2[%dma_start3A_44, %dma_start3A_45] : memref<10000x128xf32, #tpu.memory_space<hbm>> -> memref<10000x128xf32, #tpu.memory_space<hbm>>
    tpu.enqueue_indirect_dma source(%dma_start3A_46 : memref<10000x128xf32, #tpu.memory_space<hbm>>) target(%arg9 : memref<88x128xf32, #tpu.memory_space<vmem>>) offsets(%dma_start3A_43 : memref<88xi32, #tpu.memory_space<vmem>>) semaphore(%arg11 : memref<!tpu.dma_semaphore, #tpu.memory_space<semaphore_mem>>)
    %dma_start3A_47 = arith.constant 1 : i32
    %dma_start3A_48 = arith.constant 0 : i32
    %dma_start3A_49 = tpu.memref_slice %arg6[%dma_start3A_47, %dma_start3A_48] : memref<142x88xi32, #tpu.memory_space<vmem>> -> memref<1x88xi32, #tpu.memory_space<vmem>>
    %dma_start3A_50 = tpu.memref_squeeze %dma_start3A_49 : memref<1x88xi32, #tpu.memory_space<vmem>> -> memref<88xi32, #tpu.memory_space<vmem>>
    %dma_start3A_51 = arith.constant 0 : i32
    %dma_start3A_52 = arith.constant 0 : i32
    %dma_start3A_53 = tpu.memref_slice %arg2[%dma_start3A_51, %dma_start3A_52] : memref<10000x128xf32, #tpu.memory_space<hbm>> -> memref<10000x128xf32, #tpu.memory_space<hbm>>
    tpu.enqueue_indirect_dma source(%dma_start3A_53 : memref<10000x128xf32, #tpu.memory_space<hbm>>) target(%arg10 : memref<88x128xf32, #tpu.memory_space<vmem>>) offsets(%dma_start3A_50 : memref<88xi32, #tpu.memory_space<vmem>>) semaphore(%arg12 : memref<!tpu.dma_semaphore, #tpu.memory_space<semaphore_mem>>)
    %jit3A_54 = arith.constant 2 : i32
    %div3A = arith.divsi %select_n3A, %jit3A_54 : i32
    %sign3A = arith.constant 0 : i32
    %sign3A_55 = arith.cmpi sgt, %select_n3A, %sign3A : i32
    %sign3A_56 = arith.extui %sign3A_55 : i1 to i32
    %sign3A_57 = arith.constant 0 : i32
    %sign3A_58 = arith.cmpi slt, %select_n3A, %sign3A_57 : i32
    %sign3A_59 = arith.extui %sign3A_58 : i1 to i32
    %sign3A_60 = arith.subi %sign3A_56, %sign3A_59 : i32
    %sign3A_61 = arith.constant 0 : i32
    %sign3A_62 = arith.cmpi sgt, %jit3A_54, %sign3A_61 : i32
    %sign3A_63 = arith.extui %sign3A_62 : i1 to i32
    %sign3A_64 = arith.constant 0 : i32
    %sign3A_65 = arith.cmpi slt, %jit3A_54, %sign3A_64 : i32
    %sign3A_66 = arith.extui %sign3A_65 : i1 to i32
    %sign3A_67 = arith.subi %sign3A_63, %sign3A_66 : i32
    %ne3A = arith.cmpi ne, %sign3A_60, %sign3A_67 : i32
    %rem3A = arith.remsi %select_n3A, %jit3A_54 : i32
    %ne3A_68 = arith.constant 0 : i32
    %ne3A_69 = arith.cmpi ne, %rem3A, %ne3A_68 : i32
    %and3A = arith.andi %ne3A, %ne3A_69 : i1
    %sub3A = arith.constant 1 : i32
    %sub3A_70 = arith.subi %div3A, %sub3A : i32
    %select_n3A_71 = arith.select %and3A, %sub3A_70, %div3A : i32
    %while3A = arith.constant 0 : i32
    %while3A_72 = arith.constant 0 : i32
    %while3A_73 = arith.subi %select_n3A_71, %while3A_72 : i32
    %while3A_74 = arith.addi %while3A_72, %while3A_73 : i32
    %while3A_75 = arith.constant 1 : i32
    %while3A_76 = arith.divsi %while3A_73, %while3A_75 : i32
    %while3A_77 = arith.muli %while3A_76, %while3A_75 : i32
    %while3A_78 = arith.addi %while3A_72, %while3A_77 : i32
    %while3A_79 = arith.constant 1 : i32
    scf.for %while3A_170 = %while3A_72 to %while3A_78 step %while3A_79  : i32 {
      %mul3A_171 = arith.constant 2 : i32
      %mul3A_172 = arith.muli %while3A_170, %mul3A_171 : i32
      %add3A_173 = arith.constant 0 : i32
      %add3A_174 = arith.addi %mul3A_172, %add3A_173 : i32
      %dma_wait3A = arith.constant 0 : i32
      %dma_wait3A_175 = arith.constant 0 : i32
      %dma_wait3A_176 = tpu.memref_slice %arg6[%dma_wait3A, %dma_wait3A_175] : memref<142x88xi32, #tpu.memory_space<vmem>> -> memref<1x88xi32, #tpu.memory_space<vmem>>
      %dma_wait3A_177 = tpu.memref_squeeze %dma_wait3A_176 : memref<1x88xi32, #tpu.memory_space<vmem>> -> memref<88xi32, #tpu.memory_space<vmem>>
      %dma_wait3A_178 = arith.constant 0 : i32
      %dma_wait3A_179 = arith.constant 0 : i32
      %dma_wait3A_180 = tpu.memref_slice %arg2[%dma_wait3A_178, %dma_wait3A_179] : memref<10000x128xf32, #tpu.memory_space<hbm>> -> memref<10000x128xf32, #tpu.memory_space<hbm>>
      tpu.wait_indirect_dma semaphore(%arg11 : memref<!tpu.dma_semaphore, #tpu.memory_space<semaphore_mem>>) src(%dma_wait3A_180 : memref<10000x128xf32, #tpu.memory_space<hbm>>) dst(%arg9 : memref<88x128xf32, #tpu.memory_space<vmem>>)
      "tpu.region"() ({
        %run_scoped3A = tpu.sem_alloc : memref<!tpu.dma_semaphore, #tpu.memory_space<semaphore_mem>>
        %dma_start3A_201 = arith.constant 0 : i32
        %dma_start3A_202 = tpu.memref_slice %arg7[%add3A_174, %dma_start3A_201] : memref<142x88xi32, #tpu.memory_space<vmem>> -> memref<1x88xi32, #tpu.memory_space<vmem>>
        %dma_start3A_203 = tpu.memref_squeeze %dma_start3A_202 : memref<1x88xi32, #tpu.memory_space<vmem>> -> memref<88xi32, #tpu.memory_space<vmem>>
        %dma_start3A_204 = arith.constant 0 : i32
        %dma_start3A_205 = arith.constant 0 : i32
        %dma_start3A_206 = tpu.memref_slice %arg8[%dma_start3A_204, %dma_start3A_205] : memref<10112x128xf32, #tpu.memory_space<vmem_shared>> -> memref<10112x128xf32, #tpu.memory_space<vmem_shared>>
        tpu.enqueue_indirect_dma source(%arg9 : memref<88x128xf32, #tpu.memory_space<vmem>>) target(%dma_start3A_206 : memref<10112x128xf32, #tpu.memory_space<vmem_shared>>) offsets(%dma_start3A_203 : memref<88xi32, #tpu.memory_space<vmem>>) semaphore(%run_scoped3A : memref<!tpu.dma_semaphore, #tpu.memory_space<semaphore_mem>>) {add = true}
        %dma_wait3A_207 = arith.constant 0 : i32
        %dma_wait3A_208 = tpu.memref_slice %arg7[%add3A_174, %dma_wait3A_207] : memref<142x88xi32, #tpu.memory_space<vmem>> -> memref<1x88xi32, #tpu.memory_space<vmem>>
        %dma_wait3A_209 = tpu.memref_squeeze %dma_wait3A_208 : memref<1x88xi32, #tpu.memory_space<vmem>> -> memref<88xi32, #tpu.memory_space<vmem>>
        %dma_wait3A_210 = arith.constant 0 : i32
        %dma_wait3A_211 = arith.constant 0 : i32
        %dma_wait3A_212 = tpu.memref_slice %arg8[%dma_wait3A_210, %dma_wait3A_211] : memref<10112x128xf32, #tpu.memory_space<vmem_shared>> -> memref<10112x128xf32, #tpu.memory_space<vmem_shared>>
        tpu.wait_indirect_dma semaphore(%run_scoped3A : memref<!tpu.dma_semaphore, #tpu.memory_space<semaphore_mem>>) src(%arg9 : memref<88x128xf32, #tpu.memory_space<vmem>>) dst(%dma_wait3A_212 : memref<10112x128xf32, #tpu.memory_space<vmem_shared>>)
        tpu.yield
      }) : () -> ()
      %add3A_181 = arith.constant 2 : i32
      %add3A_182 = arith.addi %add3A_174, %add3A_181 : i32
      %lt3A = arith.cmpi slt, %add3A_182, %select_n3A : i32
      %convert_element_type3A = arith.extui %lt3A : i1 to i32
      %cond3A = arith.constant 0 : i32
      %cond3A_183 = arith.cmpi ne, %convert_element_type3A, %cond3A : i32
      scf.if %cond3A_183 {
        %add3A_201 = arith.constant 2 : i32
        %add3A_202 = arith.addi %add3A_174, %add3A_201 : i32
        %dma_start3A_203 = arith.constant 0 : i32
        %dma_start3A_204 = tpu.memref_slice %arg6[%add3A_202, %dma_start3A_203] : memref<142x88xi32, #tpu.memory_space<vmem>> -> memref<1x88xi32, #tpu.memory_space<vmem>>
        %dma_start3A_205 = tpu.memref_squeeze %dma_start3A_204 : memref<1x88xi32, #tpu.memory_space<vmem>> -> memref<88xi32, #tpu.memory_space<vmem>>
        %dma_start3A_206 = arith.constant 0 : i32
        %dma_start3A_207 = arith.constant 0 : i32
        %dma_start3A_208 = tpu.memref_slice %arg2[%dma_start3A_206, %dma_start3A_207] : memref<10000x128xf32, #tpu.memory_space<hbm>> -> memref<10000x128xf32, #tpu.memory_space<hbm>>
        tpu.enqueue_indirect_dma source(%dma_start3A_208 : memref<10000x128xf32, #tpu.memory_space<hbm>>) target(%arg9 : memref<88x128xf32, #tpu.memory_space<vmem>>) offsets(%dma_start3A_205 : memref<88xi32, #tpu.memory_space<vmem>>) semaphore(%arg11 : memref<!tpu.dma_semaphore, #tpu.memory_space<semaphore_mem>>)
      } else {
      }
      %mul3A_184 = arith.constant 2 : i32
      %mul3A_185 = arith.muli %while3A_170, %mul3A_184 : i32
      %add3A_186 = arith.constant 1 : i32
      %add3A_187 = arith.addi %mul3A_185, %add3A_186 : i32
      %dma_wait3A_188 = arith.constant 0 : i32
      %dma_wait3A_189 = arith.constant 0 : i32
      %dma_wait3A_190 = tpu.memref_slice %arg6[%dma_wait3A_188, %dma_wait3A_189] : memref<142x88xi32, #tpu.memory_space<vmem>> -> memref<1x88xi32, #tpu.memory_space<vmem>>
      %dma_wait3A_191 = tpu.memref_squeeze %dma_wait3A_190 : memref<1x88xi32, #tpu.memory_space<vmem>> -> memref<88xi32, #tpu.memory_space<vmem>>
      %dma_wait3A_192 = arith.constant 0 : i32
      %dma_wait3A_193 = arith.constant 0 : i32
      %dma_wait3A_194 = tpu.memref_slice %arg2[%dma_wait3A_192, %dma_wait3A_193] : memref<10000x128xf32, #tpu.memory_space<hbm>> -> memref<10000x128xf32, #tpu.memory_space<hbm>>
      tpu.wait_indirect_dma semaphore(%arg12 : memref<!tpu.dma_semaphore, #tpu.memory_space<semaphore_mem>>) src(%dma_wait3A_194 : memref<10000x128xf32, #tpu.memory_space<hbm>>) dst(%arg10 : memref<88x128xf32, #tpu.memory_space<vmem>>)
      "tpu.region"() ({
        %run_scoped3A = tpu.sem_alloc : memref<!tpu.dma_semaphore, #tpu.memory_space<semaphore_mem>>
        %dma_start3A_201 = arith.constant 0 : i32
        %dma_start3A_202 = tpu.memref_slice %arg7[%add3A_187, %dma_start3A_201] : memref<142x88xi32, #tpu.memory_space<vmem>> -> memref<1x88xi32, #tpu.memory_space<vmem>>
        %dma_start3A_203 = tpu.memref_squeeze %dma_start3A_202 : memref<1x88xi32, #tpu.memory_space<vmem>> -> memref<88xi32, #tpu.memory_space<vmem>>
        %dma_start3A_204 = arith.constant 0 : i32
        %dma_start3A_205 = arith.constant 0 : i32
        %dma_start3A_206 = tpu.memref_slice %arg8[%dma_start3A_204, %dma_start3A_205] : memref<10112x128xf32, #tpu.memory_space<vmem_shared>> -> memref<10112x128xf32, #tpu.memory_space<vmem_shared>>
        tpu.enqueue_indirect_dma source(%arg10 : memref<88x128xf32, #tpu.memory_space<vmem>>) target(%dma_start3A_206 : memref<10112x128xf32, #tpu.memory_space<vmem_shared>>) offsets(%dma_start3A_203 : memref<88xi32, #tpu.memory_space<vmem>>) semaphore(%run_scoped3A : memref<!tpu.dma_semaphore, #tpu.memory_space<semaphore_mem>>) {add = true}
        %dma_wait3A_207 = arith.constant 0 : i32
        %dma_wait3A_208 = tpu.memref_slice %arg7[%add3A_187, %dma_wait3A_207] : memref<142x88xi32, #tpu.memory_space<vmem>> -> memref<1x88xi32, #tpu.memory_space<vmem>>
        %dma_wait3A_209 = tpu.memref_squeeze %dma_wait3A_208 : memref<1x88xi32, #tpu.memory_space<vmem>> -> memref<88xi32, #tpu.memory_space<vmem>>
        %dma_wait3A_210 = arith.constant 0 : i32
        %dma_wait3A_211 = arith.constant 0 : i32
        %dma_wait3A_212 = tpu.memref_slice %arg8[%dma_wait3A_210, %dma_wait3A_211] : memref<10112x128xf32, #tpu.memory_space<vmem_shared>> -> memref<10112x128xf32, #tpu.memory_space<vmem_shared>>
        tpu.wait_indirect_dma semaphore(%run_scoped3A : memref<!tpu.dma_semaphore, #tpu.memory_space<semaphore_mem>>) src(%arg10 : memref<88x128xf32, #tpu.memory_space<vmem>>) dst(%dma_wait3A_212 : memref<10112x128xf32, #tpu.memory_space<vmem_shared>>)
        tpu.yield
      }) : () -> ()
      %add3A_195 = arith.constant 2 : i32
      %add3A_196 = arith.addi %add3A_187, %add3A_195 : i32
      %lt3A_197 = arith.cmpi slt, %add3A_196, %select_n3A : i32
      %convert_element_type3A_198 = arith.extui %lt3A_197 : i1 to i32
      %cond3A_199 = arith.constant 0 : i32
      %cond3A_200 = arith.cmpi ne, %convert_element_type3A_198, %cond3A_199 : i32
      scf.if %cond3A_200 {
        %add3A_201 = arith.constant 2 : i32
        %add3A_202 = arith.addi %add3A_187, %add3A_201 : i32
        %dma_start3A_203 = arith.constant 0 : i32
        %dma_start3A_204 = tpu.memref_slice %arg6[%add3A_202, %dma_start3A_203] : memref<142x88xi32, #tpu.memory_space<vmem>> -> memref<1x88xi32, #tpu.memory_space<vmem>>
        %dma_start3A_205 = tpu.memref_squeeze %dma_start3A_204 : memref<1x88xi32, #tpu.memory_space<vmem>> -> memref<88xi32, #tpu.memory_space<vmem>>
        %dma_start3A_206 = arith.constant 0 : i32
        %dma_start3A_207 = arith.constant 0 : i32
        %dma_start3A_208 = tpu.memref_slice %arg2[%dma_start3A_206, %dma_start3A_207] : memref<10000x128xf32, #tpu.memory_space<hbm>> -> memref<10000x128xf32, #tpu.memory_space<hbm>>
        tpu.enqueue_indirect_dma source(%dma_start3A_208 : memref<10000x128xf32, #tpu.memory_space<hbm>>) target(%arg10 : memref<88x128xf32, #tpu.memory_space<vmem>>) offsets(%dma_start3A_205 : memref<88xi32, #tpu.memory_space<vmem>>) semaphore(%arg12 : memref<!tpu.dma_semaphore, #tpu.memory_space<semaphore_mem>>)
      } else {
      }
    }
    %while3A_80 = arith.constant 1 : i32
    scf.for %while3A_170 = %while3A_78 to %while3A_74 step %while3A_80  : i32 {
      %mul3A_171 = arith.constant 2 : i32
      %mul3A_172 = arith.muli %while3A_170, %mul3A_171 : i32
      %add3A_173 = arith.constant 0 : i32
      %add3A_174 = arith.addi %mul3A_172, %add3A_173 : i32
      %dma_wait3A = arith.constant 0 : i32
      %dma_wait3A_175 = arith.constant 0 : i32
      %dma_wait3A_176 = tpu.memref_slice %arg6[%dma_wait3A, %dma_wait3A_175] : memref<142x88xi32, #tpu.memory_space<vmem>> -> memref<1x88xi32, #tpu.memory_space<vmem>>
      %dma_wait3A_177 = tpu.memref_squeeze %dma_wait3A_176 : memref<1x88xi32, #tpu.memory_space<vmem>> -> memref<88xi32, #tpu.memory_space<vmem>>
      %dma_wait3A_178 = arith.constant 0 : i32
      %dma_wait3A_179 = arith.constant 0 : i32
      %dma_wait3A_180 = tpu.memref_slice %arg2[%dma_wait3A_178, %dma_wait3A_179] : memref<10000x128xf32, #tpu.memory_space<hbm>> -> memref<10000x128xf32, #tpu.memory_space<hbm>>
      tpu.wait_indirect_dma semaphore(%arg11 : memref<!tpu.dma_semaphore, #tpu.memory_space<semaphore_mem>>) src(%dma_wait3A_180 : memref<10000x128xf32, #tpu.memory_space<hbm>>) dst(%arg9 : memref<88x128xf32, #tpu.memory_space<vmem>>)
      "tpu.region"() ({
        %run_scoped3A = tpu.sem_alloc : memref<!tpu.dma_semaphore, #tpu.memory_space<semaphore_mem>>
        %dma_start3A_201 = arith.constant 0 : i32
        %dma_start3A_202 = tpu.memref_slice %arg7[%add3A_174, %dma_start3A_201] : memref<142x88xi32, #tpu.memory_space<vmem>> -> memref<1x88xi32, #tpu.memory_space<vmem>>
        %dma_start3A_203 = tpu.memref_squeeze %dma_start3A_202 : memref<1x88xi32, #tpu.memory_space<vmem>> -> memref<88xi32, #tpu.memory_space<vmem>>
        %dma_start3A_204 = arith.constant 0 : i32
        %dma_start3A_205 = arith.constant 0 : i32
        %dma_start3A_206 = tpu.memref_slice %arg8[%dma_start3A_204, %dma_start3A_205] : memref<10112x128xf32, #tpu.memory_space<vmem_shared>> -> memref<10112x128xf32, #tpu.memory_space<vmem_shared>>
        tpu.enqueue_indirect_dma source(%arg9 : memref<88x128xf32, #tpu.memory_space<vmem>>) target(%dma_start3A_206 : memref<10112x128xf32, #tpu.memory_space<vmem_shared>>) offsets(%dma_start3A_203 : memref<88xi32, #tpu.memory_space<vmem>>) semaphore(%run_scoped3A : memref<!tpu.dma_semaphore, #tpu.memory_space<semaphore_mem>>) {add = true}
        %dma_wait3A_207 = arith.constant 0 : i32
        %dma_wait3A_208 = tpu.memref_slice %arg7[%add3A_174, %dma_wait3A_207] : memref<142x88xi32, #tpu.memory_space<vmem>> -> memref<1x88xi32, #tpu.memory_space<vmem>>
        %dma_wait3A_209 = tpu.memref_squeeze %dma_wait3A_208 : memref<1x88xi32, #tpu.memory_space<vmem>> -> memref<88xi32, #tpu.memory_space<vmem>>
        %dma_wait3A_210 = arith.constant 0 : i32
        %dma_wait3A_211 = arith.constant 0 : i32
        %dma_wait3A_212 = tpu.memref_slice %arg8[%dma_wait3A_210, %dma_wait3A_211] : memref<10112x128xf32, #tpu.memory_space<vmem_shared>> -> memref<10112x128xf32, #tpu.memory_space<vmem_shared>>
        tpu.wait_indirect_dma semaphore(%run_scoped3A : memref<!tpu.dma_semaphore, #tpu.memory_space<semaphore_mem>>) src(%arg9 : memref<88x128xf32, #tpu.memory_space<vmem>>) dst(%dma_wait3A_212 : memref<10112x128xf32, #tpu.memory_space<vmem_shared>>)
        tpu.yield
      }) : () -> ()
      %add3A_181 = arith.constant 2 : i32
      %add3A_182 = arith.addi %add3A_174, %add3A_181 : i32
      %lt3A = arith.cmpi slt, %add3A_182, %select_n3A : i32
      %convert_element_type3A = arith.extui %lt3A : i1 to i32
      %cond3A = arith.constant 0 : i32
      %cond3A_183 = arith.cmpi ne, %convert_element_type3A, %cond3A : i32
      scf.if %cond3A_183 {
        %add3A_201 = arith.constant 2 : i32
        %add3A_202 = arith.addi %add3A_174, %add3A_201 : i32
        %dma_start3A_203 = arith.constant 0 : i32
        %dma_start3A_204 = tpu.memref_slice %arg6[%add3A_202, %dma_start3A_203] : memref<142x88xi32, #tpu.memory_space<vmem>> -> memref<1x88xi32, #tpu.memory_space<vmem>>
        %dma_start3A_205 = tpu.memref_squeeze %dma_start3A_204 : memref<1x88xi32, #tpu.memory_space<vmem>> -> memref<88xi32, #tpu.memory_space<vmem>>
        %dma_start3A_206 = arith.constant 0 : i32
        %dma_start3A_207 = arith.constant 0 : i32
        %dma_start3A_208 = tpu.memref_slice %arg2[%dma_start3A_206, %dma_start3A_207] : memref<10000x128xf32, #tpu.memory_space<hbm>> -> memref<10000x128xf32, #tpu.memory_space<hbm>>
        tpu.enqueue_indirect_dma source(%dma_start3A_208 : memref<10000x128xf32, #tpu.memory_space<hbm>>) target(%arg9 : memref<88x128xf32, #tpu.memory_space<vmem>>) offsets(%dma_start3A_205 : memref<88xi32, #tpu.memory_space<vmem>>) semaphore(%arg11 : memref<!tpu.dma_semaphore, #tpu.memory_space<semaphore_mem>>)
      } else {
      }
      %mul3A_184 = arith.constant 2 : i32
      %mul3A_185 = arith.muli %while3A_170, %mul3A_184 : i32
      %add3A_186 = arith.constant 1 : i32
      %add3A_187 = arith.addi %mul3A_185, %add3A_186 : i32
      %dma_wait3A_188 = arith.constant 0 : i32
      %dma_wait3A_189 = arith.constant 0 : i32
      %dma_wait3A_190 = tpu.memref_slice %arg6[%dma_wait3A_188, %dma_wait3A_189] : memref<142x88xi32, #tpu.memory_space<vmem>> -> memref<1x88xi32, #tpu.memory_space<vmem>>
      %dma_wait3A_191 = tpu.memref_squeeze %dma_wait3A_190 : memref<1x88xi32, #tpu.memory_space<vmem>> -> memref<88xi32, #tpu.memory_space<vmem>>
      %dma_wait3A_192 = arith.constant 0 : i32
      %dma_wait3A_193 = arith.constant 0 : i32
      %dma_wait3A_194 = tpu.memref_slice %arg2[%dma_wait3A_192, %dma_wait3A_193] : memref<10000x128xf32, #tpu.memory_space<hbm>> -> memref<10000x128xf32, #tpu.memory_space<hbm>>
      tpu.wait_indirect_dma semaphore(%arg12 : memref<!tpu.dma_semaphore, #tpu.memory_space<semaphore_mem>>) src(%dma_wait3A_194 : memref<10000x128xf32, #tpu.memory_space<hbm>>) dst(%arg10 : memref<88x128xf32, #tpu.memory_space<vmem>>)
      "tpu.region"() ({
        %run_scoped3A = tpu.sem_alloc : memref<!tpu.dma_semaphore, #tpu.memory_space<semaphore_mem>>
        %dma_start3A_201 = arith.constant 0 : i32
        %dma_start3A_202 = tpu.memref_slice %arg7[%add3A_187, %dma_start3A_201] : memref<142x88xi32, #tpu.memory_space<vmem>> -> memref<1x88xi32, #tpu.memory_space<vmem>>
        %dma_start3A_203 = tpu.memref_squeeze %dma_start3A_202 : memref<1x88xi32, #tpu.memory_space<vmem>> -> memref<88xi32, #tpu.memory_space<vmem>>
        %dma_start3A_204 = arith.constant 0 : i32
        %dma_start3A_205 = arith.constant 0 : i32
        %dma_start3A_206 = tpu.memref_slice %arg8[%dma_start3A_204, %dma_start3A_205] : memref<10112x128xf32, #tpu.memory_space<vmem_shared>> -> memref<10112x128xf32, #tpu.memory_space<vmem_shared>>
        tpu.enqueue_indirect_dma source(%arg10 : memref<88x128xf32, #tpu.memory_space<vmem>>) target(%dma_start3A_206 : memref<10112x128xf32, #tpu.memory_space<vmem_shared>>) offsets(%dma_start3A_203 : memref<88xi32, #tpu.memory_space<vmem>>) semaphore(%run_scoped3A : memref<!tpu.dma_semaphore, #tpu.memory_space<semaphore_mem>>) {add = true}
        %dma_wait3A_207 = arith.constant 0 : i32
        %dma_wait3A_208 = tpu.memref_slice %arg7[%add3A_187, %dma_wait3A_207] : memref<142x88xi32, #tpu.memory_space<vmem>> -> memref<1x88xi32, #tpu.memory_space<vmem>>
        %dma_wait3A_209 = tpu.memref_squeeze %dma_wait3A_208 : memref<1x88xi32, #tpu.memory_space<vmem>> -> memref<88xi32, #tpu.memory_space<vmem>>
        %dma_wait3A_210 = arith.constant 0 : i32
        %dma_wait3A_211 = arith.constant 0 : i32
        %dma_wait3A_212 = tpu.memref_slice %arg8[%dma_wait3A_210, %dma_wait3A_211] : memref<10112x128xf32, #tpu.memory_space<vmem_shared>> -> memref<10112x128xf32, #tpu.memory_space<vmem_shared>>
        tpu.wait_indirect_dma semaphore(%run_scoped3A : memref<!tpu.dma_semaphore, #tpu.memory_space<semaphore_mem>>) src(%arg10 : memref<88x128xf32, #tpu.memory_space<vmem>>) dst(%dma_wait3A_212 : memref<10112x128xf32, #tpu.memory_space<vmem_shared>>)
        tpu.yield
      }) : () -> ()
      %add3A_195 = arith.constant 2 : i32
      %add3A_196 = arith.addi %add3A_187, %add3A_195 : i32
      %lt3A_197 = arith.cmpi slt, %add3A_196, %select_n3A : i32
      %convert_element_type3A_198 = arith.extui %lt3A_197 : i1 to i32
      %cond3A_199 = arith.constant 0 : i32
      %cond3A_200 = arith.cmpi ne, %convert_element_type3A_198, %cond3A_199 : i32
      scf.if %cond3A_200 {
        %add3A_201 = arith.constant 2 : i32
        %add3A_202 = arith.addi %add3A_187, %add3A_201 : i32
        %dma_start3A_203 = arith.constant 0 : i32
        %dma_start3A_204 = tpu.memref_slice %arg6[%add3A_202, %dma_start3A_203] : memref<142x88xi32, #tpu.memory_space<vmem>> -> memref<1x88xi32, #tpu.memory_space<vmem>>
        %dma_start3A_205 = tpu.memref_squeeze %dma_start3A_204 : memref<1x88xi32, #tpu.memory_space<vmem>> -> memref<88xi32, #tpu.memory_space<vmem>>
        %dma_start3A_206 = arith.constant 0 : i32
        %dma_start3A_207 = arith.constant 0 : i32
        %dma_start3A_208 = tpu.memref_slice %arg2[%dma_start3A_206, %dma_start3A_207] : memref<10000x128xf32, #tpu.memory_space<hbm>> -> memref<10000x128xf32, #tpu.memory_space<hbm>>
        tpu.enqueue_indirect_dma source(%dma_start3A_208 : memref<10000x128xf32, #tpu.memory_space<hbm>>) target(%arg10 : memref<88x128xf32, #tpu.memory_space<vmem>>) offsets(%dma_start3A_205 : memref<88xi32, #tpu.memory_space<vmem>>) semaphore(%arg12 : memref<!tpu.dma_semaphore, #tpu.memory_space<semaphore_mem>>)
      } else {
      }
    }
    %barrier3A_81 = arith.constant 0 : index
    tpu.barrier barrier_id(%barrier3A_81)
    %mul3A_82 = arith.constant 632 : i32
    %mul3A_83 = arith.muli %arg1, %mul3A_82 : i32
    %add3A_84 = arith.constant 0 : i32
    %add3A_85 = arith.addi %mul3A_83, %add3A_84 : i32
    "tpu.region"() ({
      %run_scoped3A = tpu.sem_alloc : memref<!tpu.dma_semaphore, #tpu.memory_space<semaphore_mem>>
      %dma_start3A_170 = arith.constant 0 : i32
      %dma_start3A_171 = tpu.memref_slice %arg8[%add3A_85, %dma_start3A_170] : memref<10112x128xf32, #tpu.memory_space<vmem_shared>> -> memref<88x128xf32, #tpu.memory_space<vmem_shared>>
      %dma_start3A_172 = arith.constant 0 : i32
      %dma_start3A_173 = tpu.memref_slice %arg8[%add3A_85, %dma_start3A_172] : memref<10112x128xf32, #tpu.memory_space<vmem_shared>> -> memref<88x128xf32, #tpu.memory_space<vmem_shared>>
      tpu.enqueue_dma source(%dma_start3A_173 : memref<88x128xf32, #tpu.memory_space<vmem_shared>>) target(%arg9 : memref<88x128xf32, #tpu.memory_space<vmem>>) target_semaphore(%run_scoped3A : memref<!tpu.dma_semaphore, #tpu.memory_space<semaphore_mem>>)
      %dma_wait3A = arith.constant 0 : i32
      %dma_wait3A_174 = tpu.memref_slice %arg8[%add3A_85, %dma_wait3A] : memref<10112x128xf32, #tpu.memory_space<vmem_shared>> -> memref<88x128xf32, #tpu.memory_space<vmem_shared>>
      %dma_wait3A_175 = arith.constant 0 : i32
      %dma_wait3A_176 = tpu.memref_slice %arg8[%add3A_85, %dma_wait3A_175] : memref<10112x128xf32, #tpu.memory_space<vmem_shared>> -> memref<88x128xf32, #tpu.memory_space<vmem_shared>>
      tpu.wait_dma2 semaphore(%run_scoped3A : memref<!tpu.dma_semaphore, #tpu.memory_space<semaphore_mem>>) src(%dma_wait3A_176 : memref<88x128xf32, #tpu.memory_space<vmem_shared>>) dst(%arg9 : memref<88x128xf32, #tpu.memory_space<vmem>>)
      tpu.yield
    }) : () -> ()
    %mul3A_86 = arith.constant 10112 : i32
    %mul3A_87 = arith.muli %arg0, %mul3A_86 : i32
    %mul3A_88 = arith.constant 632 : i32
    %mul3A_89 = arith.muli %arg1, %mul3A_88 : i32
    %add3A_90 = arith.addi %mul3A_87, %mul3A_89 : i32
    %add3A_91 = arith.constant 0 : i32
    %add3A_92 = arith.addi %add3A_90, %add3A_91 : i32
    "tpu.region"() ({
      %run_scoped3A = tpu.sem_alloc : memref<!tpu.dma_semaphore, #tpu.memory_space<semaphore_mem>>
      %dma_start3A_170 = arith.constant 0 : i32
      %dma_start3A_171 = tpu.memref_slice %arg5[%add3A_92, %dma_start3A_170] : memref<20224x128xf32, #tpu.memory_space<hbm>> -> memref<88x128xf32, #tpu.memory_space<hbm>>
      %dma_start3A_172 = arith.constant 0 : i32
      %dma_start3A_173 = tpu.memref_slice %arg5[%add3A_92, %dma_start3A_172] : memref<20224x128xf32, #tpu.memory_space<hbm>> -> memref<88x128xf32, #tpu.memory_space<hbm>>
      tpu.enqueue_dma source(%arg9 : memref<88x128xf32, #tpu.memory_space<vmem>>) target(%dma_start3A_173 : memref<88x128xf32, #tpu.memory_space<hbm>>) target_semaphore(%run_scoped3A : memref<!tpu.dma_semaphore, #tpu.memory_space<semaphore_mem>>)
      %dma_wait3A = arith.constant 0 : i32
      %dma_wait3A_174 = tpu.memref_slice %arg5[%add3A_92, %dma_wait3A] : memref<20224x128xf32, #tpu.memory_space<hbm>> -> memref<88x128xf32, #tpu.memory_space<hbm>>
      %dma_wait3A_175 = arith.constant 0 : i32
      %dma_wait3A_176 = tpu.memref_slice %arg5[%add3A_92, %dma_wait3A_175] : memref<20224x128xf32, #tpu.memory_space<hbm>> -> memref<88x128xf32, #tpu.memory_space<hbm>>
      tpu.wait_dma2 semaphore(%run_scoped3A : memref<!tpu.dma_semaphore, #tpu.memory_space<semaphore_mem>>) src(%arg9 : memref<88x128xf32, #tpu.memory_space<vmem>>) dst(%dma_wait3A_176 : memref<88x128xf32, #tpu.memory_space<hbm>>)
      tpu.yield
    }) : () -> ()
    %mul3A_93 = arith.constant 632 : i32
    %mul3A_94 = arith.muli %arg1, %mul3A_93 : i32
    %add3A_95 = arith.constant 88 : i32
    %add3A_96 = arith.addi %mul3A_94, %add3A_95 : i32
    "tpu.region"() ({
      %run_scoped3A = tpu.sem_alloc : memref<!tpu.dma_semaphore, #tpu.memory_space<semaphore_mem>>
      %dma_start3A_170 = arith.constant 0 : i32
      %dma_start3A_171 = tpu.memref_slice %arg8[%add3A_96, %dma_start3A_170] : memref<10112x128xf32, #tpu.memory_space<vmem_shared>> -> memref<88x128xf32, #tpu.memory_space<vmem_shared>>
      %dma_start3A_172 = arith.constant 0 : i32
      %dma_start3A_173 = tpu.memref_slice %arg8[%add3A_96, %dma_start3A_172] : memref<10112x128xf32, #tpu.memory_space<vmem_shared>> -> memref<88x128xf32, #tpu.memory_space<vmem_shared>>
      tpu.enqueue_dma source(%dma_start3A_173 : memref<88x128xf32, #tpu.memory_space<vmem_shared>>) target(%arg9 : memref<88x128xf32, #tpu.memory_space<vmem>>) target_semaphore(%run_scoped3A : memref<!tpu.dma_semaphore, #tpu.memory_space<semaphore_mem>>)
      %dma_wait3A = arith.constant 0 : i32
      %dma_wait3A_174 = tpu.memref_slice %arg8[%add3A_96, %dma_wait3A] : memref<10112x128xf32, #tpu.memory_space<vmem_shared>> -> memref<88x128xf32, #tpu.memory_space<vmem_shared>>
      %dma_wait3A_175 = arith.constant 0 : i32
      %dma_wait3A_176 = tpu.memref_slice %arg8[%add3A_96, %dma_wait3A_175] : memref<10112x128xf32, #tpu.memory_space<vmem_shared>> -> memref<88x128xf32, #tpu.memory_space<vmem_shared>>
      tpu.wait_dma2 semaphore(%run_scoped3A : memref<!tpu.dma_semaphore, #tpu.memory_space<semaphore_mem>>) src(%dma_wait3A_176 : memref<88x128xf32, #tpu.memory_space<vmem_shared>>) dst(%arg9 : memref<88x128xf32, #tpu.memory_space<vmem>>)
      tpu.yield
    }) : () -> ()
    %mul3A_97 = arith.constant 10112 : i32
    %mul3A_98 = arith.muli %arg0, %mul3A_97 : i32
    %mul3A_99 = arith.constant 632 : i32
    %mul3A_100 = arith.muli %arg1, %mul3A_99 : i32
    %add3A_101 = arith.addi %mul3A_98, %mul3A_100 : i32
    %add3A_102 = arith.constant 88 : i32
    %add3A_103 = arith.addi %add3A_101, %add3A_102 : i32
    "tpu.region"() ({
      %run_scoped3A = tpu.sem_alloc : memref<!tpu.dma_semaphore, #tpu.memory_space<semaphore_mem>>
      %dma_start3A_170 = arith.constant 0 : i32
      %dma_start3A_171 = tpu.memref_slice %arg5[%add3A_103, %dma_start3A_170] : memref<20224x128xf32, #tpu.memory_space<hbm>> -> memref<88x128xf32, #tpu.memory_space<hbm>>
      %dma_start3A_172 = arith.constant 0 : i32
      %dma_start3A_173 = tpu.memref_slice %arg5[%add3A_103, %dma_start3A_172] : memref<20224x128xf32, #tpu.memory_space<hbm>> -> memref<88x128xf32, #tpu.memory_space<hbm>>
      tpu.enqueue_dma source(%arg9 : memref<88x128xf32, #tpu.memory_space<vmem>>) target(%dma_start3A_173 : memref<88x128xf32, #tpu.memory_space<hbm>>) target_semaphore(%run_scoped3A : memref<!tpu.dma_semaphore, #tpu.memory_space<semaphore_mem>>)
      %dma_wait3A = arith.constant 0 : i32
      %dma_wait3A_174 = tpu.memref_slice %arg5[%add3A_103, %dma_wait3A] : memref<20224x128xf32, #tpu.memory_space<hbm>> -> memref<88x128xf32, #tpu.memory_space<hbm>>
      %dma_wait3A_175 = arith.constant 0 : i32
      %dma_wait3A_176 = tpu.memref_slice %arg5[%add3A_103, %dma_wait3A_175] : memref<20224x128xf32, #tpu.memory_space<hbm>> -> memref<88x128xf32, #tpu.memory_space<hbm>>
      tpu.wait_dma2 semaphore(%run_scoped3A : memref<!tpu.dma_semaphore, #tpu.memory_space<semaphore_mem>>) src(%arg9 : memref<88x128xf32, #tpu.memory_space<vmem>>) dst(%dma_wait3A_176 : memref<88x128xf32, #tpu.memory_space<hbm>>)
      tpu.yield
    }) : () -> ()
    %mul3A_104 = arith.constant 632 : i32
    %mul3A_105 = arith.muli %arg1, %mul3A_104 : i32
    %add3A_106 = arith.constant 176 : i32
    %add3A_107 = arith.addi %mul3A_105, %add3A_106 : i32
    "tpu.region"() ({
      %run_scoped3A = tpu.sem_alloc : memref<!tpu.dma_semaphore, #tpu.memory_space<semaphore_mem>>
      %dma_start3A_170 = arith.constant 0 : i32
      %dma_start3A_171 = tpu.memref_slice %arg8[%add3A_107, %dma_start3A_170] : memref<10112x128xf32, #tpu.memory_space<vmem_shared>> -> memref<88x128xf32, #tpu.memory_space<vmem_shared>>
      %dma_start3A_172 = arith.constant 0 : i32
      %dma_start3A_173 = tpu.memref_slice %arg8[%add3A_107, %dma_start3A_172] : memref<10112x128xf32, #tpu.memory_space<vmem_shared>> -> memref<88x128xf32, #tpu.memory_space<vmem_shared>>
      tpu.enqueue_dma source(%dma_start3A_173 : memref<88x128xf32, #tpu.memory_space<vmem_shared>>) target(%arg9 : memref<88x128xf32, #tpu.memory_space<vmem>>) target_semaphore(%run_scoped3A : memref<!tpu.dma_semaphore, #tpu.memory_space<semaphore_mem>>)
      %dma_wait3A = arith.constant 0 : i32
      %dma_wait3A_174 = tpu.memref_slice %arg8[%add3A_107, %dma_wait3A] : memref<10112x128xf32, #tpu.memory_space<vmem_shared>> -> memref<88x128xf32, #tpu.memory_space<vmem_shared>>
      %dma_wait3A_175 = arith.constant 0 : i32
      %dma_wait3A_176 = tpu.memref_slice %arg8[%add3A_107, %dma_wait3A_175] : memref<10112x128xf32, #tpu.memory_space<vmem_shared>> -> memref<88x128xf32, #tpu.memory_space<vmem_shared>>
      tpu.wait_dma2 semaphore(%run_scoped3A : memref<!tpu.dma_semaphore, #tpu.memory_space<semaphore_mem>>) src(%dma_wait3A_176 : memref<88x128xf32, #tpu.memory_space<vmem_shared>>) dst(%arg9 : memref<88x128xf32, #tpu.memory_space<vmem>>)
      tpu.yield
    }) : () -> ()
    %mul3A_108 = arith.constant 10112 : i32
    %mul3A_109 = arith.muli %arg0, %mul3A_108 : i32
    %mul3A_110 = arith.constant 632 : i32
    %mul3A_111 = arith.muli %arg1, %mul3A_110 : i32
    %add3A_112 = arith.addi %mul3A_109, %mul3A_111 : i32
    %add3A_113 = arith.constant 176 : i32
    %add3A_114 = arith.addi %add3A_112, %add3A_113 : i32
    "tpu.region"() ({
      %run_scoped3A = tpu.sem_alloc : memref<!tpu.dma_semaphore, #tpu.memory_space<semaphore_mem>>
      %dma_start3A_170 = arith.constant 0 : i32
      %dma_start3A_171 = tpu.memref_slice %arg5[%add3A_114, %dma_start3A_170] : memref<20224x128xf32, #tpu.memory_space<hbm>> -> memref<88x128xf32, #tpu.memory_space<hbm>>
      %dma_start3A_172 = arith.constant 0 : i32
      %dma_start3A_173 = tpu.memref_slice %arg5[%add3A_114, %dma_start3A_172] : memref<20224x128xf32, #tpu.memory_space<hbm>> -> memref<88x128xf32, #tpu.memory_space<hbm>>
      tpu.enqueue_dma source(%arg9 : memref<88x128xf32, #tpu.memory_space<vmem>>) target(%dma_start3A_173 : memref<88x128xf32, #tpu.memory_space<hbm>>) target_semaphore(%run_scoped3A : memref<!tpu.dma_semaphore, #tpu.memory_space<semaphore_mem>>)
      %dma_wait3A = arith.constant 0 : i32
      %dma_wait3A_174 = tpu.memref_slice %arg5[%add3A_114, %dma_wait3A] : memref<20224x128xf32, #tpu.memory_space<hbm>> -> memref<88x128xf32, #tpu.memory_space<hbm>>
      %dma_wait3A_175 = arith.constant 0 : i32
      %dma_wait3A_176 = tpu.memref_slice %arg5[%add3A_114, %dma_wait3A_175] : memref<20224x128xf32, #tpu.memory_space<hbm>> -> memref<88x128xf32, #tpu.memory_space<hbm>>
      tpu.wait_dma2 semaphore(%run_scoped3A : memref<!tpu.dma_semaphore, #tpu.memory_space<semaphore_mem>>) src(%arg9 : memref<88x128xf32, #tpu.memory_space<vmem>>) dst(%dma_wait3A_176 : memref<88x128xf32, #tpu.memory_space<hbm>>)
      tpu.yield
    }) : () -> ()
    %mul3A_115 = arith.constant 632 : i32
    %mul3A_116 = arith.muli %arg1, %mul3A_115 : i32
    %add3A_117 = arith.constant 264 : i32
    %add3A_118 = arith.addi %mul3A_116, %add3A_117 : i32
    "tpu.region"() ({
      %run_scoped3A = tpu.sem_alloc : memref<!tpu.dma_semaphore, #tpu.memory_space<semaphore_mem>>
      %dma_start3A_170 = arith.constant 0 : i32
      %dma_start3A_171 = tpu.memref_slice %arg8[%add3A_118, %dma_start3A_170] : memref<10112x128xf32, #tpu.memory_space<vmem_shared>> -> memref<88x128xf32, #tpu.memory_space<vmem_shared>>
      %dma_start3A_172 = arith.constant 0 : i32
      %dma_start3A_173 = tpu.memref_slice %arg8[%add3A_118, %dma_start3A_172] : memref<10112x128xf32, #tpu.memory_space<vmem_shared>> -> memref<88x128xf32, #tpu.memory_space<vmem_shared>>
      tpu.enqueue_dma source(%dma_start3A_173 : memref<88x128xf32, #tpu.memory_space<vmem_shared>>) target(%arg9 : memref<88x128xf32, #tpu.memory_space<vmem>>) target_semaphore(%run_scoped3A : memref<!tpu.dma_semaphore, #tpu.memory_space<semaphore_mem>>)
      %dma_wait3A = arith.constant 0 : i32
      %dma_wait3A_174 = tpu.memref_slice %arg8[%add3A_118, %dma_wait3A] : memref<10112x128xf32, #tpu.memory_space<vmem_shared>> -> memref<88x128xf32, #tpu.memory_space<vmem_shared>>
      %dma_wait3A_175 = arith.constant 0 : i32
      %dma_wait3A_176 = tpu.memref_slice %arg8[%add3A_118, %dma_wait3A_175] : memref<10112x128xf32, #tpu.memory_space<vmem_shared>> -> memref<88x128xf32, #tpu.memory_space<vmem_shared>>
      tpu.wait_dma2 semaphore(%run_scoped3A : memref<!tpu.dma_semaphore, #tpu.memory_space<semaphore_mem>>) src(%dma_wait3A_176 : memref<88x128xf32, #tpu.memory_space<vmem_shared>>) dst(%arg9 : memref<88x128xf32, #tpu.memory_space<vmem>>)
      tpu.yield
    }) : () -> ()
    %mul3A_119 = arith.constant 10112 : i32
    %mul3A_120 = arith.muli %arg0, %mul3A_119 : i32
    %mul3A_121 = arith.constant 632 : i32
    %mul3A_122 = arith.muli %arg1, %mul3A_121 : i32
    %add3A_123 = arith.addi %mul3A_120, %mul3A_122 : i32
    %add3A_124 = arith.constant 264 : i32
    %add3A_125 = arith.addi %add3A_123, %add3A_124 : i32
    "tpu.region"() ({
      %run_scoped3A = tpu.sem_alloc : memref<!tpu.dma_semaphore, #tpu.memory_space<semaphore_mem>>
      %dma_start3A_170 = arith.constant 0 : i32
      %dma_start3A_171 = tpu.memref_slice %arg5[%add3A_125, %dma_start3A_170] : memref<20224x128xf32, #tpu.memory_space<hbm>> -> memref<88x128xf32, #tpu.memory_space<hbm>>
      %dma_start3A_172 = arith.constant 0 : i32
      %dma_start3A_173 = tpu.memref_slice %arg5[%add3A_125, %dma_start3A_172] : memref<20224x128xf32, #tpu.memory_space<hbm>> -> memref<88x128xf32, #tpu.memory_space<hbm>>
      tpu.enqueue_dma source(%arg9 : memref<88x128xf32, #tpu.memory_space<vmem>>) target(%dma_start3A_173 : memref<88x128xf32, #tpu.memory_space<hbm>>) target_semaphore(%run_scoped3A : memref<!tpu.dma_semaphore, #tpu.memory_space<semaphore_mem>>)
      %dma_wait3A = arith.constant 0 : i32
      %dma_wait3A_174 = tpu.memref_slice %arg5[%add3A_125, %dma_wait3A] : memref<20224x128xf32, #tpu.memory_space<hbm>> -> memref<88x128xf32, #tpu.memory_space<hbm>>
      %dma_wait3A_175 = arith.constant 0 : i32
      %dma_wait3A_176 = tpu.memref_slice %arg5[%add3A_125, %dma_wait3A_175] : memref<20224x128xf32, #tpu.memory_space<hbm>> -> memref<88x128xf32, #tpu.memory_space<hbm>>
      tpu.wait_dma2 semaphore(%run_scoped3A : memref<!tpu.dma_semaphore, #tpu.memory_space<semaphore_mem>>) src(%arg9 : memref<88x128xf32, #tpu.memory_space<vmem>>) dst(%dma_wait3A_176 : memref<88x128xf32, #tpu.memory_space<hbm>>)
      tpu.yield
    }) : () -> ()
    %mul3A_126 = arith.constant 632 : i32
    %mul3A_127 = arith.muli %arg1, %mul3A_126 : i32
    %add3A_128 = arith.constant 352 : i32
    %add3A_129 = arith.addi %mul3A_127, %add3A_128 : i32
    "tpu.region"() ({
      %run_scoped3A = tpu.sem_alloc : memref<!tpu.dma_semaphore, #tpu.memory_space<semaphore_mem>>
      %dma_start3A_170 = arith.constant 0 : i32
      %dma_start3A_171 = tpu.memref_slice %arg8[%add3A_129, %dma_start3A_170] : memref<10112x128xf32, #tpu.memory_space<vmem_shared>> -> memref<88x128xf32, #tpu.memory_space<vmem_shared>>
      %dma_start3A_172 = arith.constant 0 : i32
      %dma_start3A_173 = tpu.memref_slice %arg8[%add3A_129, %dma_start3A_172] : memref<10112x128xf32, #tpu.memory_space<vmem_shared>> -> memref<88x128xf32, #tpu.memory_space<vmem_shared>>
      tpu.enqueue_dma source(%dma_start3A_173 : memref<88x128xf32, #tpu.memory_space<vmem_shared>>) target(%arg9 : memref<88x128xf32, #tpu.memory_space<vmem>>) target_semaphore(%run_scoped3A : memref<!tpu.dma_semaphore, #tpu.memory_space<semaphore_mem>>)
      %dma_wait3A = arith.constant 0 : i32
      %dma_wait3A_174 = tpu.memref_slice %arg8[%add3A_129, %dma_wait3A] : memref<10112x128xf32, #tpu.memory_space<vmem_shared>> -> memref<88x128xf32, #tpu.memory_space<vmem_shared>>
      %dma_wait3A_175 = arith.constant 0 : i32
      %dma_wait3A_176 = tpu.memref_slice %arg8[%add3A_129, %dma_wait3A_175] : memref<10112x128xf32, #tpu.memory_space<vmem_shared>> -> memref<88x128xf32, #tpu.memory_space<vmem_shared>>
      tpu.wait_dma2 semaphore(%run_scoped3A : memref<!tpu.dma_semaphore, #tpu.memory_space<semaphore_mem>>) src(%dma_wait3A_176 : memref<88x128xf32, #tpu.memory_space<vmem_shared>>) dst(%arg9 : memref<88x128xf32, #tpu.memory_space<vmem>>)
      tpu.yield
    }) : () -> ()
    %mul3A_130 = arith.constant 10112 : i32
    %mul3A_131 = arith.muli %arg0, %mul3A_130 : i32
    %mul3A_132 = arith.constant 632 : i32
    %mul3A_133 = arith.muli %arg1, %mul3A_132 : i32
    %add3A_134 = arith.addi %mul3A_131, %mul3A_133 : i32
    %add3A_135 = arith.constant 352 : i32
    %add3A_136 = arith.addi %add3A_134, %add3A_135 : i32
    "tpu.region"() ({
      %run_scoped3A = tpu.sem_alloc : memref<!tpu.dma_semaphore, #tpu.memory_space<semaphore_mem>>
      %dma_start3A_170 = arith.constant 0 : i32
      %dma_start3A_171 = tpu.memref_slice %arg5[%add3A_136, %dma_start3A_170] : memref<20224x128xf32, #tpu.memory_space<hbm>> -> memref<88x128xf32, #tpu.memory_space<hbm>>
      %dma_start3A_172 = arith.constant 0 : i32
      %dma_start3A_173 = tpu.memref_slice %arg5[%add3A_136, %dma_start3A_172] : memref<20224x128xf32, #tpu.memory_space<hbm>> -> memref<88x128xf32, #tpu.memory_space<hbm>>
      tpu.enqueue_dma source(%arg9 : memref<88x128xf32, #tpu.memory_space<vmem>>) target(%dma_start3A_173 : memref<88x128xf32, #tpu.memory_space<hbm>>) target_semaphore(%run_scoped3A : memref<!tpu.dma_semaphore, #tpu.memory_space<semaphore_mem>>)
      %dma_wait3A = arith.constant 0 : i32
      %dma_wait3A_174 = tpu.memref_slice %arg5[%add3A_136, %dma_wait3A] : memref<20224x128xf32, #tpu.memory_space<hbm>> -> memref<88x128xf32, #tpu.memory_space<hbm>>
      %dma_wait3A_175 = arith.constant 0 : i32
      %dma_wait3A_176 = tpu.memref_slice %arg5[%add3A_136, %dma_wait3A_175] : memref<20224x128xf32, #tpu.memory_space<hbm>> -> memref<88x128xf32, #tpu.memory_space<hbm>>
      tpu.wait_dma2 semaphore(%run_scoped3A : memref<!tpu.dma_semaphore, #tpu.memory_space<semaphore_mem>>) src(%arg9 : memref<88x128xf32, #tpu.memory_space<vmem>>) dst(%dma_wait3A_176 : memref<88x128xf32, #tpu.memory_space<hbm>>)
      tpu.yield
    }) : () -> ()
    %mul3A_137 = arith.constant 632 : i32
    %mul3A_138 = arith.muli %arg1, %mul3A_137 : i32
    %add3A_139 = arith.constant 440 : i32
    %add3A_140 = arith.addi %mul3A_138, %add3A_139 : i32
    "tpu.region"() ({
      %run_scoped3A = tpu.sem_alloc : memref<!tpu.dma_semaphore, #tpu.memory_space<semaphore_mem>>
      %dma_start3A_170 = arith.constant 0 : i32
      %dma_start3A_171 = tpu.memref_slice %arg8[%add3A_140, %dma_start3A_170] : memref<10112x128xf32, #tpu.memory_space<vmem_shared>> -> memref<88x128xf32, #tpu.memory_space<vmem_shared>>
      %dma_start3A_172 = arith.constant 0 : i32
      %dma_start3A_173 = tpu.memref_slice %arg8[%add3A_140, %dma_start3A_172] : memref<10112x128xf32, #tpu.memory_space<vmem_shared>> -> memref<88x128xf32, #tpu.memory_space<vmem_shared>>
      tpu.enqueue_dma source(%dma_start3A_173 : memref<88x128xf32, #tpu.memory_space<vmem_shared>>) target(%arg9 : memref<88x128xf32, #tpu.memory_space<vmem>>) target_semaphore(%run_scoped3A : memref<!tpu.dma_semaphore, #tpu.memory_space<semaphore_mem>>)
      %dma_wait3A = arith.constant 0 : i32
      %dma_wait3A_174 = tpu.memref_slice %arg8[%add3A_140, %dma_wait3A] : memref<10112x128xf32, #tpu.memory_space<vmem_shared>> -> memref<88x128xf32, #tpu.memory_space<vmem_shared>>
      %dma_wait3A_175 = arith.constant 0 : i32
      %dma_wait3A_176 = tpu.memref_slice %arg8[%add3A_140, %dma_wait3A_175] : memref<10112x128xf32, #tpu.memory_space<vmem_shared>> -> memref<88x128xf32, #tpu.memory_space<vmem_shared>>
      tpu.wait_dma2 semaphore(%run_scoped3A : memref<!tpu.dma_semaphore, #tpu.memory_space<semaphore_mem>>) src(%dma_wait3A_176 : memref<88x128xf32, #tpu.memory_space<vmem_shared>>) dst(%arg9 : memref<88x128xf32, #tpu.memory_space<vmem>>)
      tpu.yield
    }) : () -> ()
    %mul3A_141 = arith.constant 10112 : i32
    %mul3A_142 = arith.muli %arg0, %mul3A_141 : i32
    %mul3A_143 = arith.constant 632 : i32
    %mul3A_144 = arith.muli %arg1, %mul3A_143 : i32
    %add3A_145 = arith.addi %mul3A_142, %mul3A_144 : i32
    %add3A_146 = arith.constant 440 : i32
    %add3A_147 = arith.addi %add3A_145, %add3A_146 : i32
    "tpu.region"() ({
      %run_scoped3A = tpu.sem_alloc : memref<!tpu.dma_semaphore, #tpu.memory_space<semaphore_mem>>
      %dma_start3A_170 = arith.constant 0 : i32
      %dma_start3A_171 = tpu.memref_slice %arg5[%add3A_147, %dma_start3A_170] : memref<20224x128xf32, #tpu.memory_space<hbm>> -> memref<88x128xf32, #tpu.memory_space<hbm>>
      %dma_start3A_172 = arith.constant 0 : i32
      %dma_start3A_173 = tpu.memref_slice %arg5[%add3A_147, %dma_start3A_172] : memref<20224x128xf32, #tpu.memory_space<hbm>> -> memref<88x128xf32, #tpu.memory_space<hbm>>
      tpu.enqueue_dma source(%arg9 : memref<88x128xf32, #tpu.memory_space<vmem>>) target(%dma_start3A_173 : memref<88x128xf32, #tpu.memory_space<hbm>>) target_semaphore(%run_scoped3A : memref<!tpu.dma_semaphore, #tpu.memory_space<semaphore_mem>>)
      %dma_wait3A = arith.constant 0 : i32
      %dma_wait3A_174 = tpu.memref_slice %arg5[%add3A_147, %dma_wait3A] : memref<20224x128xf32, #tpu.memory_space<hbm>> -> memref<88x128xf32, #tpu.memory_space<hbm>>
      %dma_wait3A_175 = arith.constant 0 : i32
      %dma_wait3A_176 = tpu.memref_slice %arg5[%add3A_147, %dma_wait3A_175] : memref<20224x128xf32, #tpu.memory_space<hbm>> -> memref<88x128xf32, #tpu.memory_space<hbm>>
      tpu.wait_dma2 semaphore(%run_scoped3A : memref<!tpu.dma_semaphore, #tpu.memory_space<semaphore_mem>>) src(%arg9 : memref<88x128xf32, #tpu.memory_space<vmem>>) dst(%dma_wait3A_176 : memref<88x128xf32, #tpu.memory_space<hbm>>)
      tpu.yield
    }) : () -> ()
    %mul3A_148 = arith.constant 632 : i32
    %mul3A_149 = arith.muli %arg1, %mul3A_148 : i32
    %add3A_150 = arith.constant 528 : i32
    %add3A_151 = arith.addi %mul3A_149, %add3A_150 : i32
    "tpu.region"() ({
      %run_scoped3A = tpu.sem_alloc : memref<!tpu.dma_semaphore, #tpu.memory_space<semaphore_mem>>
      %dma_start3A_170 = arith.constant 0 : i32
      %dma_start3A_171 = tpu.memref_slice %arg8[%add3A_151, %dma_start3A_170] : memref<10112x128xf32, #tpu.memory_space<vmem_shared>> -> memref<88x128xf32, #tpu.memory_space<vmem_shared>>
      %dma_start3A_172 = arith.constant 0 : i32
      %dma_start3A_173 = tpu.memref_slice %arg8[%add3A_151, %dma_start3A_172] : memref<10112x128xf32, #tpu.memory_space<vmem_shared>> -> memref<88x128xf32, #tpu.memory_space<vmem_shared>>
      tpu.enqueue_dma source(%dma_start3A_173 : memref<88x128xf32, #tpu.memory_space<vmem_shared>>) target(%arg9 : memref<88x128xf32, #tpu.memory_space<vmem>>) target_semaphore(%run_scoped3A : memref<!tpu.dma_semaphore, #tpu.memory_space<semaphore_mem>>)
      %dma_wait3A = arith.constant 0 : i32
      %dma_wait3A_174 = tpu.memref_slice %arg8[%add3A_151, %dma_wait3A] : memref<10112x128xf32, #tpu.memory_space<vmem_shared>> -> memref<88x128xf32, #tpu.memory_space<vmem_shared>>
      %dma_wait3A_175 = arith.constant 0 : i32
      %dma_wait3A_176 = tpu.memref_slice %arg8[%add3A_151, %dma_wait3A_175] : memref<10112x128xf32, #tpu.memory_space<vmem_shared>> -> memref<88x128xf32, #tpu.memory_space<vmem_shared>>
      tpu.wait_dma2 semaphore(%run_scoped3A : memref<!tpu.dma_semaphore, #tpu.memory_space<semaphore_mem>>) src(%dma_wait3A_176 : memref<88x128xf32, #tpu.memory_space<vmem_shared>>) dst(%arg9 : memref<88x128xf32, #tpu.memory_space<vmem>>)
      tpu.yield
    }) : () -> ()
    %mul3A_152 = arith.constant 10112 : i32
    %mul3A_153 = arith.muli %arg0, %mul3A_152 : i32
    %mul3A_154 = arith.constant 632 : i32
    %mul3A_155 = arith.muli %arg1, %mul3A_154 : i32
    %add3A_156 = arith.addi %mul3A_153, %mul3A_155 : i32
    %add3A_157 = arith.constant 528 : i32
    %add3A_158 = arith.addi %add3A_156, %add3A_157 : i32
    "tpu.region"() ({
      %run_scoped3A = tpu.sem_alloc : memref<!tpu.dma_semaphore, #tpu.memory_space<semaphore_mem>>
      %dma_start3A_170 = arith.constant 0 : i32
      %dma_start3A_171 = tpu.memref_slice %arg5[%add3A_158, %dma_start3A_170] : memref<20224x128xf32, #tpu.memory_space<hbm>> -> memref<88x128xf32, #tpu.memory_space<hbm>>
      %dma_start3A_172 = arith.constant 0 : i32
      %dma_start3A_173 = tpu.memref_slice %arg5[%add3A_158, %dma_start3A_172] : memref<20224x128xf32, #tpu.memory_space<hbm>> -> memref<88x128xf32, #tpu.memory_space<hbm>>
      tpu.enqueue_dma source(%arg9 : memref<88x128xf32, #tpu.memory_space<vmem>>) target(%dma_start3A_173 : memref<88x128xf32, #tpu.memory_space<hbm>>) target_semaphore(%run_scoped3A : memref<!tpu.dma_semaphore, #tpu.memory_space<semaphore_mem>>)
      %dma_wait3A = arith.constant 0 : i32
      %dma_wait3A_174 = tpu.memref_slice %arg5[%add3A_158, %dma_wait3A] : memref<20224x128xf32, #tpu.memory_space<hbm>> -> memref<88x128xf32, #tpu.memory_space<hbm>>
      %dma_wait3A_175 = arith.constant 0 : i32
      %dma_wait3A_176 = tpu.memref_slice %arg5[%add3A_158, %dma_wait3A_175] : memref<20224x128xf32, #tpu.memory_space<hbm>> -> memref<88x128xf32, #tpu.memory_space<hbm>>
      tpu.wait_dma2 semaphore(%run_scoped3A : memref<!tpu.dma_semaphore, #tpu.memory_space<semaphore_mem>>) src(%arg9 : memref<88x128xf32, #tpu.memory_space<vmem>>) dst(%dma_wait3A_176 : memref<88x128xf32, #tpu.memory_space<hbm>>)
      tpu.yield
    }) : () -> ()
    %mul3A_159 = arith.constant 632 : i32
    %mul3A_160 = arith.muli %arg1, %mul3A_159 : i32
    %add3A_161 = arith.constant 616 : i32
    %add3A_162 = arith.addi %mul3A_160, %add3A_161 : i32
    "tpu.region"() ({
      %run_scoped3A = tpu.sem_alloc : memref<!tpu.dma_semaphore, #tpu.memory_space<semaphore_mem>>
      %dma_start3A_170 = arith.constant 0 : i32
      %dma_start3A_171 = arith.constant 0 : i32
      %dma_start3A_172 = tpu.memref_slice %arg9[%dma_start3A_170, %dma_start3A_171] : memref<88x128xf32, #tpu.memory_space<vmem>> -> memref<16x128xf32, #tpu.memory_space<vmem>>
      %dma_start3A_173 = arith.constant 0 : i32
      %dma_start3A_174 = tpu.memref_slice %arg8[%add3A_162, %dma_start3A_173] : memref<10112x128xf32, #tpu.memory_space<vmem_shared>> -> memref<16x128xf32, #tpu.memory_space<vmem_shared>>
      %dma_start3A_175 = arith.constant 0 : i32
      %dma_start3A_176 = arith.constant 0 : i32
      %dma_start3A_177 = tpu.memref_slice %arg9[%dma_start3A_175, %dma_start3A_176] : memref<88x128xf32, #tpu.memory_space<vmem>> -> memref<16x128xf32, #tpu.memory_space<vmem>>
      %dma_start3A_178 = arith.constant 0 : i32
      %dma_start3A_179 = tpu.memref_slice %arg8[%add3A_162, %dma_start3A_178] : memref<10112x128xf32, #tpu.memory_space<vmem_shared>> -> memref<16x128xf32, #tpu.memory_space<vmem_shared>>
      tpu.enqueue_dma source(%dma_start3A_179 : memref<16x128xf32, #tpu.memory_space<vmem_shared>>) target(%dma_start3A_177 : memref<16x128xf32, #tpu.memory_space<vmem>>) target_semaphore(%run_scoped3A : memref<!tpu.dma_semaphore, #tpu.memory_space<semaphore_mem>>)
      %dma_wait3A = arith.constant 0 : i32
      %dma_wait3A_180 = arith.constant 0 : i32
      %dma_wait3A_181 = tpu.memref_slice %arg9[%dma_wait3A, %dma_wait3A_180] : memref<88x128xf32, #tpu.memory_space<vmem>> -> memref<16x128xf32, #tpu.memory_space<vmem>>
      %dma_wait3A_182 = arith.constant 0 : i32
      %dma_wait3A_183 = tpu.memref_slice %arg8[%add3A_162, %dma_wait3A_182] : memref<10112x128xf32, #tpu.memory_space<vmem_shared>> -> memref<16x128xf32, #tpu.memory_space<vmem_shared>>
      %dma_wait3A_184 = arith.constant 0 : i32
      %dma_wait3A_185 = arith.constant 0 : i32
      %dma_wait3A_186 = tpu.memref_slice %arg9[%dma_wait3A_184, %dma_wait3A_185] : memref<88x128xf32, #tpu.memory_space<vmem>> -> memref<16x128xf32, #tpu.memory_space<vmem>>
      %dma_wait3A_187 = arith.constant 0 : i32
      %dma_wait3A_188 = tpu.memref_slice %arg8[%add3A_162, %dma_wait3A_187] : memref<10112x128xf32, #tpu.memory_space<vmem_shared>> -> memref<16x128xf32, #tpu.memory_space<vmem_shared>>
      tpu.wait_dma2 semaphore(%run_scoped3A : memref<!tpu.dma_semaphore, #tpu.memory_space<semaphore_mem>>) src(%dma_wait3A_188 : memref<16x128xf32, #tpu.memory_space<vmem_shared>>) dst(%dma_wait3A_186 : memref<16x128xf32, #tpu.memory_space<vmem>>)
      tpu.yield
    }) : () -> ()
    %mul3A_163 = arith.constant 10112 : i32
    %mul3A_164 = arith.muli %arg0, %mul3A_163 : i32
    %mul3A_165 = arith.constant 632 : i32
    %mul3A_166 = arith.muli %arg1, %mul3A_165 : i32
    %add3A_167 = arith.addi %mul3A_164, %mul3A_166 : i32
    %add3A_168 = arith.constant 616 : i32
    %add3A_169 = arith.addi %add3A_167, %add3A_168 : i32
    "tpu.region"() ({
      %run_scoped3A = tpu.sem_alloc : memref<!tpu.dma_semaphore, #tpu.memory_space<semaphore_mem>>
      %dma_start3A_170 = arith.constant 0 : i32
      %dma_start3A_171 = arith.constant 0 : i32
      %dma_start3A_172 = tpu.memref_slice %arg9[%dma_start3A_170, %dma_start3A_171] : memref<88x128xf32, #tpu.memory_space<vmem>> -> memref<16x128xf32, #tpu.memory_space<vmem>>
      %dma_start3A_173 = arith.constant 0 : i32
      %dma_start3A_174 = tpu.memref_slice %arg5[%add3A_169, %dma_start3A_173] : memref<20224x128xf32, #tpu.memory_space<hbm>> -> memref<16x128xf32, #tpu.memory_space<hbm>>
      %dma_start3A_175 = arith.constant 0 : i32
      %dma_start3A_176 = tpu.memref_slice %arg5[%add3A_169, %dma_start3A_175] : memref<20224x128xf32, #tpu.memory_space<hbm>> -> memref<16x128xf32, #tpu.memory_space<hbm>>
      %dma_start3A_177 = arith.constant 0 : i32
      %dma_start3A_178 = arith.constant 0 : i32
      %dma_start3A_179 = tpu.memref_slice %arg9[%dma_start3A_177, %dma_start3A_178] : memref<88x128xf32, #tpu.memory_space<vmem>> -> memref<16x128xf32, #tpu.memory_space<vmem>>
      tpu.enqueue_dma source(%dma_start3A_179 : memref<16x128xf32, #tpu.memory_space<vmem>>) target(%dma_start3A_176 : memref<16x128xf32, #tpu.memory_space<hbm>>) target_semaphore(%run_scoped3A : memref<!tpu.dma_semaphore, #tpu.memory_space<semaphore_mem>>)
      %dma_wait3A = arith.constant 0 : i32
      %dma_wait3A_180 = arith.constant 0 : i32
      %dma_wait3A_181 = tpu.memref_slice %arg9[%dma_wait3A, %dma_wait3A_180] : memref<88x128xf32, #tpu.memory_space<vmem>> -> memref<16x128xf32, #tpu.memory_space<vmem>>
      %dma_wait3A_182 = arith.constant 0 : i32
      %dma_wait3A_183 = tpu.memref_slice %arg5[%add3A_169, %dma_wait3A_182] : memref<20224x128xf32, #tpu.memory_space<hbm>> -> memref<16x128xf32, #tpu.memory_space<hbm>>
      %dma_wait3A_184 = arith.constant 0 : i32
      %dma_wait3A_185 = tpu.memref_slice %arg5[%add3A_169, %dma_wait3A_184] : memref<20224x128xf32, #tpu.memory_space<hbm>> -> memref<16x128xf32, #tpu.memory_space<hbm>>
      %dma_wait3A_186 = arith.constant 0 : i32
      %dma_wait3A_187 = arith.constant 0 : i32
      %dma_wait3A_188 = tpu.memref_slice %arg9[%dma_wait3A_186, %dma_wait3A_187] : memref<88x128xf32, #tpu.memory_space<vmem>> -> memref<16x128xf32, #tpu.memory_space<vmem>>
      tpu.wait_dma2 semaphore(%run_scoped3A : memref<!tpu.dma_semaphore, #tpu.memory_space<semaphore_mem>>) src(%dma_wait3A_188 : memref<16x128xf32, #tpu.memory_space<vmem>>) dst(%dma_wait3A_185 : memref<16x128xf32, #tpu.memory_space<hbm>>)
      tpu.yield
    }) : () -> ()
    return
  }
}

#map = affine_map<(d0, d1) -> (0, 0, 0)>
#map1 = affine_map<(d0, d1) -> (0, 0)>
module attributes {stable_mosaic.version = 14 : i64} {
  func.func @deg_kernel(%arg0: i32, %arg1: i32, %arg2: memref<32x142x88xi32, #tpu.memory_space<hbm>>, %arg3: memref<10112x16xf32, #tpu.memory_space<hbm>>, %arg4: memref<20224x16xf32, #tpu.memory_space<hbm>>, %arg5: memref<142x88xi32, #tpu.memory_space<vmem>>, %arg6: memref<88x16xf32, #tpu.memory_space<vmem>>, %arg7: memref<10112x16xf32, #tpu.memory_space<vmem_shared>>) attributes {dimension_semantics = [#tpu.dimension_semantics<core_parallel>, #tpu.dimension_semantics<subcore_parallel>], iteration_bounds = array<i64: 2, 16>, scalar_prefetch = 0 : i64, scratch_operands = 3 : i64, tpu.core_type = #tpu.core_type<sc_vector_subcore>, window_params = [{transform_indices = #map}, {transform_indices = #map1}, {transform_indices = #map1}]} {
    %mul3A = arith.constant 2 : i32
    %mul3A_0 = arith.muli %arg1, %mul3A : i32
    %add3A = arith.addi %mul3A_0, %arg0 : i32
    "tpu.region"() ({
      %run_scoped3A = tpu.sem_alloc : memref<!tpu.dma_semaphore, #tpu.memory_space<semaphore_mem>>
      %dma_start3A = arith.constant 0 : i32
      %dma_start3A_29 = arith.constant 0 : i32
      %dma_start3A_30 = tpu.memref_slice %arg2[%add3A, %dma_start3A, %dma_start3A_29] : memref<32x142x88xi32, #tpu.memory_space<hbm>> -> memref<1x142x88xi32, #tpu.memory_space<hbm>>
      %dma_start3A_31 = tpu.memref_squeeze %dma_start3A_30 : memref<1x142x88xi32, #tpu.memory_space<hbm>> -> memref<142x88xi32, #tpu.memory_space<hbm>>
      %dma_start3A_32 = arith.constant 0 : i32
      %dma_start3A_33 = arith.constant 0 : i32
      %dma_start3A_34 = tpu.memref_slice %arg2[%add3A, %dma_start3A_32, %dma_start3A_33] : memref<32x142x88xi32, #tpu.memory_space<hbm>> -> memref<1x142x88xi32, #tpu.memory_space<hbm>>
      %dma_start3A_35 = tpu.memref_squeeze %dma_start3A_34 : memref<1x142x88xi32, #tpu.memory_space<hbm>> -> memref<142x88xi32, #tpu.memory_space<hbm>>
      tpu.enqueue_dma source(%dma_start3A_35 : memref<142x88xi32, #tpu.memory_space<hbm>>) target(%arg5 : memref<142x88xi32, #tpu.memory_space<vmem>>) target_semaphore(%run_scoped3A : memref<!tpu.dma_semaphore, #tpu.memory_space<semaphore_mem>>)
      %dma_wait3A = arith.constant 0 : i32
      %dma_wait3A_36 = arith.constant 0 : i32
      %dma_wait3A_37 = tpu.memref_slice %arg2[%add3A, %dma_wait3A, %dma_wait3A_36] : memref<32x142x88xi32, #tpu.memory_space<hbm>> -> memref<1x142x88xi32, #tpu.memory_space<hbm>>
      %dma_wait3A_38 = tpu.memref_squeeze %dma_wait3A_37 : memref<1x142x88xi32, #tpu.memory_space<hbm>> -> memref<142x88xi32, #tpu.memory_space<hbm>>
      %dma_wait3A_39 = arith.constant 0 : i32
      %dma_wait3A_40 = arith.constant 0 : i32
      %dma_wait3A_41 = tpu.memref_slice %arg2[%add3A, %dma_wait3A_39, %dma_wait3A_40] : memref<32x142x88xi32, #tpu.memory_space<hbm>> -> memref<1x142x88xi32, #tpu.memory_space<hbm>>
      %dma_wait3A_42 = tpu.memref_squeeze %dma_wait3A_41 : memref<1x142x88xi32, #tpu.memory_space<hbm>> -> memref<142x88xi32, #tpu.memory_space<hbm>>
      tpu.wait_dma2 semaphore(%run_scoped3A : memref<!tpu.dma_semaphore, #tpu.memory_space<semaphore_mem>>) src(%dma_wait3A_42 : memref<142x88xi32, #tpu.memory_space<hbm>>) dst(%arg5 : memref<142x88xi32, #tpu.memory_space<vmem>>)
      tpu.yield
    }) : () -> ()
    %scan3A = arith.constant 0 : i32
    %scan3A_1 = arith.constant 0 : i32
    %scan3A_2 = arith.constant 88 : i32
    %scan3A_3 = arith.addi %scan3A_1, %scan3A_2 : i32
    %scan3A_4 = arith.constant 1 : i32
    scf.for %scan3A_29 = %scan3A_1 to %scan3A_3 step %scan3A_4  : i32 {
      %broadcast_in_dim3A = arith.constant 1.000000e+00 : f32
      %broadcast_in_dim3A_30 = vector.broadcast %broadcast_in_dim3A : f32 to vector<16xf32>
      %swap3A = arith.index_cast %scan3A_29 : i32 to index
      %swap3A_31 = arith.constant 0 : index
      %swap3A_32 = tpu.vector_load %arg6[%swap3A, %swap3A_31] {strides = array<i32>} : memref<88x16xf32, #tpu.memory_space<vmem>>, vector<1x16xf32>,
      %swap3A_33 = vector.shape_cast %swap3A_32 : vector<1x16xf32> to vector<16xf32>
      %swap3A_34 = vector.shape_cast %broadcast_in_dim3A_30 : vector<16xf32> to vector<1x16xf32>
      tpu.vector_store %arg6[%swap3A, %swap3A_31], %swap3A_34 {strides = array<i32>} : memref<88x16xf32, #tpu.memory_space<vmem>>, vector<1x16xf32>,
    }
    %scan3A_5 = arith.constant 88 : i32
    %mul3A_6 = arith.constant 632 : i32
    %mul3A_7 = arith.muli %arg1, %mul3A_6 : i32
    %mul3A_8 = arith.constant 632 : i32
    %mul3A_9 = arith.muli %arg1, %mul3A_8 : i32
    "tpu.region"() ({
      %run_scoped3A = tpu.sem_alloc : memref<!tpu.dma_semaphore, #tpu.memory_space<semaphore_mem>>
      %dma_start3A = arith.constant 0 : i32
      %dma_start3A_29 = tpu.memref_slice %arg7[%mul3A_9, %dma_start3A] : memref<10112x16xf32, #tpu.memory_space<vmem_shared>> -> memref<632x16xf32, #tpu.memory_space<vmem_shared>>
      %dma_start3A_30 = arith.constant 0 : i32
      %dma_start3A_31 = tpu.memref_slice %arg3[%mul3A_7, %dma_start3A_30] : memref<10112x16xf32, #tpu.memory_space<hbm>> -> memref<632x16xf32, #tpu.memory_space<hbm>>
      tpu.enqueue_dma source(%dma_start3A_31 : memref<632x16xf32, #tpu.memory_space<hbm>>) target(%dma_start3A_29 : memref<632x16xf32, #tpu.memory_space<vmem_shared>>) target_semaphore(%run_scoped3A : memref<!tpu.dma_semaphore, #tpu.memory_space<semaphore_mem>>)
      %dma_wait3A = arith.constant 0 : i32
      %dma_wait3A_32 = tpu.memref_slice %arg7[%mul3A_9, %dma_wait3A] : memref<10112x16xf32, #tpu.memory_space<vmem_shared>> -> memref<632x16xf32, #tpu.memory_space<vmem_shared>>
      %dma_wait3A_33 = arith.constant 0 : i32
      %dma_wait3A_34 = tpu.memref_slice %arg3[%mul3A_7, %dma_wait3A_33] : memref<10112x16xf32, #tpu.memory_space<hbm>> -> memref<632x16xf32, #tpu.memory_space<hbm>>
      tpu.wait_dma2 semaphore(%run_scoped3A : memref<!tpu.dma_semaphore, #tpu.memory_space<semaphore_mem>>) src(%dma_wait3A_34 : memref<632x16xf32, #tpu.memory_space<hbm>>) dst(%dma_wait3A_32 : memref<632x16xf32, #tpu.memory_space<vmem_shared>>)
      tpu.yield
    }) : () -> ()
    %barrier3A = arith.constant 0 : index
    tpu.barrier barrier_id(%barrier3A)
    %eq3A = arith.constant 0 : i32
    %eq3A_10 = arith.cmpi eq, %arg0, %eq3A : i32
    %jit3A = arith.constant 142 : i32
    %jit3A_11 = arith.constant 86 : i32
    %select_n3A = arith.select %eq3A_10, %jit3A, %jit3A_11 : i32
    %while3A = arith.constant 0 : i32
    %while3A_12 = arith.constant 0 : i32
    %while3A_13 = arith.subi %select_n3A, %while3A_12 : i32
    %while3A_14 = arith.addi %while3A_12, %while3A_13 : i32
    %while3A_15 = arith.constant 1 : i32
    %while3A_16 = arith.divsi %while3A_13, %while3A_15 : i32
    %while3A_17 = arith.muli %while3A_16, %while3A_15 : i32
    %while3A_18 = arith.addi %while3A_12, %while3A_17 : i32
    %while3A_19 = arith.constant 1 : i32
    scf.for %while3A_29 = %while3A_12 to %while3A_18 step %while3A_19  : i32 {
      "tpu.region"() ({
        %run_scoped3A = tpu.sem_alloc : memref<!tpu.dma_semaphore, #tpu.memory_space<semaphore_mem>>
        %dma_start3A = arith.constant 0 : i32
        %dma_start3A_30 = tpu.memref_slice %arg5[%while3A_29, %dma_start3A] : memref<142x88xi32, #tpu.memory_space<vmem>> -> memref<1x88xi32, #tpu.memory_space<vmem>>
        %dma_start3A_31 = tpu.memref_squeeze %dma_start3A_30 : memref<1x88xi32, #tpu.memory_space<vmem>> -> memref<88xi32, #tpu.memory_space<vmem>>
        %dma_start3A_32 = arith.constant 0 : i32
        %dma_start3A_33 = arith.constant 0 : i32
        %dma_start3A_34 = tpu.memref_slice %arg7[%dma_start3A_32, %dma_start3A_33] : memref<10112x16xf32, #tpu.memory_space<vmem_shared>> -> memref<10112x16xf32, #tpu.memory_space<vmem_shared>>
        tpu.enqueue_indirect_dma source(%arg6 : memref<88x16xf32, #tpu.memory_space<vmem>>) target(%dma_start3A_34 : memref<10112x16xf32, #tpu.memory_space<vmem_shared>>) offsets(%dma_start3A_31 : memref<88xi32, #tpu.memory_space<vmem>>) semaphore(%run_scoped3A : memref<!tpu.dma_semaphore, #tpu.memory_space<semaphore_mem>>) {add = true}
        %dma_wait3A = arith.constant 0 : i32
        %dma_wait3A_35 = tpu.memref_slice %arg5[%while3A_29, %dma_wait3A] : memref<142x88xi32, #tpu.memory_space<vmem>> -> memref<1x88xi32, #tpu.memory_space<vmem>>
        %dma_wait3A_36 = tpu.memref_squeeze %dma_wait3A_35 : memref<1x88xi32, #tpu.memory_space<vmem>> -> memref<88xi32, #tpu.memory_space<vmem>>
        %dma_wait3A_37 = arith.constant 0 : i32
        %dma_wait3A_38 = arith.constant 0 : i32
        %dma_wait3A_39 = tpu.memref_slice %arg7[%dma_wait3A_37, %dma_wait3A_38] : memref<10112x16xf32, #tpu.memory_space<vmem_shared>> -> memref<10112x16xf32, #tpu.memory_space<vmem_shared>>
        tpu.wait_indirect_dma semaphore(%run_scoped3A : memref<!tpu.dma_semaphore, #tpu.memory_space<semaphore_mem>>) src(%arg6 : memref<88x16xf32, #tpu.memory_space<vmem>>) dst(%dma_wait3A_39 : memref<10112x16xf32, #tpu.memory_space<vmem_shared>>)
        tpu.yield
      }) : () -> ()
    }
    %while3A_20 = arith.constant 1 : i32
    scf.for %while3A_29 = %while3A_18 to %while3A_14 step %while3A_20  : i32 {
      "tpu.region"() ({
        %run_scoped3A = tpu.sem_alloc : memref<!tpu.dma_semaphore, #tpu.memory_space<semaphore_mem>>
        %dma_start3A = arith.constant 0 : i32
        %dma_start3A_30 = tpu.memref_slice %arg5[%while3A_29, %dma_start3A] : memref<142x88xi32, #tpu.memory_space<vmem>> -> memref<1x88xi32, #tpu.memory_space<vmem>>
        %dma_start3A_31 = tpu.memref_squeeze %dma_start3A_30 : memref<1x88xi32, #tpu.memory_space<vmem>> -> memref<88xi32, #tpu.memory_space<vmem>>
        %dma_start3A_32 = arith.constant 0 : i32
        %dma_start3A_33 = arith.constant 0 : i32
        %dma_start3A_34 = tpu.memref_slice %arg7[%dma_start3A_32, %dma_start3A_33] : memref<10112x16xf32, #tpu.memory_space<vmem_shared>> -> memref<10112x16xf32, #tpu.memory_space<vmem_shared>>
        tpu.enqueue_indirect_dma source(%arg6 : memref<88x16xf32, #tpu.memory_space<vmem>>) target(%dma_start3A_34 : memref<10112x16xf32, #tpu.memory_space<vmem_shared>>) offsets(%dma_start3A_31 : memref<88xi32, #tpu.memory_space<vmem>>) semaphore(%run_scoped3A : memref<!tpu.dma_semaphore, #tpu.memory_space<semaphore_mem>>) {add = true}
        %dma_wait3A = arith.constant 0 : i32
        %dma_wait3A_35 = tpu.memref_slice %arg5[%while3A_29, %dma_wait3A] : memref<142x88xi32, #tpu.memory_space<vmem>> -> memref<1x88xi32, #tpu.memory_space<vmem>>
        %dma_wait3A_36 = tpu.memref_squeeze %dma_wait3A_35 : memref<1x88xi32, #tpu.memory_space<vmem>> -> memref<88xi32, #tpu.memory_space<vmem>>
        %dma_wait3A_37 = arith.constant 0 : i32
        %dma_wait3A_38 = arith.constant 0 : i32
        %dma_wait3A_39 = tpu.memref_slice %arg7[%dma_wait3A_37, %dma_wait3A_38] : memref<10112x16xf32, #tpu.memory_space<vmem_shared>> -> memref<10112x16xf32, #tpu.memory_space<vmem_shared>>
        tpu.wait_indirect_dma semaphore(%run_scoped3A : memref<!tpu.dma_semaphore, #tpu.memory_space<semaphore_mem>>) src(%arg6 : memref<88x16xf32, #tpu.memory_space<vmem>>) dst(%dma_wait3A_39 : memref<10112x16xf32, #tpu.memory_space<vmem_shared>>)
        tpu.yield
      }) : () -> ()
    }
    %barrier3A_21 = arith.constant 0 : index
    tpu.barrier barrier_id(%barrier3A_21)
    %mul3A_22 = arith.constant 632 : i32
    %mul3A_23 = arith.muli %arg1, %mul3A_22 : i32
    %mul3A_24 = arith.constant 10112 : i32
    %mul3A_25 = arith.muli %arg0, %mul3A_24 : i32
    %mul3A_26 = arith.constant 632 : i32
    %mul3A_27 = arith.muli %arg1, %mul3A_26 : i32
    %add3A_28 = arith.addi %mul3A_25, %mul3A_27 : i32
    "tpu.region"() ({
      %run_scoped3A = tpu.sem_alloc : memref<!tpu.dma_semaphore, #tpu.memory_space<semaphore_mem>>
      %dma_start3A = arith.constant 0 : i32
      %dma_start3A_29 = tpu.memref_slice %arg4[%add3A_28, %dma_start3A] : memref<20224x16xf32, #tpu.memory_space<hbm>> -> memref<632x16xf32, #tpu.memory_space<hbm>>
      %dma_start3A_30 = arith.constant 0 : i32
      %dma_start3A_31 = tpu.memref_slice %arg7[%mul3A_23, %dma_start3A_30] : memref<10112x16xf32, #tpu.memory_space<vmem_shared>> -> memref<632x16xf32, #tpu.memory_space<vmem_shared>>
      tpu.enqueue_dma source(%dma_start3A_31 : memref<632x16xf32, #tpu.memory_space<vmem_shared>>) target(%dma_start3A_29 : memref<632x16xf32, #tpu.memory_space<hbm>>) target_semaphore(%run_scoped3A : memref<!tpu.dma_semaphore, #tpu.memory_space<semaphore_mem>>)
      %dma_wait3A = arith.constant 0 : i32
      %dma_wait3A_32 = tpu.memref_slice %arg4[%add3A_28, %dma_wait3A] : memref<20224x16xf32, #tpu.memory_space<hbm>> -> memref<632x16xf32, #tpu.memory_space<hbm>>
      %dma_wait3A_33 = arith.constant 0 : i32
      %dma_wait3A_34 = tpu.memref_slice %arg7[%mul3A_23, %dma_wait3A_33] : memref<10112x16xf32, #tpu.memory_space<vmem_shared>> -> memref<632x16xf32, #tpu.memory_space<vmem_shared>>
      tpu.wait_dma2 semaphore(%run_scoped3A : memref<!tpu.dma_semaphore, #tpu.memory_space<semaphore_mem>>) src(%dma_wait3A_34 : memref<632x16xf32, #tpu.memory_space<vmem_shared>>) dst(%dma_wait3A_32 : memref<632x16xf32, #tpu.memory_space<hbm>>)
      tpu.yield
    }) : () -> ()
    return
  }
}

#map = affine_map<(d0, d1) -> (0, 0)>
#map1 = affine_map<(d0, d1) -> (0, 0, 0)>
module attributes {stable_mosaic.version = 14 : i64} {
  func.func @agg_kernel(%arg0: i32, %arg1: i32, %arg2: memref<10000x64xf32, #tpu.memory_space<hbm>>, %arg3: memref<32x132x88xi32, #tpu.memory_space<hbm>>, %arg4: memref<32x132x88xi32, #tpu.memory_space<hbm>>, %arg5: memref<20224x64xf32, #tpu.memory_space<hbm>>, %arg6: memref<132x88xi32, #tpu.memory_space<vmem>>, %arg7: memref<132x88xi32, #tpu.memory_space<vmem>>, %arg8: memref<10112x64xf32, #tpu.memory_space<vmem_shared>>, %arg9: memref<88x64xf32, #tpu.memory_space<vmem>>, %arg10: memref<88x64xf32, #tpu.memory_space<vmem>>, %arg11: memref<!tpu.dma_semaphore, #tpu.memory_space<semaphore_mem>>, %arg12: memref<!tpu.dma_semaphore, #tpu.memory_space<semaphore_mem>>) attributes {dimension_semantics = [#tpu.dimension_semantics<core_parallel>, #tpu.dimension_semantics<subcore_parallel>], iteration_bounds = array<i64: 2, 16>, scalar_prefetch = 0 : i64, scratch_operands = 7 : i64, tpu.core_type = #tpu.core_type<sc_vector_subcore>, window_params = [{transform_indices = #map}, {transform_indices = #map1}, {transform_indices = #map1}, {transform_indices = #map}]} {
    %mul3A = arith.constant 2 : i32
    %mul3A_0 = arith.muli %arg1, %mul3A : i32
    %add3A = arith.addi %mul3A_0, %arg0 : i32
    "tpu.region"() ({
      %run_scoped3A = tpu.sem_alloc : memref<!tpu.dma_semaphore, #tpu.memory_space<semaphore_mem>>
      %dma_start3A_170 = arith.constant 0 : i32
      %dma_start3A_171 = arith.constant 0 : i32
      %dma_start3A_172 = tpu.memref_slice %arg3[%add3A, %dma_start3A_170, %dma_start3A_171] : memref<32x132x88xi32, #tpu.memory_space<hbm>> -> memref<1x132x88xi32, #tpu.memory_space<hbm>>
      %dma_start3A_173 = tpu.memref_squeeze %dma_start3A_172 : memref<1x132x88xi32, #tpu.memory_space<hbm>> -> memref<132x88xi32, #tpu.memory_space<hbm>>
      %dma_start3A_174 = arith.constant 0 : i32
      %dma_start3A_175 = arith.constant 0 : i32
      %dma_start3A_176 = tpu.memref_slice %arg3[%add3A, %dma_start3A_174, %dma_start3A_175] : memref<32x132x88xi32, #tpu.memory_space<hbm>> -> memref<1x132x88xi32, #tpu.memory_space<hbm>>
      %dma_start3A_177 = tpu.memref_squeeze %dma_start3A_176 : memref<1x132x88xi32, #tpu.memory_space<hbm>> -> memref<132x88xi32, #tpu.memory_space<hbm>>
      tpu.enqueue_dma source(%dma_start3A_177 : memref<132x88xi32, #tpu.memory_space<hbm>>) target(%arg6 : memref<132x88xi32, #tpu.memory_space<vmem>>) target_semaphore(%run_scoped3A : memref<!tpu.dma_semaphore, #tpu.memory_space<semaphore_mem>>)
      %dma_wait3A = arith.constant 0 : i32
      %dma_wait3A_178 = arith.constant 0 : i32
      %dma_wait3A_179 = tpu.memref_slice %arg3[%add3A, %dma_wait3A, %dma_wait3A_178] : memref<32x132x88xi32, #tpu.memory_space<hbm>> -> memref<1x132x88xi32, #tpu.memory_space<hbm>>
      %dma_wait3A_180 = tpu.memref_squeeze %dma_wait3A_179 : memref<1x132x88xi32, #tpu.memory_space<hbm>> -> memref<132x88xi32, #tpu.memory_space<hbm>>
      %dma_wait3A_181 = arith.constant 0 : i32
      %dma_wait3A_182 = arith.constant 0 : i32
      %dma_wait3A_183 = tpu.memref_slice %arg3[%add3A, %dma_wait3A_181, %dma_wait3A_182] : memref<32x132x88xi32, #tpu.memory_space<hbm>> -> memref<1x132x88xi32, #tpu.memory_space<hbm>>
      %dma_wait3A_184 = tpu.memref_squeeze %dma_wait3A_183 : memref<1x132x88xi32, #tpu.memory_space<hbm>> -> memref<132x88xi32, #tpu.memory_space<hbm>>
      tpu.wait_dma2 semaphore(%run_scoped3A : memref<!tpu.dma_semaphore, #tpu.memory_space<semaphore_mem>>) src(%dma_wait3A_184 : memref<132x88xi32, #tpu.memory_space<hbm>>) dst(%arg6 : memref<132x88xi32, #tpu.memory_space<vmem>>)
      tpu.yield
    }) : () -> ()
    "tpu.region"() ({
      %run_scoped3A = tpu.sem_alloc : memref<!tpu.dma_semaphore, #tpu.memory_space<semaphore_mem>>
      %dma_start3A_170 = arith.constant 0 : i32
      %dma_start3A_171 = arith.constant 0 : i32
      %dma_start3A_172 = tpu.memref_slice %arg4[%add3A, %dma_start3A_170, %dma_start3A_171] : memref<32x132x88xi32, #tpu.memory_space<hbm>> -> memref<1x132x88xi32, #tpu.memory_space<hbm>>
      %dma_start3A_173 = tpu.memref_squeeze %dma_start3A_172 : memref<1x132x88xi32, #tpu.memory_space<hbm>> -> memref<132x88xi32, #tpu.memory_space<hbm>>
      %dma_start3A_174 = arith.constant 0 : i32
      %dma_start3A_175 = arith.constant 0 : i32
      %dma_start3A_176 = tpu.memref_slice %arg4[%add3A, %dma_start3A_174, %dma_start3A_175] : memref<32x132x88xi32, #tpu.memory_space<hbm>> -> memref<1x132x88xi32, #tpu.memory_space<hbm>>
      %dma_start3A_177 = tpu.memref_squeeze %dma_start3A_176 : memref<1x132x88xi32, #tpu.memory_space<hbm>> -> memref<132x88xi32, #tpu.memory_space<hbm>>
      tpu.enqueue_dma source(%dma_start3A_177 : memref<132x88xi32, #tpu.memory_space<hbm>>) target(%arg7 : memref<132x88xi32, #tpu.memory_space<vmem>>) target_semaphore(%run_scoped3A : memref<!tpu.dma_semaphore, #tpu.memory_space<semaphore_mem>>)
      %dma_wait3A = arith.constant 0 : i32
      %dma_wait3A_178 = arith.constant 0 : i32
      %dma_wait3A_179 = tpu.memref_slice %arg4[%add3A, %dma_wait3A, %dma_wait3A_178] : memref<32x132x88xi32, #tpu.memory_space<hbm>> -> memref<1x132x88xi32, #tpu.memory_space<hbm>>
      %dma_wait3A_180 = tpu.memref_squeeze %dma_wait3A_179 : memref<1x132x88xi32, #tpu.memory_space<hbm>> -> memref<132x88xi32, #tpu.memory_space<hbm>>
      %dma_wait3A_181 = arith.constant 0 : i32
      %dma_wait3A_182 = arith.constant 0 : i32
      %dma_wait3A_183 = tpu.memref_slice %arg4[%add3A, %dma_wait3A_181, %dma_wait3A_182] : memref<32x132x88xi32, #tpu.memory_space<hbm>> -> memref<1x132x88xi32, #tpu.memory_space<hbm>>
      %dma_wait3A_184 = tpu.memref_squeeze %dma_wait3A_183 : memref<1x132x88xi32, #tpu.memory_space<hbm>> -> memref<132x88xi32, #tpu.memory_space<hbm>>
      tpu.wait_dma2 semaphore(%run_scoped3A : memref<!tpu.dma_semaphore, #tpu.memory_space<semaphore_mem>>) src(%dma_wait3A_184 : memref<132x88xi32, #tpu.memory_space<hbm>>) dst(%arg7 : memref<132x88xi32, #tpu.memory_space<vmem>>)
      tpu.yield
    }) : () -> ()
    %broadcast_in_dim3A = arith.constant 0.000000e+00 : f32
    %broadcast_in_dim3A_1 = vector.broadcast %broadcast_in_dim3A : f32 to vector<16xf32>
    %scan3A = arith.constant 0 : i32
    %scan3A_2 = arith.constant 0 : i32
    %scan3A_3 = arith.constant 88 : i32
    %scan3A_4 = arith.addi %scan3A_2, %scan3A_3 : i32
    %scan3A_5 = arith.constant 1 : i32
    scf.for %scan3A_170 = %scan3A_2 to %scan3A_4 step %scan3A_5  : i32 {
      %swap3A = arith.index_cast %scan3A_170 : i32 to index
      %swap3A_171 = arith.constant 0 : index
      %swap3A_172 = tpu.vector_load %arg9[%swap3A, %swap3A_171] {strides = array<i32>} : memref<88x64xf32, #tpu.memory_space<vmem>>, vector<1x16xf32>,
      %swap3A_173 = vector.shape_cast %swap3A_172 : vector<1x16xf32> to vector<16xf32>
      %swap3A_174 = vector.shape_cast %broadcast_in_dim3A_1 : vector<16xf32> to vector<1x16xf32>
      tpu.vector_store %arg9[%swap3A, %swap3A_171], %swap3A_174 {strides = array<i32>} : memref<88x64xf32, #tpu.memory_space<vmem>>, vector<1x16xf32>,
      %swap3A_175 = arith.index_cast %scan3A_170 : i32 to index
      %swap3A_176 = arith.constant 16 : index
      %swap3A_177 = tpu.vector_load %arg9[%swap3A_175, %swap3A_176] {strides = array<i32>} : memref<88x64xf32, #tpu.memory_space<vmem>>, vector<1x16xf32>,
      %swap3A_178 = vector.shape_cast %swap3A_177 : vector<1x16xf32> to vector<16xf32>
      %swap3A_179 = vector.shape_cast %broadcast_in_dim3A_1 : vector<16xf32> to vector<1x16xf32>
      tpu.vector_store %arg9[%swap3A_175, %swap3A_176], %swap3A_179 {strides = array<i32>} : memref<88x64xf32, #tpu.memory_space<vmem>>, vector<1x16xf32>,
      %swap3A_180 = arith.index_cast %scan3A_170 : i32 to index
      %swap3A_181 = arith.constant 32 : index
      %swap3A_182 = tpu.vector_load %arg9[%swap3A_180, %swap3A_181] {strides = array<i32>} : memref<88x64xf32, #tpu.memory_space<vmem>>, vector<1x16xf32>,
      %swap3A_183 = vector.shape_cast %swap3A_182 : vector<1x16xf32> to vector<16xf32>
      %swap3A_184 = vector.shape_cast %broadcast_in_dim3A_1 : vector<16xf32> to vector<1x16xf32>
      tpu.vector_store %arg9[%swap3A_180, %swap3A_181], %swap3A_184 {strides = array<i32>} : memref<88x64xf32, #tpu.memory_space<vmem>>, vector<1x16xf32>,
      %swap3A_185 = arith.index_cast %scan3A_170 : i32 to index
      %swap3A_186 = arith.constant 48 : index
      %swap3A_187 = tpu.vector_load %arg9[%swap3A_185, %swap3A_186] {strides = array<i32>} : memref<88x64xf32, #tpu.memory_space<vmem>>, vector<1x16xf32>,
      %swap3A_188 = vector.shape_cast %swap3A_187 : vector<1x16xf32> to vector<16xf32>
      %swap3A_189 = vector.shape_cast %broadcast_in_dim3A_1 : vector<16xf32> to vector<1x16xf32>
      tpu.vector_store %arg9[%swap3A_185, %swap3A_186], %swap3A_189 {strides = array<i32>} : memref<88x64xf32, #tpu.memory_space<vmem>>, vector<1x16xf32>,
    }
    %scan3A_6 = arith.constant 88 : i32
    %mul3A_7 = arith.constant 632 : i32
    %mul3A_8 = arith.muli %arg1, %mul3A_7 : i32
    %add3A_9 = arith.constant 0 : i32
    %add3A_10 = arith.addi %mul3A_8, %add3A_9 : i32
    "tpu.region"() ({
      %run_scoped3A = tpu.sem_alloc : memref<!tpu.dma_semaphore, #tpu.memory_space<semaphore_mem>>
      %dma_start3A_170 = arith.constant 0 : i32
      %dma_start3A_171 = tpu.memref_slice %arg8[%add3A_10, %dma_start3A_170] : memref<10112x64xf32, #tpu.memory_space<vmem_shared>> -> memref<88x64xf32, #tpu.memory_space<vmem_shared>>
      %dma_start3A_172 = arith.constant 0 : i32
      %dma_start3A_173 = tpu.memref_slice %arg8[%add3A_10, %dma_start3A_172] : memref<10112x64xf32, #tpu.memory_space<vmem_shared>> -> memref<88x64xf32, #tpu.memory_space<vmem_shared>>
      tpu.enqueue_dma source(%arg9 : memref<88x64xf32, #tpu.memory_space<vmem>>) target(%dma_start3A_173 : memref<88x64xf32, #tpu.memory_space<vmem_shared>>) target_semaphore(%run_scoped3A : memref<!tpu.dma_semaphore, #tpu.memory_space<semaphore_mem>>)
      %dma_wait3A = arith.constant 0 : i32
      %dma_wait3A_174 = tpu.memref_slice %arg8[%add3A_10, %dma_wait3A] : memref<10112x64xf32, #tpu.memory_space<vmem_shared>> -> memref<88x64xf32, #tpu.memory_space<vmem_shared>>
      %dma_wait3A_175 = arith.constant 0 : i32
      %dma_wait3A_176 = tpu.memref_slice %arg8[%add3A_10, %dma_wait3A_175] : memref<10112x64xf32, #tpu.memory_space<vmem_shared>> -> memref<88x64xf32, #tpu.memory_space<vmem_shared>>
      tpu.wait_dma2 semaphore(%run_scoped3A : memref<!tpu.dma_semaphore, #tpu.memory_space<semaphore_mem>>) src(%arg9 : memref<88x64xf32, #tpu.memory_space<vmem>>) dst(%dma_wait3A_176 : memref<88x64xf32, #tpu.memory_space<vmem_shared>>)
      tpu.yield
    }) : () -> ()
    %mul3A_11 = arith.constant 632 : i32
    %mul3A_12 = arith.muli %arg1, %mul3A_11 : i32
    %add3A_13 = arith.constant 88 : i32
    %add3A_14 = arith.addi %mul3A_12, %add3A_13 : i32
    "tpu.region"() ({
      %run_scoped3A = tpu.sem_alloc : memref<!tpu.dma_semaphore, #tpu.memory_space<semaphore_mem>>
      %dma_start3A_170 = arith.constant 0 : i32
      %dma_start3A_171 = tpu.memref_slice %arg8[%add3A_14, %dma_start3A_170] : memref<10112x64xf32, #tpu.memory_space<vmem_shared>> -> memref<88x64xf32, #tpu.memory_space<vmem_shared>>
      %dma_start3A_172 = arith.constant 0 : i32
      %dma_start3A_173 = tpu.memref_slice %arg8[%add3A_14, %dma_start3A_172] : memref<10112x64xf32, #tpu.memory_space<vmem_shared>> -> memref<88x64xf32, #tpu.memory_space<vmem_shared>>
      tpu.enqueue_dma source(%arg9 : memref<88x64xf32, #tpu.memory_space<vmem>>) target(%dma_start3A_173 : memref<88x64xf32, #tpu.memory_space<vmem_shared>>) target_semaphore(%run_scoped3A : memref<!tpu.dma_semaphore, #tpu.memory_space<semaphore_mem>>)
      %dma_wait3A = arith.constant 0 : i32
      %dma_wait3A_174 = tpu.memref_slice %arg8[%add3A_14, %dma_wait3A] : memref<10112x64xf32, #tpu.memory_space<vmem_shared>> -> memref<88x64xf32, #tpu.memory_space<vmem_shared>>
      %dma_wait3A_175 = arith.constant 0 : i32
      %dma_wait3A_176 = tpu.memref_slice %arg8[%add3A_14, %dma_wait3A_175] : memref<10112x64xf32, #tpu.memory_space<vmem_shared>> -> memref<88x64xf32, #tpu.memory_space<vmem_shared>>
      tpu.wait_dma2 semaphore(%run_scoped3A : memref<!tpu.dma_semaphore, #tpu.memory_space<semaphore_mem>>) src(%arg9 : memref<88x64xf32, #tpu.memory_space<vmem>>) dst(%dma_wait3A_176 : memref<88x64xf32, #tpu.memory_space<vmem_shared>>)
      tpu.yield
    }) : () -> ()
    %mul3A_15 = arith.constant 632 : i32
    %mul3A_16 = arith.muli %arg1, %mul3A_15 : i32
    %add3A_17 = arith.constant 176 : i32
    %add3A_18 = arith.addi %mul3A_16, %add3A_17 : i32
    "tpu.region"() ({
      %run_scoped3A = tpu.sem_alloc : memref<!tpu.dma_semaphore, #tpu.memory_space<semaphore_mem>>
      %dma_start3A_170 = arith.constant 0 : i32
      %dma_start3A_171 = tpu.memref_slice %arg8[%add3A_18, %dma_start3A_170] : memref<10112x64xf32, #tpu.memory_space<vmem_shared>> -> memref<88x64xf32, #tpu.memory_space<vmem_shared>>
      %dma_start3A_172 = arith.constant 0 : i32
      %dma_start3A_173 = tpu.memref_slice %arg8[%add3A_18, %dma_start3A_172] : memref<10112x64xf32, #tpu.memory_space<vmem_shared>> -> memref<88x64xf32, #tpu.memory_space<vmem_shared>>
      tpu.enqueue_dma source(%arg9 : memref<88x64xf32, #tpu.memory_space<vmem>>) target(%dma_start3A_173 : memref<88x64xf32, #tpu.memory_space<vmem_shared>>) target_semaphore(%run_scoped3A : memref<!tpu.dma_semaphore, #tpu.memory_space<semaphore_mem>>)
      %dma_wait3A = arith.constant 0 : i32
      %dma_wait3A_174 = tpu.memref_slice %arg8[%add3A_18, %dma_wait3A] : memref<10112x64xf32, #tpu.memory_space<vmem_shared>> -> memref<88x64xf32, #tpu.memory_space<vmem_shared>>
      %dma_wait3A_175 = arith.constant 0 : i32
      %dma_wait3A_176 = tpu.memref_slice %arg8[%add3A_18, %dma_wait3A_175] : memref<10112x64xf32, #tpu.memory_space<vmem_shared>> -> memref<88x64xf32, #tpu.memory_space<vmem_shared>>
      tpu.wait_dma2 semaphore(%run_scoped3A : memref<!tpu.dma_semaphore, #tpu.memory_space<semaphore_mem>>) src(%arg9 : memref<88x64xf32, #tpu.memory_space<vmem>>) dst(%dma_wait3A_176 : memref<88x64xf32, #tpu.memory_space<vmem_shared>>)
      tpu.yield
    }) : () -> ()
    %mul3A_19 = arith.constant 632 : i32
    %mul3A_20 = arith.muli %arg1, %mul3A_19 : i32
    %add3A_21 = arith.constant 264 : i32
    %add3A_22 = arith.addi %mul3A_20, %add3A_21 : i32
    "tpu.region"() ({
      %run_scoped3A = tpu.sem_alloc : memref<!tpu.dma_semaphore, #tpu.memory_space<semaphore_mem>>
      %dma_start3A_170 = arith.constant 0 : i32
      %dma_start3A_171 = tpu.memref_slice %arg8[%add3A_22, %dma_start3A_170] : memref<10112x64xf32, #tpu.memory_space<vmem_shared>> -> memref<88x64xf32, #tpu.memory_space<vmem_shared>>
      %dma_start3A_172 = arith.constant 0 : i32
      %dma_start3A_173 = tpu.memref_slice %arg8[%add3A_22, %dma_start3A_172] : memref<10112x64xf32, #tpu.memory_space<vmem_shared>> -> memref<88x64xf32, #tpu.memory_space<vmem_shared>>
      tpu.enqueue_dma source(%arg9 : memref<88x64xf32, #tpu.memory_space<vmem>>) target(%dma_start3A_173 : memref<88x64xf32, #tpu.memory_space<vmem_shared>>) target_semaphore(%run_scoped3A : memref<!tpu.dma_semaphore, #tpu.memory_space<semaphore_mem>>)
      %dma_wait3A = arith.constant 0 : i32
      %dma_wait3A_174 = tpu.memref_slice %arg8[%add3A_22, %dma_wait3A] : memref<10112x64xf32, #tpu.memory_space<vmem_shared>> -> memref<88x64xf32, #tpu.memory_space<vmem_shared>>
      %dma_wait3A_175 = arith.constant 0 : i32
      %dma_wait3A_176 = tpu.memref_slice %arg8[%add3A_22, %dma_wait3A_175] : memref<10112x64xf32, #tpu.memory_space<vmem_shared>> -> memref<88x64xf32, #tpu.memory_space<vmem_shared>>
      tpu.wait_dma2 semaphore(%run_scoped3A : memref<!tpu.dma_semaphore, #tpu.memory_space<semaphore_mem>>) src(%arg9 : memref<88x64xf32, #tpu.memory_space<vmem>>) dst(%dma_wait3A_176 : memref<88x64xf32, #tpu.memory_space<vmem_shared>>)
      tpu.yield
    }) : () -> ()
    %mul3A_23 = arith.constant 632 : i32
    %mul3A_24 = arith.muli %arg1, %mul3A_23 : i32
    %add3A_25 = arith.constant 352 : i32
    %add3A_26 = arith.addi %mul3A_24, %add3A_25 : i32
    "tpu.region"() ({
      %run_scoped3A = tpu.sem_alloc : memref<!tpu.dma_semaphore, #tpu.memory_space<semaphore_mem>>
      %dma_start3A_170 = arith.constant 0 : i32
      %dma_start3A_171 = tpu.memref_slice %arg8[%add3A_26, %dma_start3A_170] : memref<10112x64xf32, #tpu.memory_space<vmem_shared>> -> memref<88x64xf32, #tpu.memory_space<vmem_shared>>
      %dma_start3A_172 = arith.constant 0 : i32
      %dma_start3A_173 = tpu.memref_slice %arg8[%add3A_26, %dma_start3A_172] : memref<10112x64xf32, #tpu.memory_space<vmem_shared>> -> memref<88x64xf32, #tpu.memory_space<vmem_shared>>
      tpu.enqueue_dma source(%arg9 : memref<88x64xf32, #tpu.memory_space<vmem>>) target(%dma_start3A_173 : memref<88x64xf32, #tpu.memory_space<vmem_shared>>) target_semaphore(%run_scoped3A : memref<!tpu.dma_semaphore, #tpu.memory_space<semaphore_mem>>)
      %dma_wait3A = arith.constant 0 : i32
      %dma_wait3A_174 = tpu.memref_slice %arg8[%add3A_26, %dma_wait3A] : memref<10112x64xf32, #tpu.memory_space<vmem_shared>> -> memref<88x64xf32, #tpu.memory_space<vmem_shared>>
      %dma_wait3A_175 = arith.constant 0 : i32
      %dma_wait3A_176 = tpu.memref_slice %arg8[%add3A_26, %dma_wait3A_175] : memref<10112x64xf32, #tpu.memory_space<vmem_shared>> -> memref<88x64xf32, #tpu.memory_space<vmem_shared>>
      tpu.wait_dma2 semaphore(%run_scoped3A : memref<!tpu.dma_semaphore, #tpu.memory_space<semaphore_mem>>) src(%arg9 : memref<88x64xf32, #tpu.memory_space<vmem>>) dst(%dma_wait3A_176 : memref<88x64xf32, #tpu.memory_space<vmem_shared>>)
      tpu.yield
    }) : () -> ()
    %mul3A_27 = arith.constant 632 : i32
    %mul3A_28 = arith.muli %arg1, %mul3A_27 : i32
    %add3A_29 = arith.constant 440 : i32
    %add3A_30 = arith.addi %mul3A_28, %add3A_29 : i32
    "tpu.region"() ({
      %run_scoped3A = tpu.sem_alloc : memref<!tpu.dma_semaphore, #tpu.memory_space<semaphore_mem>>
      %dma_start3A_170 = arith.constant 0 : i32
      %dma_start3A_171 = tpu.memref_slice %arg8[%add3A_30, %dma_start3A_170] : memref<10112x64xf32, #tpu.memory_space<vmem_shared>> -> memref<88x64xf32, #tpu.memory_space<vmem_shared>>
      %dma_start3A_172 = arith.constant 0 : i32
      %dma_start3A_173 = tpu.memref_slice %arg8[%add3A_30, %dma_start3A_172] : memref<10112x64xf32, #tpu.memory_space<vmem_shared>> -> memref<88x64xf32, #tpu.memory_space<vmem_shared>>
      tpu.enqueue_dma source(%arg9 : memref<88x64xf32, #tpu.memory_space<vmem>>) target(%dma_start3A_173 : memref<88x64xf32, #tpu.memory_space<vmem_shared>>) target_semaphore(%run_scoped3A : memref<!tpu.dma_semaphore, #tpu.memory_space<semaphore_mem>>)
      %dma_wait3A = arith.constant 0 : i32
      %dma_wait3A_174 = tpu.memref_slice %arg8[%add3A_30, %dma_wait3A] : memref<10112x64xf32, #tpu.memory_space<vmem_shared>> -> memref<88x64xf32, #tpu.memory_space<vmem_shared>>
      %dma_wait3A_175 = arith.constant 0 : i32
      %dma_wait3A_176 = tpu.memref_slice %arg8[%add3A_30, %dma_wait3A_175] : memref<10112x64xf32, #tpu.memory_space<vmem_shared>> -> memref<88x64xf32, #tpu.memory_space<vmem_shared>>
      tpu.wait_dma2 semaphore(%run_scoped3A : memref<!tpu.dma_semaphore, #tpu.memory_space<semaphore_mem>>) src(%arg9 : memref<88x64xf32, #tpu.memory_space<vmem>>) dst(%dma_wait3A_176 : memref<88x64xf32, #tpu.memory_space<vmem_shared>>)
      tpu.yield
    }) : () -> ()
    %mul3A_31 = arith.constant 632 : i32
    %mul3A_32 = arith.muli %arg1, %mul3A_31 : i32
    %add3A_33 = arith.constant 528 : i32
    %add3A_34 = arith.addi %mul3A_32, %add3A_33 : i32
    "tpu.region"() ({
      %run_scoped3A = tpu.sem_alloc : memref<!tpu.dma_semaphore, #tpu.memory_space<semaphore_mem>>
      %dma_start3A_170 = arith.constant 0 : i32
      %dma_start3A_171 = tpu.memref_slice %arg8[%add3A_34, %dma_start3A_170] : memref<10112x64xf32, #tpu.memory_space<vmem_shared>> -> memref<88x64xf32, #tpu.memory_space<vmem_shared>>
      %dma_start3A_172 = arith.constant 0 : i32
      %dma_start3A_173 = tpu.memref_slice %arg8[%add3A_34, %dma_start3A_172] : memref<10112x64xf32, #tpu.memory_space<vmem_shared>> -> memref<88x64xf32, #tpu.memory_space<vmem_shared>>
      tpu.enqueue_dma source(%arg9 : memref<88x64xf32, #tpu.memory_space<vmem>>) target(%dma_start3A_173 : memref<88x64xf32, #tpu.memory_space<vmem_shared>>) target_semaphore(%run_scoped3A : memref<!tpu.dma_semaphore, #tpu.memory_space<semaphore_mem>>)
      %dma_wait3A = arith.constant 0 : i32
      %dma_wait3A_174 = tpu.memref_slice %arg8[%add3A_34, %dma_wait3A] : memref<10112x64xf32, #tpu.memory_space<vmem_shared>> -> memref<88x64xf32, #tpu.memory_space<vmem_shared>>
      %dma_wait3A_175 = arith.constant 0 : i32
      %dma_wait3A_176 = tpu.memref_slice %arg8[%add3A_34, %dma_wait3A_175] : memref<10112x64xf32, #tpu.memory_space<vmem_shared>> -> memref<88x64xf32, #tpu.memory_space<vmem_shared>>
      tpu.wait_dma2 semaphore(%run_scoped3A : memref<!tpu.dma_semaphore, #tpu.memory_space<semaphore_mem>>) src(%arg9 : memref<88x64xf32, #tpu.memory_space<vmem>>) dst(%dma_wait3A_176 : memref<88x64xf32, #tpu.memory_space<vmem_shared>>)
      tpu.yield
    }) : () -> ()
    %mul3A_35 = arith.constant 632 : i32
    %mul3A_36 = arith.muli %arg1, %mul3A_35 : i32
    %add3A_37 = arith.constant 616 : i32
    %add3A_38 = arith.addi %mul3A_36, %add3A_37 : i32
    "tpu.region"() ({
      %run_scoped3A = tpu.sem_alloc : memref<!tpu.dma_semaphore, #tpu.memory_space<semaphore_mem>>
      %dma_start3A_170 = arith.constant 0 : i32
      %dma_start3A_171 = arith.constant 0 : i32
      %dma_start3A_172 = tpu.memref_slice %arg9[%dma_start3A_170, %dma_start3A_171] : memref<88x64xf32, #tpu.memory_space<vmem>> -> memref<16x64xf32, #tpu.memory_space<vmem>>
      %dma_start3A_173 = arith.constant 0 : i32
      %dma_start3A_174 = tpu.memref_slice %arg8[%add3A_38, %dma_start3A_173] : memref<10112x64xf32, #tpu.memory_space<vmem_shared>> -> memref<16x64xf32, #tpu.memory_space<vmem_shared>>
      %dma_start3A_175 = arith.constant 0 : i32
      %dma_start3A_176 = tpu.memref_slice %arg8[%add3A_38, %dma_start3A_175] : memref<10112x64xf32, #tpu.memory_space<vmem_shared>> -> memref<16x64xf32, #tpu.memory_space<vmem_shared>>
      %dma_start3A_177 = arith.constant 0 : i32
      %dma_start3A_178 = arith.constant 0 : i32
      %dma_start3A_179 = tpu.memref_slice %arg9[%dma_start3A_177, %dma_start3A_178] : memref<88x64xf32, #tpu.memory_space<vmem>> -> memref<16x64xf32, #tpu.memory_space<vmem>>
      tpu.enqueue_dma source(%dma_start3A_179 : memref<16x64xf32, #tpu.memory_space<vmem>>) target(%dma_start3A_176 : memref<16x64xf32, #tpu.memory_space<vmem_shared>>) target_semaphore(%run_scoped3A : memref<!tpu.dma_semaphore, #tpu.memory_space<semaphore_mem>>)
      %dma_wait3A = arith.constant 0 : i32
      %dma_wait3A_180 = arith.constant 0 : i32
      %dma_wait3A_181 = tpu.memref_slice %arg9[%dma_wait3A, %dma_wait3A_180] : memref<88x64xf32, #tpu.memory_space<vmem>> -> memref<16x64xf32, #tpu.memory_space<vmem>>
      %dma_wait3A_182 = arith.constant 0 : i32
      %dma_wait3A_183 = tpu.memref_slice %arg8[%add3A_38, %dma_wait3A_182] : memref<10112x64xf32, #tpu.memory_space<vmem_shared>> -> memref<16x64xf32, #tpu.memory_space<vmem_shared>>
      %dma_wait3A_184 = arith.constant 0 : i32
      %dma_wait3A_185 = tpu.memref_slice %arg8[%add3A_38, %dma_wait3A_184] : memref<10112x64xf32, #tpu.memory_space<vmem_shared>> -> memref<16x64xf32, #tpu.memory_space<vmem_shared>>
      %dma_wait3A_186 = arith.constant 0 : i32
      %dma_wait3A_187 = arith.constant 0 : i32
      %dma_wait3A_188 = tpu.memref_slice %arg9[%dma_wait3A_186, %dma_wait3A_187] : memref<88x64xf32, #tpu.memory_space<vmem>> -> memref<16x64xf32, #tpu.memory_space<vmem>>
      tpu.wait_dma2 semaphore(%run_scoped3A : memref<!tpu.dma_semaphore, #tpu.memory_space<semaphore_mem>>) src(%dma_wait3A_188 : memref<16x64xf32, #tpu.memory_space<vmem>>) dst(%dma_wait3A_185 : memref<16x64xf32, #tpu.memory_space<vmem_shared>>)
      tpu.yield
    }) : () -> ()
    %barrier3A = arith.constant 0 : index
    tpu.barrier barrier_id(%barrier3A)
    %eq3A = arith.constant 0 : i32
    %eq3A_39 = arith.cmpi eq, %arg0, %eq3A : i32
    %jit3A = arith.constant 132 : i32
    %jit3A_40 = arith.constant 96 : i32
    %select_n3A = arith.select %eq3A_39, %jit3A, %jit3A_40 : i32
    %dma_start3A = arith.constant 0 : i32
    %dma_start3A_41 = arith.constant 0 : i32
    %dma_start3A_42 = tpu.memref_slice %arg6[%dma_start3A, %dma_start3A_41] : memref<132x88xi32, #tpu.memory_space<vmem>> -> memref<1x88xi32, #tpu.memory_space<vmem>>
    %dma_start3A_43 = tpu.memref_squeeze %dma_start3A_42 : memref<1x88xi32, #tpu.memory_space<vmem>> -> memref<88xi32, #tpu.memory_space<vmem>>
    %dma_start3A_44 = arith.constant 0 : i32
    %dma_start3A_45 = arith.constant 0 : i32
    %dma_start3A_46 = tpu.memref_slice %arg2[%dma_start3A_44, %dma_start3A_45] : memref<10000x64xf32, #tpu.memory_space<hbm>> -> memref<10000x64xf32, #tpu.memory_space<hbm>>
    tpu.enqueue_indirect_dma source(%dma_start3A_46 : memref<10000x64xf32, #tpu.memory_space<hbm>>) target(%arg9 : memref<88x64xf32, #tpu.memory_space<vmem>>) offsets(%dma_start3A_43 : memref<88xi32, #tpu.memory_space<vmem>>) semaphore(%arg11 : memref<!tpu.dma_semaphore, #tpu.memory_space<semaphore_mem>>)
    %dma_start3A_47 = arith.constant 1 : i32
    %dma_start3A_48 = arith.constant 0 : i32
    %dma_start3A_49 = tpu.memref_slice %arg6[%dma_start3A_47, %dma_start3A_48] : memref<132x88xi32, #tpu.memory_space<vmem>> -> memref<1x88xi32, #tpu.memory_space<vmem>>
    %dma_start3A_50 = tpu.memref_squeeze %dma_start3A_49 : memref<1x88xi32, #tpu.memory_space<vmem>> -> memref<88xi32, #tpu.memory_space<vmem>>
    %dma_start3A_51 = arith.constant 0 : i32
    %dma_start3A_52 = arith.constant 0 : i32
    %dma_start3A_53 = tpu.memref_slice %arg2[%dma_start3A_51, %dma_start3A_52] : memref<10000x64xf32, #tpu.memory_space<hbm>> -> memref<10000x64xf32, #tpu.memory_space<hbm>>
    tpu.enqueue_indirect_dma source(%dma_start3A_53 : memref<10000x64xf32, #tpu.memory_space<hbm>>) target(%arg10 : memref<88x64xf32, #tpu.memory_space<vmem>>) offsets(%dma_start3A_50 : memref<88xi32, #tpu.memory_space<vmem>>) semaphore(%arg12 : memref<!tpu.dma_semaphore, #tpu.memory_space<semaphore_mem>>)
    %jit3A_54 = arith.constant 2 : i32
    %div3A = arith.divsi %select_n3A, %jit3A_54 : i32
    %sign3A = arith.constant 0 : i32
    %sign3A_55 = arith.cmpi sgt, %select_n3A, %sign3A : i32
    %sign3A_56 = arith.extui %sign3A_55 : i1 to i32
    %sign3A_57 = arith.constant 0 : i32
    %sign3A_58 = arith.cmpi slt, %select_n3A, %sign3A_57 : i32
    %sign3A_59 = arith.extui %sign3A_58 : i1 to i32
    %sign3A_60 = arith.subi %sign3A_56, %sign3A_59 : i32
    %sign3A_61 = arith.constant 0 : i32
    %sign3A_62 = arith.cmpi sgt, %jit3A_54, %sign3A_61 : i32
    %sign3A_63 = arith.extui %sign3A_62 : i1 to i32
    %sign3A_64 = arith.constant 0 : i32
    %sign3A_65 = arith.cmpi slt, %jit3A_54, %sign3A_64 : i32
    %sign3A_66 = arith.extui %sign3A_65 : i1 to i32
    %sign3A_67 = arith.subi %sign3A_63, %sign3A_66 : i32
    %ne3A = arith.cmpi ne, %sign3A_60, %sign3A_67 : i32
    %rem3A = arith.remsi %select_n3A, %jit3A_54 : i32
    %ne3A_68 = arith.constant 0 : i32
    %ne3A_69 = arith.cmpi ne, %rem3A, %ne3A_68 : i32
    %and3A = arith.andi %ne3A, %ne3A_69 : i1
    %sub3A = arith.constant 1 : i32
    %sub3A_70 = arith.subi %div3A, %sub3A : i32
    %select_n3A_71 = arith.select %and3A, %sub3A_70, %div3A : i32
    %while3A = arith.constant 0 : i32
    %while3A_72 = arith.constant 0 : i32
    %while3A_73 = arith.subi %select_n3A_71, %while3A_72 : i32
    %while3A_74 = arith.addi %while3A_72, %while3A_73 : i32
    %while3A_75 = arith.constant 1 : i32
    %while3A_76 = arith.divsi %while3A_73, %while3A_75 : i32
    %while3A_77 = arith.muli %while3A_76, %while3A_75 : i32
    %while3A_78 = arith.addi %while3A_72, %while3A_77 : i32
    %while3A_79 = arith.constant 1 : i32
    scf.for %while3A_170 = %while3A_72 to %while3A_78 step %while3A_79  : i32 {
      %mul3A_171 = arith.constant 2 : i32
      %mul3A_172 = arith.muli %while3A_170, %mul3A_171 : i32
      %add3A_173 = arith.constant 0 : i32
      %add3A_174 = arith.addi %mul3A_172, %add3A_173 : i32
      %dma_wait3A = arith.constant 0 : i32
      %dma_wait3A_175 = arith.constant 0 : i32
      %dma_wait3A_176 = tpu.memref_slice %arg6[%dma_wait3A, %dma_wait3A_175] : memref<132x88xi32, #tpu.memory_space<vmem>> -> memref<1x88xi32, #tpu.memory_space<vmem>>
      %dma_wait3A_177 = tpu.memref_squeeze %dma_wait3A_176 : memref<1x88xi32, #tpu.memory_space<vmem>> -> memref<88xi32, #tpu.memory_space<vmem>>
      %dma_wait3A_178 = arith.constant 0 : i32
      %dma_wait3A_179 = arith.constant 0 : i32
      %dma_wait3A_180 = tpu.memref_slice %arg2[%dma_wait3A_178, %dma_wait3A_179] : memref<10000x64xf32, #tpu.memory_space<hbm>> -> memref<10000x64xf32, #tpu.memory_space<hbm>>
      tpu.wait_indirect_dma semaphore(%arg11 : memref<!tpu.dma_semaphore, #tpu.memory_space<semaphore_mem>>) src(%dma_wait3A_180 : memref<10000x64xf32, #tpu.memory_space<hbm>>) dst(%arg9 : memref<88x64xf32, #tpu.memory_space<vmem>>)
      "tpu.region"() ({
        %run_scoped3A = tpu.sem_alloc : memref<!tpu.dma_semaphore, #tpu.memory_space<semaphore_mem>>
        %dma_start3A_201 = arith.constant 0 : i32
        %dma_start3A_202 = tpu.memref_slice %arg7[%add3A_174, %dma_start3A_201] : memref<132x88xi32, #tpu.memory_space<vmem>> -> memref<1x88xi32, #tpu.memory_space<vmem>>
        %dma_start3A_203 = tpu.memref_squeeze %dma_start3A_202 : memref<1x88xi32, #tpu.memory_space<vmem>> -> memref<88xi32, #tpu.memory_space<vmem>>
        %dma_start3A_204 = arith.constant 0 : i32
        %dma_start3A_205 = arith.constant 0 : i32
        %dma_start3A_206 = tpu.memref_slice %arg8[%dma_start3A_204, %dma_start3A_205] : memref<10112x64xf32, #tpu.memory_space<vmem_shared>> -> memref<10112x64xf32, #tpu.memory_space<vmem_shared>>
        tpu.enqueue_indirect_dma source(%arg9 : memref<88x64xf32, #tpu.memory_space<vmem>>) target(%dma_start3A_206 : memref<10112x64xf32, #tpu.memory_space<vmem_shared>>) offsets(%dma_start3A_203 : memref<88xi32, #tpu.memory_space<vmem>>) semaphore(%run_scoped3A : memref<!tpu.dma_semaphore, #tpu.memory_space<semaphore_mem>>) {add = true}
        %dma_wait3A_207 = arith.constant 0 : i32
        %dma_wait3A_208 = tpu.memref_slice %arg7[%add3A_174, %dma_wait3A_207] : memref<132x88xi32, #tpu.memory_space<vmem>> -> memref<1x88xi32, #tpu.memory_space<vmem>>
        %dma_wait3A_209 = tpu.memref_squeeze %dma_wait3A_208 : memref<1x88xi32, #tpu.memory_space<vmem>> -> memref<88xi32, #tpu.memory_space<vmem>>
        %dma_wait3A_210 = arith.constant 0 : i32
        %dma_wait3A_211 = arith.constant 0 : i32
        %dma_wait3A_212 = tpu.memref_slice %arg8[%dma_wait3A_210, %dma_wait3A_211] : memref<10112x64xf32, #tpu.memory_space<vmem_shared>> -> memref<10112x64xf32, #tpu.memory_space<vmem_shared>>
        tpu.wait_indirect_dma semaphore(%run_scoped3A : memref<!tpu.dma_semaphore, #tpu.memory_space<semaphore_mem>>) src(%arg9 : memref<88x64xf32, #tpu.memory_space<vmem>>) dst(%dma_wait3A_212 : memref<10112x64xf32, #tpu.memory_space<vmem_shared>>)
        tpu.yield
      }) : () -> ()
      %add3A_181 = arith.constant 2 : i32
      %add3A_182 = arith.addi %add3A_174, %add3A_181 : i32
      %lt3A = arith.cmpi slt, %add3A_182, %select_n3A : i32
      %convert_element_type3A = arith.extui %lt3A : i1 to i32
      %cond3A = arith.constant 0 : i32
      %cond3A_183 = arith.cmpi ne, %convert_element_type3A, %cond3A : i32
      scf.if %cond3A_183 {
        %add3A_201 = arith.constant 2 : i32
        %add3A_202 = arith.addi %add3A_174, %add3A_201 : i32
        %dma_start3A_203 = arith.constant 0 : i32
        %dma_start3A_204 = tpu.memref_slice %arg6[%add3A_202, %dma_start3A_203] : memref<132x88xi32, #tpu.memory_space<vmem>> -> memref<1x88xi32, #tpu.memory_space<vmem>>
        %dma_start3A_205 = tpu.memref_squeeze %dma_start3A_204 : memref<1x88xi32, #tpu.memory_space<vmem>> -> memref<88xi32, #tpu.memory_space<vmem>>
        %dma_start3A_206 = arith.constant 0 : i32
        %dma_start3A_207 = arith.constant 0 : i32
        %dma_start3A_208 = tpu.memref_slice %arg2[%dma_start3A_206, %dma_start3A_207] : memref<10000x64xf32, #tpu.memory_space<hbm>> -> memref<10000x64xf32, #tpu.memory_space<hbm>>
        tpu.enqueue_indirect_dma source(%dma_start3A_208 : memref<10000x64xf32, #tpu.memory_space<hbm>>) target(%arg9 : memref<88x64xf32, #tpu.memory_space<vmem>>) offsets(%dma_start3A_205 : memref<88xi32, #tpu.memory_space<vmem>>) semaphore(%arg11 : memref<!tpu.dma_semaphore, #tpu.memory_space<semaphore_mem>>)
      } else {
      }
      %mul3A_184 = arith.constant 2 : i32
      %mul3A_185 = arith.muli %while3A_170, %mul3A_184 : i32
      %add3A_186 = arith.constant 1 : i32
      %add3A_187 = arith.addi %mul3A_185, %add3A_186 : i32
      %dma_wait3A_188 = arith.constant 0 : i32
      %dma_wait3A_189 = arith.constant 0 : i32
      %dma_wait3A_190 = tpu.memref_slice %arg6[%dma_wait3A_188, %dma_wait3A_189] : memref<132x88xi32, #tpu.memory_space<vmem>> -> memref<1x88xi32, #tpu.memory_space<vmem>>
      %dma_wait3A_191 = tpu.memref_squeeze %dma_wait3A_190 : memref<1x88xi32, #tpu.memory_space<vmem>> -> memref<88xi32, #tpu.memory_space<vmem>>
      %dma_wait3A_192 = arith.constant 0 : i32
      %dma_wait3A_193 = arith.constant 0 : i32
      %dma_wait3A_194 = tpu.memref_slice %arg2[%dma_wait3A_192, %dma_wait3A_193] : memref<10000x64xf32, #tpu.memory_space<hbm>> -> memref<10000x64xf32, #tpu.memory_space<hbm>>
      tpu.wait_indirect_dma semaphore(%arg12 : memref<!tpu.dma_semaphore, #tpu.memory_space<semaphore_mem>>) src(%dma_wait3A_194 : memref<10000x64xf32, #tpu.memory_space<hbm>>) dst(%arg10 : memref<88x64xf32, #tpu.memory_space<vmem>>)
      "tpu.region"() ({
        %run_scoped3A = tpu.sem_alloc : memref<!tpu.dma_semaphore, #tpu.memory_space<semaphore_mem>>
        %dma_start3A_201 = arith.constant 0 : i32
        %dma_start3A_202 = tpu.memref_slice %arg7[%add3A_187, %dma_start3A_201] : memref<132x88xi32, #tpu.memory_space<vmem>> -> memref<1x88xi32, #tpu.memory_space<vmem>>
        %dma_start3A_203 = tpu.memref_squeeze %dma_start3A_202 : memref<1x88xi32, #tpu.memory_space<vmem>> -> memref<88xi32, #tpu.memory_space<vmem>>
        %dma_start3A_204 = arith.constant 0 : i32
        %dma_start3A_205 = arith.constant 0 : i32
        %dma_start3A_206 = tpu.memref_slice %arg8[%dma_start3A_204, %dma_start3A_205] : memref<10112x64xf32, #tpu.memory_space<vmem_shared>> -> memref<10112x64xf32, #tpu.memory_space<vmem_shared>>
        tpu.enqueue_indirect_dma source(%arg10 : memref<88x64xf32, #tpu.memory_space<vmem>>) target(%dma_start3A_206 : memref<10112x64xf32, #tpu.memory_space<vmem_shared>>) offsets(%dma_start3A_203 : memref<88xi32, #tpu.memory_space<vmem>>) semaphore(%run_scoped3A : memref<!tpu.dma_semaphore, #tpu.memory_space<semaphore_mem>>) {add = true}
        %dma_wait3A_207 = arith.constant 0 : i32
        %dma_wait3A_208 = tpu.memref_slice %arg7[%add3A_187, %dma_wait3A_207] : memref<132x88xi32, #tpu.memory_space<vmem>> -> memref<1x88xi32, #tpu.memory_space<vmem>>
        %dma_wait3A_209 = tpu.memref_squeeze %dma_wait3A_208 : memref<1x88xi32, #tpu.memory_space<vmem>> -> memref<88xi32, #tpu.memory_space<vmem>>
        %dma_wait3A_210 = arith.constant 0 : i32
        %dma_wait3A_211 = arith.constant 0 : i32
        %dma_wait3A_212 = tpu.memref_slice %arg8[%dma_wait3A_210, %dma_wait3A_211] : memref<10112x64xf32, #tpu.memory_space<vmem_shared>> -> memref<10112x64xf32, #tpu.memory_space<vmem_shared>>
        tpu.wait_indirect_dma semaphore(%run_scoped3A : memref<!tpu.dma_semaphore, #tpu.memory_space<semaphore_mem>>) src(%arg10 : memref<88x64xf32, #tpu.memory_space<vmem>>) dst(%dma_wait3A_212 : memref<10112x64xf32, #tpu.memory_space<vmem_shared>>)
        tpu.yield
      }) : () -> ()
      %add3A_195 = arith.constant 2 : i32
      %add3A_196 = arith.addi %add3A_187, %add3A_195 : i32
      %lt3A_197 = arith.cmpi slt, %add3A_196, %select_n3A : i32
      %convert_element_type3A_198 = arith.extui %lt3A_197 : i1 to i32
      %cond3A_199 = arith.constant 0 : i32
      %cond3A_200 = arith.cmpi ne, %convert_element_type3A_198, %cond3A_199 : i32
      scf.if %cond3A_200 {
        %add3A_201 = arith.constant 2 : i32
        %add3A_202 = arith.addi %add3A_187, %add3A_201 : i32
        %dma_start3A_203 = arith.constant 0 : i32
        %dma_start3A_204 = tpu.memref_slice %arg6[%add3A_202, %dma_start3A_203] : memref<132x88xi32, #tpu.memory_space<vmem>> -> memref<1x88xi32, #tpu.memory_space<vmem>>
        %dma_start3A_205 = tpu.memref_squeeze %dma_start3A_204 : memref<1x88xi32, #tpu.memory_space<vmem>> -> memref<88xi32, #tpu.memory_space<vmem>>
        %dma_start3A_206 = arith.constant 0 : i32
        %dma_start3A_207 = arith.constant 0 : i32
        %dma_start3A_208 = tpu.memref_slice %arg2[%dma_start3A_206, %dma_start3A_207] : memref<10000x64xf32, #tpu.memory_space<hbm>> -> memref<10000x64xf32, #tpu.memory_space<hbm>>
        tpu.enqueue_indirect_dma source(%dma_start3A_208 : memref<10000x64xf32, #tpu.memory_space<hbm>>) target(%arg10 : memref<88x64xf32, #tpu.memory_space<vmem>>) offsets(%dma_start3A_205 : memref<88xi32, #tpu.memory_space<vmem>>) semaphore(%arg12 : memref<!tpu.dma_semaphore, #tpu.memory_space<semaphore_mem>>)
      } else {
      }
    }
    %while3A_80 = arith.constant 1 : i32
    scf.for %while3A_170 = %while3A_78 to %while3A_74 step %while3A_80  : i32 {
      %mul3A_171 = arith.constant 2 : i32
      %mul3A_172 = arith.muli %while3A_170, %mul3A_171 : i32
      %add3A_173 = arith.constant 0 : i32
      %add3A_174 = arith.addi %mul3A_172, %add3A_173 : i32
      %dma_wait3A = arith.constant 0 : i32
      %dma_wait3A_175 = arith.constant 0 : i32
      %dma_wait3A_176 = tpu.memref_slice %arg6[%dma_wait3A, %dma_wait3A_175] : memref<132x88xi32, #tpu.memory_space<vmem>> -> memref<1x88xi32, #tpu.memory_space<vmem>>
      %dma_wait3A_177 = tpu.memref_squeeze %dma_wait3A_176 : memref<1x88xi32, #tpu.memory_space<vmem>> -> memref<88xi32, #tpu.memory_space<vmem>>
      %dma_wait3A_178 = arith.constant 0 : i32
      %dma_wait3A_179 = arith.constant 0 : i32
      %dma_wait3A_180 = tpu.memref_slice %arg2[%dma_wait3A_178, %dma_wait3A_179] : memref<10000x64xf32, #tpu.memory_space<hbm>> -> memref<10000x64xf32, #tpu.memory_space<hbm>>
      tpu.wait_indirect_dma semaphore(%arg11 : memref<!tpu.dma_semaphore, #tpu.memory_space<semaphore_mem>>) src(%dma_wait3A_180 : memref<10000x64xf32, #tpu.memory_space<hbm>>) dst(%arg9 : memref<88x64xf32, #tpu.memory_space<vmem>>)
      "tpu.region"() ({
        %run_scoped3A = tpu.sem_alloc : memref<!tpu.dma_semaphore, #tpu.memory_space<semaphore_mem>>
        %dma_start3A_201 = arith.constant 0 : i32
        %dma_start3A_202 = tpu.memref_slice %arg7[%add3A_174, %dma_start3A_201] : memref<132x88xi32, #tpu.memory_space<vmem>> -> memref<1x88xi32, #tpu.memory_space<vmem>>
        %dma_start3A_203 = tpu.memref_squeeze %dma_start3A_202 : memref<1x88xi32, #tpu.memory_space<vmem>> -> memref<88xi32, #tpu.memory_space<vmem>>
        %dma_start3A_204 = arith.constant 0 : i32
        %dma_start3A_205 = arith.constant 0 : i32
        %dma_start3A_206 = tpu.memref_slice %arg8[%dma_start3A_204, %dma_start3A_205] : memref<10112x64xf32, #tpu.memory_space<vmem_shared>> -> memref<10112x64xf32, #tpu.memory_space<vmem_shared>>
        tpu.enqueue_indirect_dma source(%arg9 : memref<88x64xf32, #tpu.memory_space<vmem>>) target(%dma_start3A_206 : memref<10112x64xf32, #tpu.memory_space<vmem_shared>>) offsets(%dma_start3A_203 : memref<88xi32, #tpu.memory_space<vmem>>) semaphore(%run_scoped3A : memref<!tpu.dma_semaphore, #tpu.memory_space<semaphore_mem>>) {add = true}
        %dma_wait3A_207 = arith.constant 0 : i32
        %dma_wait3A_208 = tpu.memref_slice %arg7[%add3A_174, %dma_wait3A_207] : memref<132x88xi32, #tpu.memory_space<vmem>> -> memref<1x88xi32, #tpu.memory_space<vmem>>
        %dma_wait3A_209 = tpu.memref_squeeze %dma_wait3A_208 : memref<1x88xi32, #tpu.memory_space<vmem>> -> memref<88xi32, #tpu.memory_space<vmem>>
        %dma_wait3A_210 = arith.constant 0 : i32
        %dma_wait3A_211 = arith.constant 0 : i32
        %dma_wait3A_212 = tpu.memref_slice %arg8[%dma_wait3A_210, %dma_wait3A_211] : memref<10112x64xf32, #tpu.memory_space<vmem_shared>> -> memref<10112x64xf32, #tpu.memory_space<vmem_shared>>
        tpu.wait_indirect_dma semaphore(%run_scoped3A : memref<!tpu.dma_semaphore, #tpu.memory_space<semaphore_mem>>) src(%arg9 : memref<88x64xf32, #tpu.memory_space<vmem>>) dst(%dma_wait3A_212 : memref<10112x64xf32, #tpu.memory_space<vmem_shared>>)
        tpu.yield
      }) : () -> ()
      %add3A_181 = arith.constant 2 : i32
      %add3A_182 = arith.addi %add3A_174, %add3A_181 : i32
      %lt3A = arith.cmpi slt, %add3A_182, %select_n3A : i32
      %convert_element_type3A = arith.extui %lt3A : i1 to i32
      %cond3A = arith.constant 0 : i32
      %cond3A_183 = arith.cmpi ne, %convert_element_type3A, %cond3A : i32
      scf.if %cond3A_183 {
        %add3A_201 = arith.constant 2 : i32
        %add3A_202 = arith.addi %add3A_174, %add3A_201 : i32
        %dma_start3A_203 = arith.constant 0 : i32
        %dma_start3A_204 = tpu.memref_slice %arg6[%add3A_202, %dma_start3A_203] : memref<132x88xi32, #tpu.memory_space<vmem>> -> memref<1x88xi32, #tpu.memory_space<vmem>>
        %dma_start3A_205 = tpu.memref_squeeze %dma_start3A_204 : memref<1x88xi32, #tpu.memory_space<vmem>> -> memref<88xi32, #tpu.memory_space<vmem>>
        %dma_start3A_206 = arith.constant 0 : i32
        %dma_start3A_207 = arith.constant 0 : i32
        %dma_start3A_208 = tpu.memref_slice %arg2[%dma_start3A_206, %dma_start3A_207] : memref<10000x64xf32, #tpu.memory_space<hbm>> -> memref<10000x64xf32, #tpu.memory_space<hbm>>
        tpu.enqueue_indirect_dma source(%dma_start3A_208 : memref<10000x64xf32, #tpu.memory_space<hbm>>) target(%arg9 : memref<88x64xf32, #tpu.memory_space<vmem>>) offsets(%dma_start3A_205 : memref<88xi32, #tpu.memory_space<vmem>>) semaphore(%arg11 : memref<!tpu.dma_semaphore, #tpu.memory_space<semaphore_mem>>)
      } else {
      }
      %mul3A_184 = arith.constant 2 : i32
      %mul3A_185 = arith.muli %while3A_170, %mul3A_184 : i32
      %add3A_186 = arith.constant 1 : i32
      %add3A_187 = arith.addi %mul3A_185, %add3A_186 : i32
      %dma_wait3A_188 = arith.constant 0 : i32
      %dma_wait3A_189 = arith.constant 0 : i32
      %dma_wait3A_190 = tpu.memref_slice %arg6[%dma_wait3A_188, %dma_wait3A_189] : memref<132x88xi32, #tpu.memory_space<vmem>> -> memref<1x88xi32, #tpu.memory_space<vmem>>
      %dma_wait3A_191 = tpu.memref_squeeze %dma_wait3A_190 : memref<1x88xi32, #tpu.memory_space<vmem>> -> memref<88xi32, #tpu.memory_space<vmem>>
      %dma_wait3A_192 = arith.constant 0 : i32
      %dma_wait3A_193 = arith.constant 0 : i32
      %dma_wait3A_194 = tpu.memref_slice %arg2[%dma_wait3A_192, %dma_wait3A_193] : memref<10000x64xf32, #tpu.memory_space<hbm>> -> memref<10000x64xf32, #tpu.memory_space<hbm>>
      tpu.wait_indirect_dma semaphore(%arg12 : memref<!tpu.dma_semaphore, #tpu.memory_space<semaphore_mem>>) src(%dma_wait3A_194 : memref<10000x64xf32, #tpu.memory_space<hbm>>) dst(%arg10 : memref<88x64xf32, #tpu.memory_space<vmem>>)
      "tpu.region"() ({
        %run_scoped3A = tpu.sem_alloc : memref<!tpu.dma_semaphore, #tpu.memory_space<semaphore_mem>>
        %dma_start3A_201 = arith.constant 0 : i32
        %dma_start3A_202 = tpu.memref_slice %arg7[%add3A_187, %dma_start3A_201] : memref<132x88xi32, #tpu.memory_space<vmem>> -> memref<1x88xi32, #tpu.memory_space<vmem>>
        %dma_start3A_203 = tpu.memref_squeeze %dma_start3A_202 : memref<1x88xi32, #tpu.memory_space<vmem>> -> memref<88xi32, #tpu.memory_space<vmem>>
        %dma_start3A_204 = arith.constant 0 : i32
        %dma_start3A_205 = arith.constant 0 : i32
        %dma_start3A_206 = tpu.memref_slice %arg8[%dma_start3A_204, %dma_start3A_205] : memref<10112x64xf32, #tpu.memory_space<vmem_shared>> -> memref<10112x64xf32, #tpu.memory_space<vmem_shared>>
        tpu.enqueue_indirect_dma source(%arg10 : memref<88x64xf32, #tpu.memory_space<vmem>>) target(%dma_start3A_206 : memref<10112x64xf32, #tpu.memory_space<vmem_shared>>) offsets(%dma_start3A_203 : memref<88xi32, #tpu.memory_space<vmem>>) semaphore(%run_scoped3A : memref<!tpu.dma_semaphore, #tpu.memory_space<semaphore_mem>>) {add = true}
        %dma_wait3A_207 = arith.constant 0 : i32
        %dma_wait3A_208 = tpu.memref_slice %arg7[%add3A_187, %dma_wait3A_207] : memref<132x88xi32, #tpu.memory_space<vmem>> -> memref<1x88xi32, #tpu.memory_space<vmem>>
        %dma_wait3A_209 = tpu.memref_squeeze %dma_wait3A_208 : memref<1x88xi32, #tpu.memory_space<vmem>> -> memref<88xi32, #tpu.memory_space<vmem>>
        %dma_wait3A_210 = arith.constant 0 : i32
        %dma_wait3A_211 = arith.constant 0 : i32
        %dma_wait3A_212 = tpu.memref_slice %arg8[%dma_wait3A_210, %dma_wait3A_211] : memref<10112x64xf32, #tpu.memory_space<vmem_shared>> -> memref<10112x64xf32, #tpu.memory_space<vmem_shared>>
        tpu.wait_indirect_dma semaphore(%run_scoped3A : memref<!tpu.dma_semaphore, #tpu.memory_space<semaphore_mem>>) src(%arg10 : memref<88x64xf32, #tpu.memory_space<vmem>>) dst(%dma_wait3A_212 : memref<10112x64xf32, #tpu.memory_space<vmem_shared>>)
        tpu.yield
      }) : () -> ()
      %add3A_195 = arith.constant 2 : i32
      %add3A_196 = arith.addi %add3A_187, %add3A_195 : i32
      %lt3A_197 = arith.cmpi slt, %add3A_196, %select_n3A : i32
      %convert_element_type3A_198 = arith.extui %lt3A_197 : i1 to i32
      %cond3A_199 = arith.constant 0 : i32
      %cond3A_200 = arith.cmpi ne, %convert_element_type3A_198, %cond3A_199 : i32
      scf.if %cond3A_200 {
        %add3A_201 = arith.constant 2 : i32
        %add3A_202 = arith.addi %add3A_187, %add3A_201 : i32
        %dma_start3A_203 = arith.constant 0 : i32
        %dma_start3A_204 = tpu.memref_slice %arg6[%add3A_202, %dma_start3A_203] : memref<132x88xi32, #tpu.memory_space<vmem>> -> memref<1x88xi32, #tpu.memory_space<vmem>>
        %dma_start3A_205 = tpu.memref_squeeze %dma_start3A_204 : memref<1x88xi32, #tpu.memory_space<vmem>> -> memref<88xi32, #tpu.memory_space<vmem>>
        %dma_start3A_206 = arith.constant 0 : i32
        %dma_start3A_207 = arith.constant 0 : i32
        %dma_start3A_208 = tpu.memref_slice %arg2[%dma_start3A_206, %dma_start3A_207] : memref<10000x64xf32, #tpu.memory_space<hbm>> -> memref<10000x64xf32, #tpu.memory_space<hbm>>
        tpu.enqueue_indirect_dma source(%dma_start3A_208 : memref<10000x64xf32, #tpu.memory_space<hbm>>) target(%arg10 : memref<88x64xf32, #tpu.memory_space<vmem>>) offsets(%dma_start3A_205 : memref<88xi32, #tpu.memory_space<vmem>>) semaphore(%arg12 : memref<!tpu.dma_semaphore, #tpu.memory_space<semaphore_mem>>)
      } else {
      }
    }
    %barrier3A_81 = arith.constant 0 : index
    tpu.barrier barrier_id(%barrier3A_81)
    %mul3A_82 = arith.constant 632 : i32
    %mul3A_83 = arith.muli %arg1, %mul3A_82 : i32
    %add3A_84 = arith.constant 0 : i32
    %add3A_85 = arith.addi %mul3A_83, %add3A_84 : i32
    "tpu.region"() ({
      %run_scoped3A = tpu.sem_alloc : memref<!tpu.dma_semaphore, #tpu.memory_space<semaphore_mem>>
      %dma_start3A_170 = arith.constant 0 : i32
      %dma_start3A_171 = tpu.memref_slice %arg8[%add3A_85, %dma_start3A_170] : memref<10112x64xf32, #tpu.memory_space<vmem_shared>> -> memref<88x64xf32, #tpu.memory_space<vmem_shared>>
      %dma_start3A_172 = arith.constant 0 : i32
      %dma_start3A_173 = tpu.memref_slice %arg8[%add3A_85, %dma_start3A_172] : memref<10112x64xf32, #tpu.memory_space<vmem_shared>> -> memref<88x64xf32, #tpu.memory_space<vmem_shared>>
      tpu.enqueue_dma source(%dma_start3A_173 : memref<88x64xf32, #tpu.memory_space<vmem_shared>>) target(%arg9 : memref<88x64xf32, #tpu.memory_space<vmem>>) target_semaphore(%run_scoped3A : memref<!tpu.dma_semaphore, #tpu.memory_space<semaphore_mem>>)
      %dma_wait3A = arith.constant 0 : i32
      %dma_wait3A_174 = tpu.memref_slice %arg8[%add3A_85, %dma_wait3A] : memref<10112x64xf32, #tpu.memory_space<vmem_shared>> -> memref<88x64xf32, #tpu.memory_space<vmem_shared>>
      %dma_wait3A_175 = arith.constant 0 : i32
      %dma_wait3A_176 = tpu.memref_slice %arg8[%add3A_85, %dma_wait3A_175] : memref<10112x64xf32, #tpu.memory_space<vmem_shared>> -> memref<88x64xf32, #tpu.memory_space<vmem_shared>>
      tpu.wait_dma2 semaphore(%run_scoped3A : memref<!tpu.dma_semaphore, #tpu.memory_space<semaphore_mem>>) src(%dma_wait3A_176 : memref<88x64xf32, #tpu.memory_space<vmem_shared>>) dst(%arg9 : memref<88x64xf32, #tpu.memory_space<vmem>>)
      tpu.yield
    }) : () -> ()
    %mul3A_86 = arith.constant 10112 : i32
    %mul3A_87 = arith.muli %arg0, %mul3A_86 : i32
    %mul3A_88 = arith.constant 632 : i32
    %mul3A_89 = arith.muli %arg1, %mul3A_88 : i32
    %add3A_90 = arith.addi %mul3A_87, %mul3A_89 : i32
    %add3A_91 = arith.constant 0 : i32
    %add3A_92 = arith.addi %add3A_90, %add3A_91 : i32
    "tpu.region"() ({
      %run_scoped3A = tpu.sem_alloc : memref<!tpu.dma_semaphore, #tpu.memory_space<semaphore_mem>>
      %dma_start3A_170 = arith.constant 0 : i32
      %dma_start3A_171 = tpu.memref_slice %arg5[%add3A_92, %dma_start3A_170] : memref<20224x64xf32, #tpu.memory_space<hbm>> -> memref<88x64xf32, #tpu.memory_space<hbm>>
      %dma_start3A_172 = arith.constant 0 : i32
      %dma_start3A_173 = tpu.memref_slice %arg5[%add3A_92, %dma_start3A_172] : memref<20224x64xf32, #tpu.memory_space<hbm>> -> memref<88x64xf32, #tpu.memory_space<hbm>>
      tpu.enqueue_dma source(%arg9 : memref<88x64xf32, #tpu.memory_space<vmem>>) target(%dma_start3A_173 : memref<88x64xf32, #tpu.memory_space<hbm>>) target_semaphore(%run_scoped3A : memref<!tpu.dma_semaphore, #tpu.memory_space<semaphore_mem>>)
      %dma_wait3A = arith.constant 0 : i32
      %dma_wait3A_174 = tpu.memref_slice %arg5[%add3A_92, %dma_wait3A] : memref<20224x64xf32, #tpu.memory_space<hbm>> -> memref<88x64xf32, #tpu.memory_space<hbm>>
      %dma_wait3A_175 = arith.constant 0 : i32
      %dma_wait3A_176 = tpu.memref_slice %arg5[%add3A_92, %dma_wait3A_175] : memref<20224x64xf32, #tpu.memory_space<hbm>> -> memref<88x64xf32, #tpu.memory_space<hbm>>
      tpu.wait_dma2 semaphore(%run_scoped3A : memref<!tpu.dma_semaphore, #tpu.memory_space<semaphore_mem>>) src(%arg9 : memref<88x64xf32, #tpu.memory_space<vmem>>) dst(%dma_wait3A_176 : memref<88x64xf32, #tpu.memory_space<hbm>>)
      tpu.yield
    }) : () -> ()
    %mul3A_93 = arith.constant 632 : i32
    %mul3A_94 = arith.muli %arg1, %mul3A_93 : i32
    %add3A_95 = arith.constant 88 : i32
    %add3A_96 = arith.addi %mul3A_94, %add3A_95 : i32
    "tpu.region"() ({
      %run_scoped3A = tpu.sem_alloc : memref<!tpu.dma_semaphore, #tpu.memory_space<semaphore_mem>>
      %dma_start3A_170 = arith.constant 0 : i32
      %dma_start3A_171 = tpu.memref_slice %arg8[%add3A_96, %dma_start3A_170] : memref<10112x64xf32, #tpu.memory_space<vmem_shared>> -> memref<88x64xf32, #tpu.memory_space<vmem_shared>>
      %dma_start3A_172 = arith.constant 0 : i32
      %dma_start3A_173 = tpu.memref_slice %arg8[%add3A_96, %dma_start3A_172] : memref<10112x64xf32, #tpu.memory_space<vmem_shared>> -> memref<88x64xf32, #tpu.memory_space<vmem_shared>>
      tpu.enqueue_dma source(%dma_start3A_173 : memref<88x64xf32, #tpu.memory_space<vmem_shared>>) target(%arg9 : memref<88x64xf32, #tpu.memory_space<vmem>>) target_semaphore(%run_scoped3A : memref<!tpu.dma_semaphore, #tpu.memory_space<semaphore_mem>>)
      %dma_wait3A = arith.constant 0 : i32
      %dma_wait3A_174 = tpu.memref_slice %arg8[%add3A_96, %dma_wait3A] : memref<10112x64xf32, #tpu.memory_space<vmem_shared>> -> memref<88x64xf32, #tpu.memory_space<vmem_shared>>
      %dma_wait3A_175 = arith.constant 0 : i32
      %dma_wait3A_176 = tpu.memref_slice %arg8[%add3A_96, %dma_wait3A_175] : memref<10112x64xf32, #tpu.memory_space<vmem_shared>> -> memref<88x64xf32, #tpu.memory_space<vmem_shared>>
      tpu.wait_dma2 semaphore(%run_scoped3A : memref<!tpu.dma_semaphore, #tpu.memory_space<semaphore_mem>>) src(%dma_wait3A_176 : memref<88x64xf32, #tpu.memory_space<vmem_shared>>) dst(%arg9 : memref<88x64xf32, #tpu.memory_space<vmem>>)
      tpu.yield
    }) : () -> ()
    %mul3A_97 = arith.constant 10112 : i32
    %mul3A_98 = arith.muli %arg0, %mul3A_97 : i32
    %mul3A_99 = arith.constant 632 : i32
    %mul3A_100 = arith.muli %arg1, %mul3A_99 : i32
    %add3A_101 = arith.addi %mul3A_98, %mul3A_100 : i32
    %add3A_102 = arith.constant 88 : i32
    %add3A_103 = arith.addi %add3A_101, %add3A_102 : i32
    "tpu.region"() ({
      %run_scoped3A = tpu.sem_alloc : memref<!tpu.dma_semaphore, #tpu.memory_space<semaphore_mem>>
      %dma_start3A_170 = arith.constant 0 : i32
      %dma_start3A_171 = tpu.memref_slice %arg5[%add3A_103, %dma_start3A_170] : memref<20224x64xf32, #tpu.memory_space<hbm>> -> memref<88x64xf32, #tpu.memory_space<hbm>>
      %dma_start3A_172 = arith.constant 0 : i32
      %dma_start3A_173 = tpu.memref_slice %arg5[%add3A_103, %dma_start3A_172] : memref<20224x64xf32, #tpu.memory_space<hbm>> -> memref<88x64xf32, #tpu.memory_space<hbm>>
      tpu.enqueue_dma source(%arg9 : memref<88x64xf32, #tpu.memory_space<vmem>>) target(%dma_start3A_173 : memref<88x64xf32, #tpu.memory_space<hbm>>) target_semaphore(%run_scoped3A : memref<!tpu.dma_semaphore, #tpu.memory_space<semaphore_mem>>)
      %dma_wait3A = arith.constant 0 : i32
      %dma_wait3A_174 = tpu.memref_slice %arg5[%add3A_103, %dma_wait3A] : memref<20224x64xf32, #tpu.memory_space<hbm>> -> memref<88x64xf32, #tpu.memory_space<hbm>>
      %dma_wait3A_175 = arith.constant 0 : i32
      %dma_wait3A_176 = tpu.memref_slice %arg5[%add3A_103, %dma_wait3A_175] : memref<20224x64xf32, #tpu.memory_space<hbm>> -> memref<88x64xf32, #tpu.memory_space<hbm>>
      tpu.wait_dma2 semaphore(%run_scoped3A : memref<!tpu.dma_semaphore, #tpu.memory_space<semaphore_mem>>) src(%arg9 : memref<88x64xf32, #tpu.memory_space<vmem>>) dst(%dma_wait3A_176 : memref<88x64xf32, #tpu.memory_space<hbm>>)
      tpu.yield
    }) : () -> ()
    %mul3A_104 = arith.constant 632 : i32
    %mul3A_105 = arith.muli %arg1, %mul3A_104 : i32
    %add3A_106 = arith.constant 176 : i32
    %add3A_107 = arith.addi %mul3A_105, %add3A_106 : i32
    "tpu.region"() ({
      %run_scoped3A = tpu.sem_alloc : memref<!tpu.dma_semaphore, #tpu.memory_space<semaphore_mem>>
      %dma_start3A_170 = arith.constant 0 : i32
      %dma_start3A_171 = tpu.memref_slice %arg8[%add3A_107, %dma_start3A_170] : memref<10112x64xf32, #tpu.memory_space<vmem_shared>> -> memref<88x64xf32, #tpu.memory_space<vmem_shared>>
      %dma_start3A_172 = arith.constant 0 : i32
      %dma_start3A_173 = tpu.memref_slice %arg8[%add3A_107, %dma_start3A_172] : memref<10112x64xf32, #tpu.memory_space<vmem_shared>> -> memref<88x64xf32, #tpu.memory_space<vmem_shared>>
      tpu.enqueue_dma source(%dma_start3A_173 : memref<88x64xf32, #tpu.memory_space<vmem_shared>>) target(%arg9 : memref<88x64xf32, #tpu.memory_space<vmem>>) target_semaphore(%run_scoped3A : memref<!tpu.dma_semaphore, #tpu.memory_space<semaphore_mem>>)
      %dma_wait3A = arith.constant 0 : i32
      %dma_wait3A_174 = tpu.memref_slice %arg8[%add3A_107, %dma_wait3A] : memref<10112x64xf32, #tpu.memory_space<vmem_shared>> -> memref<88x64xf32, #tpu.memory_space<vmem_shared>>
      %dma_wait3A_175 = arith.constant 0 : i32
      %dma_wait3A_176 = tpu.memref_slice %arg8[%add3A_107, %dma_wait3A_175] : memref<10112x64xf32, #tpu.memory_space<vmem_shared>> -> memref<88x64xf32, #tpu.memory_space<vmem_shared>>
      tpu.wait_dma2 semaphore(%run_scoped3A : memref<!tpu.dma_semaphore, #tpu.memory_space<semaphore_mem>>) src(%dma_wait3A_176 : memref<88x64xf32, #tpu.memory_space<vmem_shared>>) dst(%arg9 : memref<88x64xf32, #tpu.memory_space<vmem>>)
      tpu.yield
    }) : () -> ()
    %mul3A_108 = arith.constant 10112 : i32
    %mul3A_109 = arith.muli %arg0, %mul3A_108 : i32
    %mul3A_110 = arith.constant 632 : i32
    %mul3A_111 = arith.muli %arg1, %mul3A_110 : i32
    %add3A_112 = arith.addi %mul3A_109, %mul3A_111 : i32
    %add3A_113 = arith.constant 176 : i32
    %add3A_114 = arith.addi %add3A_112, %add3A_113 : i32
    "tpu.region"() ({
      %run_scoped3A = tpu.sem_alloc : memref<!tpu.dma_semaphore, #tpu.memory_space<semaphore_mem>>
      %dma_start3A_170 = arith.constant 0 : i32
      %dma_start3A_171 = tpu.memref_slice %arg5[%add3A_114, %dma_start3A_170] : memref<20224x64xf32, #tpu.memory_space<hbm>> -> memref<88x64xf32, #tpu.memory_space<hbm>>
      %dma_start3A_172 = arith.constant 0 : i32
      %dma_start3A_173 = tpu.memref_slice %arg5[%add3A_114, %dma_start3A_172] : memref<20224x64xf32, #tpu.memory_space<hbm>> -> memref<88x64xf32, #tpu.memory_space<hbm>>
      tpu.enqueue_dma source(%arg9 : memref<88x64xf32, #tpu.memory_space<vmem>>) target(%dma_start3A_173 : memref<88x64xf32, #tpu.memory_space<hbm>>) target_semaphore(%run_scoped3A : memref<!tpu.dma_semaphore, #tpu.memory_space<semaphore_mem>>)
      %dma_wait3A = arith.constant 0 : i32
      %dma_wait3A_174 = tpu.memref_slice %arg5[%add3A_114, %dma_wait3A] : memref<20224x64xf32, #tpu.memory_space<hbm>> -> memref<88x64xf32, #tpu.memory_space<hbm>>
      %dma_wait3A_175 = arith.constant 0 : i32
      %dma_wait3A_176 = tpu.memref_slice %arg5[%add3A_114, %dma_wait3A_175] : memref<20224x64xf32, #tpu.memory_space<hbm>> -> memref<88x64xf32, #tpu.memory_space<hbm>>
      tpu.wait_dma2 semaphore(%run_scoped3A : memref<!tpu.dma_semaphore, #tpu.memory_space<semaphore_mem>>) src(%arg9 : memref<88x64xf32, #tpu.memory_space<vmem>>) dst(%dma_wait3A_176 : memref<88x64xf32, #tpu.memory_space<hbm>>)
      tpu.yield
    }) : () -> ()
    %mul3A_115 = arith.constant 632 : i32
    %mul3A_116 = arith.muli %arg1, %mul3A_115 : i32
    %add3A_117 = arith.constant 264 : i32
    %add3A_118 = arith.addi %mul3A_116, %add3A_117 : i32
    "tpu.region"() ({
      %run_scoped3A = tpu.sem_alloc : memref<!tpu.dma_semaphore, #tpu.memory_space<semaphore_mem>>
      %dma_start3A_170 = arith.constant 0 : i32
      %dma_start3A_171 = tpu.memref_slice %arg8[%add3A_118, %dma_start3A_170] : memref<10112x64xf32, #tpu.memory_space<vmem_shared>> -> memref<88x64xf32, #tpu.memory_space<vmem_shared>>
      %dma_start3A_172 = arith.constant 0 : i32
      %dma_start3A_173 = tpu.memref_slice %arg8[%add3A_118, %dma_start3A_172] : memref<10112x64xf32, #tpu.memory_space<vmem_shared>> -> memref<88x64xf32, #tpu.memory_space<vmem_shared>>
      tpu.enqueue_dma source(%dma_start3A_173 : memref<88x64xf32, #tpu.memory_space<vmem_shared>>) target(%arg9 : memref<88x64xf32, #tpu.memory_space<vmem>>) target_semaphore(%run_scoped3A : memref<!tpu.dma_semaphore, #tpu.memory_space<semaphore_mem>>)
      %dma_wait3A = arith.constant 0 : i32
      %dma_wait3A_174 = tpu.memref_slice %arg8[%add3A_118, %dma_wait3A] : memref<10112x64xf32, #tpu.memory_space<vmem_shared>> -> memref<88x64xf32, #tpu.memory_space<vmem_shared>>
      %dma_wait3A_175 = arith.constant 0 : i32
      %dma_wait3A_176 = tpu.memref_slice %arg8[%add3A_118, %dma_wait3A_175] : memref<10112x64xf32, #tpu.memory_space<vmem_shared>> -> memref<88x64xf32, #tpu.memory_space<vmem_shared>>
      tpu.wait_dma2 semaphore(%run_scoped3A : memref<!tpu.dma_semaphore, #tpu.memory_space<semaphore_mem>>) src(%dma_wait3A_176 : memref<88x64xf32, #tpu.memory_space<vmem_shared>>) dst(%arg9 : memref<88x64xf32, #tpu.memory_space<vmem>>)
      tpu.yield
    }) : () -> ()
    %mul3A_119 = arith.constant 10112 : i32
    %mul3A_120 = arith.muli %arg0, %mul3A_119 : i32
    %mul3A_121 = arith.constant 632 : i32
    %mul3A_122 = arith.muli %arg1, %mul3A_121 : i32
    %add3A_123 = arith.addi %mul3A_120, %mul3A_122 : i32
    %add3A_124 = arith.constant 264 : i32
    %add3A_125 = arith.addi %add3A_123, %add3A_124 : i32
    "tpu.region"() ({
      %run_scoped3A = tpu.sem_alloc : memref<!tpu.dma_semaphore, #tpu.memory_space<semaphore_mem>>
      %dma_start3A_170 = arith.constant 0 : i32
      %dma_start3A_171 = tpu.memref_slice %arg5[%add3A_125, %dma_start3A_170] : memref<20224x64xf32, #tpu.memory_space<hbm>> -> memref<88x64xf32, #tpu.memory_space<hbm>>
      %dma_start3A_172 = arith.constant 0 : i32
      %dma_start3A_173 = tpu.memref_slice %arg5[%add3A_125, %dma_start3A_172] : memref<20224x64xf32, #tpu.memory_space<hbm>> -> memref<88x64xf32, #tpu.memory_space<hbm>>
      tpu.enqueue_dma source(%arg9 : memref<88x64xf32, #tpu.memory_space<vmem>>) target(%dma_start3A_173 : memref<88x64xf32, #tpu.memory_space<hbm>>) target_semaphore(%run_scoped3A : memref<!tpu.dma_semaphore, #tpu.memory_space<semaphore_mem>>)
      %dma_wait3A = arith.constant 0 : i32
      %dma_wait3A_174 = tpu.memref_slice %arg5[%add3A_125, %dma_wait3A] : memref<20224x64xf32, #tpu.memory_space<hbm>> -> memref<88x64xf32, #tpu.memory_space<hbm>>
      %dma_wait3A_175 = arith.constant 0 : i32
      %dma_wait3A_176 = tpu.memref_slice %arg5[%add3A_125, %dma_wait3A_175] : memref<20224x64xf32, #tpu.memory_space<hbm>> -> memref<88x64xf32, #tpu.memory_space<hbm>>
      tpu.wait_dma2 semaphore(%run_scoped3A : memref<!tpu.dma_semaphore, #tpu.memory_space<semaphore_mem>>) src(%arg9 : memref<88x64xf32, #tpu.memory_space<vmem>>) dst(%dma_wait3A_176 : memref<88x64xf32, #tpu.memory_space<hbm>>)
      tpu.yield
    }) : () -> ()
    %mul3A_126 = arith.constant 632 : i32
    %mul3A_127 = arith.muli %arg1, %mul3A_126 : i32
    %add3A_128 = arith.constant 352 : i32
    %add3A_129 = arith.addi %mul3A_127, %add3A_128 : i32
    "tpu.region"() ({
      %run_scoped3A = tpu.sem_alloc : memref<!tpu.dma_semaphore, #tpu.memory_space<semaphore_mem>>
      %dma_start3A_170 = arith.constant 0 : i32
      %dma_start3A_171 = tpu.memref_slice %arg8[%add3A_129, %dma_start3A_170] : memref<10112x64xf32, #tpu.memory_space<vmem_shared>> -> memref<88x64xf32, #tpu.memory_space<vmem_shared>>
      %dma_start3A_172 = arith.constant 0 : i32
      %dma_start3A_173 = tpu.memref_slice %arg8[%add3A_129, %dma_start3A_172] : memref<10112x64xf32, #tpu.memory_space<vmem_shared>> -> memref<88x64xf32, #tpu.memory_space<vmem_shared>>
      tpu.enqueue_dma source(%dma_start3A_173 : memref<88x64xf32, #tpu.memory_space<vmem_shared>>) target(%arg9 : memref<88x64xf32, #tpu.memory_space<vmem>>) target_semaphore(%run_scoped3A : memref<!tpu.dma_semaphore, #tpu.memory_space<semaphore_mem>>)
      %dma_wait3A = arith.constant 0 : i32
      %dma_wait3A_174 = tpu.memref_slice %arg8[%add3A_129, %dma_wait3A] : memref<10112x64xf32, #tpu.memory_space<vmem_shared>> -> memref<88x64xf32, #tpu.memory_space<vmem_shared>>
      %dma_wait3A_175 = arith.constant 0 : i32
      %dma_wait3A_176 = tpu.memref_slice %arg8[%add3A_129, %dma_wait3A_175] : memref<10112x64xf32, #tpu.memory_space<vmem_shared>> -> memref<88x64xf32, #tpu.memory_space<vmem_shared>>
      tpu.wait_dma2 semaphore(%run_scoped3A : memref<!tpu.dma_semaphore, #tpu.memory_space<semaphore_mem>>) src(%dma_wait3A_176 : memref<88x64xf32, #tpu.memory_space<vmem_shared>>) dst(%arg9 : memref<88x64xf32, #tpu.memory_space<vmem>>)
      tpu.yield
    }) : () -> ()
    %mul3A_130 = arith.constant 10112 : i32
    %mul3A_131 = arith.muli %arg0, %mul3A_130 : i32
    %mul3A_132 = arith.constant 632 : i32
    %mul3A_133 = arith.muli %arg1, %mul3A_132 : i32
    %add3A_134 = arith.addi %mul3A_131, %mul3A_133 : i32
    %add3A_135 = arith.constant 352 : i32
    %add3A_136 = arith.addi %add3A_134, %add3A_135 : i32
    "tpu.region"() ({
      %run_scoped3A = tpu.sem_alloc : memref<!tpu.dma_semaphore, #tpu.memory_space<semaphore_mem>>
      %dma_start3A_170 = arith.constant 0 : i32
      %dma_start3A_171 = tpu.memref_slice %arg5[%add3A_136, %dma_start3A_170] : memref<20224x64xf32, #tpu.memory_space<hbm>> -> memref<88x64xf32, #tpu.memory_space<hbm>>
      %dma_start3A_172 = arith.constant 0 : i32
      %dma_start3A_173 = tpu.memref_slice %arg5[%add3A_136, %dma_start3A_172] : memref<20224x64xf32, #tpu.memory_space<hbm>> -> memref<88x64xf32, #tpu.memory_space<hbm>>
      tpu.enqueue_dma source(%arg9 : memref<88x64xf32, #tpu.memory_space<vmem>>) target(%dma_start3A_173 : memref<88x64xf32, #tpu.memory_space<hbm>>) target_semaphore(%run_scoped3A : memref<!tpu.dma_semaphore, #tpu.memory_space<semaphore_mem>>)
      %dma_wait3A = arith.constant 0 : i32
      %dma_wait3A_174 = tpu.memref_slice %arg5[%add3A_136, %dma_wait3A] : memref<20224x64xf32, #tpu.memory_space<hbm>> -> memref<88x64xf32, #tpu.memory_space<hbm>>
      %dma_wait3A_175 = arith.constant 0 : i32
      %dma_wait3A_176 = tpu.memref_slice %arg5[%add3A_136, %dma_wait3A_175] : memref<20224x64xf32, #tpu.memory_space<hbm>> -> memref<88x64xf32, #tpu.memory_space<hbm>>
      tpu.wait_dma2 semaphore(%run_scoped3A : memref<!tpu.dma_semaphore, #tpu.memory_space<semaphore_mem>>) src(%arg9 : memref<88x64xf32, #tpu.memory_space<vmem>>) dst(%dma_wait3A_176 : memref<88x64xf32, #tpu.memory_space<hbm>>)
      tpu.yield
    }) : () -> ()
    %mul3A_137 = arith.constant 632 : i32
    %mul3A_138 = arith.muli %arg1, %mul3A_137 : i32
    %add3A_139 = arith.constant 440 : i32
    %add3A_140 = arith.addi %mul3A_138, %add3A_139 : i32
    "tpu.region"() ({
      %run_scoped3A = tpu.sem_alloc : memref<!tpu.dma_semaphore, #tpu.memory_space<semaphore_mem>>
      %dma_start3A_170 = arith.constant 0 : i32
      %dma_start3A_171 = tpu.memref_slice %arg8[%add3A_140, %dma_start3A_170] : memref<10112x64xf32, #tpu.memory_space<vmem_shared>> -> memref<88x64xf32, #tpu.memory_space<vmem_shared>>
      %dma_start3A_172 = arith.constant 0 : i32
      %dma_start3A_173 = tpu.memref_slice %arg8[%add3A_140, %dma_start3A_172] : memref<10112x64xf32, #tpu.memory_space<vmem_shared>> -> memref<88x64xf32, #tpu.memory_space<vmem_shared>>
      tpu.enqueue_dma source(%dma_start3A_173 : memref<88x64xf32, #tpu.memory_space<vmem_shared>>) target(%arg9 : memref<88x64xf32, #tpu.memory_space<vmem>>) target_semaphore(%run_scoped3A : memref<!tpu.dma_semaphore, #tpu.memory_space<semaphore_mem>>)
      %dma_wait3A = arith.constant 0 : i32
      %dma_wait3A_174 = tpu.memref_slice %arg8[%add3A_140, %dma_wait3A] : memref<10112x64xf32, #tpu.memory_space<vmem_shared>> -> memref<88x64xf32, #tpu.memory_space<vmem_shared>>
      %dma_wait3A_175 = arith.constant 0 : i32
      %dma_wait3A_176 = tpu.memref_slice %arg8[%add3A_140, %dma_wait3A_175] : memref<10112x64xf32, #tpu.memory_space<vmem_shared>> -> memref<88x64xf32, #tpu.memory_space<vmem_shared>>
      tpu.wait_dma2 semaphore(%run_scoped3A : memref<!tpu.dma_semaphore, #tpu.memory_space<semaphore_mem>>) src(%dma_wait3A_176 : memref<88x64xf32, #tpu.memory_space<vmem_shared>>) dst(%arg9 : memref<88x64xf32, #tpu.memory_space<vmem>>)
      tpu.yield
    }) : () -> ()
    %mul3A_141 = arith.constant 10112 : i32
    %mul3A_142 = arith.muli %arg0, %mul3A_141 : i32
    %mul3A_143 = arith.constant 632 : i32
    %mul3A_144 = arith.muli %arg1, %mul3A_143 : i32
    %add3A_145 = arith.addi %mul3A_142, %mul3A_144 : i32
    %add3A_146 = arith.constant 440 : i32
    %add3A_147 = arith.addi %add3A_145, %add3A_146 : i32
    "tpu.region"() ({
      %run_scoped3A = tpu.sem_alloc : memref<!tpu.dma_semaphore, #tpu.memory_space<semaphore_mem>>
      %dma_start3A_170 = arith.constant 0 : i32
      %dma_start3A_171 = tpu.memref_slice %arg5[%add3A_147, %dma_start3A_170] : memref<20224x64xf32, #tpu.memory_space<hbm>> -> memref<88x64xf32, #tpu.memory_space<hbm>>
      %dma_start3A_172 = arith.constant 0 : i32
      %dma_start3A_173 = tpu.memref_slice %arg5[%add3A_147, %dma_start3A_172] : memref<20224x64xf32, #tpu.memory_space<hbm>> -> memref<88x64xf32, #tpu.memory_space<hbm>>
      tpu.enqueue_dma source(%arg9 : memref<88x64xf32, #tpu.memory_space<vmem>>) target(%dma_start3A_173 : memref<88x64xf32, #tpu.memory_space<hbm>>) target_semaphore(%run_scoped3A : memref<!tpu.dma_semaphore, #tpu.memory_space<semaphore_mem>>)
      %dma_wait3A = arith.constant 0 : i32
      %dma_wait3A_174 = tpu.memref_slice %arg5[%add3A_147, %dma_wait3A] : memref<20224x64xf32, #tpu.memory_space<hbm>> -> memref<88x64xf32, #tpu.memory_space<hbm>>
      %dma_wait3A_175 = arith.constant 0 : i32
      %dma_wait3A_176 = tpu.memref_slice %arg5[%add3A_147, %dma_wait3A_175] : memref<20224x64xf32, #tpu.memory_space<hbm>> -> memref<88x64xf32, #tpu.memory_space<hbm>>
      tpu.wait_dma2 semaphore(%run_scoped3A : memref<!tpu.dma_semaphore, #tpu.memory_space<semaphore_mem>>) src(%arg9 : memref<88x64xf32, #tpu.memory_space<vmem>>) dst(%dma_wait3A_176 : memref<88x64xf32, #tpu.memory_space<hbm>>)
      tpu.yield
    }) : () -> ()
    %mul3A_148 = arith.constant 632 : i32
    %mul3A_149 = arith.muli %arg1, %mul3A_148 : i32
    %add3A_150 = arith.constant 528 : i32
    %add3A_151 = arith.addi %mul3A_149, %add3A_150 : i32
    "tpu.region"() ({
      %run_scoped3A = tpu.sem_alloc : memref<!tpu.dma_semaphore, #tpu.memory_space<semaphore_mem>>
      %dma_start3A_170 = arith.constant 0 : i32
      %dma_start3A_171 = tpu.memref_slice %arg8[%add3A_151, %dma_start3A_170] : memref<10112x64xf32, #tpu.memory_space<vmem_shared>> -> memref<88x64xf32, #tpu.memory_space<vmem_shared>>
      %dma_start3A_172 = arith.constant 0 : i32
      %dma_start3A_173 = tpu.memref_slice %arg8[%add3A_151, %dma_start3A_172] : memref<10112x64xf32, #tpu.memory_space<vmem_shared>> -> memref<88x64xf32, #tpu.memory_space<vmem_shared>>
      tpu.enqueue_dma source(%dma_start3A_173 : memref<88x64xf32, #tpu.memory_space<vmem_shared>>) target(%arg9 : memref<88x64xf32, #tpu.memory_space<vmem>>) target_semaphore(%run_scoped3A : memref<!tpu.dma_semaphore, #tpu.memory_space<semaphore_mem>>)
      %dma_wait3A = arith.constant 0 : i32
      %dma_wait3A_174 = tpu.memref_slice %arg8[%add3A_151, %dma_wait3A] : memref<10112x64xf32, #tpu.memory_space<vmem_shared>> -> memref<88x64xf32, #tpu.memory_space<vmem_shared>>
      %dma_wait3A_175 = arith.constant 0 : i32
      %dma_wait3A_176 = tpu.memref_slice %arg8[%add3A_151, %dma_wait3A_175] : memref<10112x64xf32, #tpu.memory_space<vmem_shared>> -> memref<88x64xf32, #tpu.memory_space<vmem_shared>>
      tpu.wait_dma2 semaphore(%run_scoped3A : memref<!tpu.dma_semaphore, #tpu.memory_space<semaphore_mem>>) src(%dma_wait3A_176 : memref<88x64xf32, #tpu.memory_space<vmem_shared>>) dst(%arg9 : memref<88x64xf32, #tpu.memory_space<vmem>>)
      tpu.yield
    }) : () -> ()
    %mul3A_152 = arith.constant 10112 : i32
    %mul3A_153 = arith.muli %arg0, %mul3A_152 : i32
    %mul3A_154 = arith.constant 632 : i32
    %mul3A_155 = arith.muli %arg1, %mul3A_154 : i32
    %add3A_156 = arith.addi %mul3A_153, %mul3A_155 : i32
    %add3A_157 = arith.constant 528 : i32
    %add3A_158 = arith.addi %add3A_156, %add3A_157 : i32
    "tpu.region"() ({
      %run_scoped3A = tpu.sem_alloc : memref<!tpu.dma_semaphore, #tpu.memory_space<semaphore_mem>>
      %dma_start3A_170 = arith.constant 0 : i32
      %dma_start3A_171 = tpu.memref_slice %arg5[%add3A_158, %dma_start3A_170] : memref<20224x64xf32, #tpu.memory_space<hbm>> -> memref<88x64xf32, #tpu.memory_space<hbm>>
      %dma_start3A_172 = arith.constant 0 : i32
      %dma_start3A_173 = tpu.memref_slice %arg5[%add3A_158, %dma_start3A_172] : memref<20224x64xf32, #tpu.memory_space<hbm>> -> memref<88x64xf32, #tpu.memory_space<hbm>>
      tpu.enqueue_dma source(%arg9 : memref<88x64xf32, #tpu.memory_space<vmem>>) target(%dma_start3A_173 : memref<88x64xf32, #tpu.memory_space<hbm>>) target_semaphore(%run_scoped3A : memref<!tpu.dma_semaphore, #tpu.memory_space<semaphore_mem>>)
      %dma_wait3A = arith.constant 0 : i32
      %dma_wait3A_174 = tpu.memref_slice %arg5[%add3A_158, %dma_wait3A] : memref<20224x64xf32, #tpu.memory_space<hbm>> -> memref<88x64xf32, #tpu.memory_space<hbm>>
      %dma_wait3A_175 = arith.constant 0 : i32
      %dma_wait3A_176 = tpu.memref_slice %arg5[%add3A_158, %dma_wait3A_175] : memref<20224x64xf32, #tpu.memory_space<hbm>> -> memref<88x64xf32, #tpu.memory_space<hbm>>
      tpu.wait_dma2 semaphore(%run_scoped3A : memref<!tpu.dma_semaphore, #tpu.memory_space<semaphore_mem>>) src(%arg9 : memref<88x64xf32, #tpu.memory_space<vmem>>) dst(%dma_wait3A_176 : memref<88x64xf32, #tpu.memory_space<hbm>>)
      tpu.yield
    }) : () -> ()
    %mul3A_159 = arith.constant 632 : i32
    %mul3A_160 = arith.muli %arg1, %mul3A_159 : i32
    %add3A_161 = arith.constant 616 : i32
    %add3A_162 = arith.addi %mul3A_160, %add3A_161 : i32
    "tpu.region"() ({
      %run_scoped3A = tpu.sem_alloc : memref<!tpu.dma_semaphore, #tpu.memory_space<semaphore_mem>>
      %dma_start3A_170 = arith.constant 0 : i32
      %dma_start3A_171 = arith.constant 0 : i32
      %dma_start3A_172 = tpu.memref_slice %arg9[%dma_start3A_170, %dma_start3A_171] : memref<88x64xf32, #tpu.memory_space<vmem>> -> memref<16x64xf32, #tpu.memory_space<vmem>>
      %dma_start3A_173 = arith.constant 0 : i32
      %dma_start3A_174 = tpu.memref_slice %arg8[%add3A_162, %dma_start3A_173] : memref<10112x64xf32, #tpu.memory_space<vmem_shared>> -> memref<16x64xf32, #tpu.memory_space<vmem_shared>>
      %dma_start3A_175 = arith.constant 0 : i32
      %dma_start3A_176 = arith.constant 0 : i32
      %dma_start3A_177 = tpu.memref_slice %arg9[%dma_start3A_175, %dma_start3A_176] : memref<88x64xf32, #tpu.memory_space<vmem>> -> memref<16x64xf32, #tpu.memory_space<vmem>>
      %dma_start3A_178 = arith.constant 0 : i32
      %dma_start3A_179 = tpu.memref_slice %arg8[%add3A_162, %dma_start3A_178] : memref<10112x64xf32, #tpu.memory_space<vmem_shared>> -> memref<16x64xf32, #tpu.memory_space<vmem_shared>>
      tpu.enqueue_dma source(%dma_start3A_179 : memref<16x64xf32, #tpu.memory_space<vmem_shared>>) target(%dma_start3A_177 : memref<16x64xf32, #tpu.memory_space<vmem>>) target_semaphore(%run_scoped3A : memref<!tpu.dma_semaphore, #tpu.memory_space<semaphore_mem>>)
      %dma_wait3A = arith.constant 0 : i32
      %dma_wait3A_180 = arith.constant 0 : i32
      %dma_wait3A_181 = tpu.memref_slice %arg9[%dma_wait3A, %dma_wait3A_180] : memref<88x64xf32, #tpu.memory_space<vmem>> -> memref<16x64xf32, #tpu.memory_space<vmem>>
      %dma_wait3A_182 = arith.constant 0 : i32
      %dma_wait3A_183 = tpu.memref_slice %arg8[%add3A_162, %dma_wait3A_182] : memref<10112x64xf32, #tpu.memory_space<vmem_shared>> -> memref<16x64xf32, #tpu.memory_space<vmem_shared>>
      %dma_wait3A_184 = arith.constant 0 : i32
      %dma_wait3A_185 = arith.constant 0 : i32
      %dma_wait3A_186 = tpu.memref_slice %arg9[%dma_wait3A_184, %dma_wait3A_185] : memref<88x64xf32, #tpu.memory_space<vmem>> -> memref<16x64xf32, #tpu.memory_space<vmem>>
      %dma_wait3A_187 = arith.constant 0 : i32
      %dma_wait3A_188 = tpu.memref_slice %arg8[%add3A_162, %dma_wait3A_187] : memref<10112x64xf32, #tpu.memory_space<vmem_shared>> -> memref<16x64xf32, #tpu.memory_space<vmem_shared>>
      tpu.wait_dma2 semaphore(%run_scoped3A : memref<!tpu.dma_semaphore, #tpu.memory_space<semaphore_mem>>) src(%dma_wait3A_188 : memref<16x64xf32, #tpu.memory_space<vmem_shared>>) dst(%dma_wait3A_186 : memref<16x64xf32, #tpu.memory_space<vmem>>)
      tpu.yield
    }) : () -> ()
    %mul3A_163 = arith.constant 10112 : i32
    %mul3A_164 = arith.muli %arg0, %mul3A_163 : i32
    %mul3A_165 = arith.constant 632 : i32
    %mul3A_166 = arith.muli %arg1, %mul3A_165 : i32
    %add3A_167 = arith.addi %mul3A_164, %mul3A_166 : i32
    %add3A_168 = arith.constant 616 : i32
    %add3A_169 = arith.addi %add3A_167, %add3A_168 : i32
    "tpu.region"() ({
      %run_scoped3A = tpu.sem_alloc : memref<!tpu.dma_semaphore, #tpu.memory_space<semaphore_mem>>
      %dma_start3A_170 = arith.constant 0 : i32
      %dma_start3A_171 = arith.constant 0 : i32
      %dma_start3A_172 = tpu.memref_slice %arg9[%dma_start3A_170, %dma_start3A_171] : memref<88x64xf32, #tpu.memory_space<vmem>> -> memref<16x64xf32, #tpu.memory_space<vmem>>
      %dma_start3A_173 = arith.constant 0 : i32
      %dma_start3A_174 = tpu.memref_slice %arg5[%add3A_169, %dma_start3A_173] : memref<20224x64xf32, #tpu.memory_space<hbm>> -> memref<16x64xf32, #tpu.memory_space<hbm>>
      %dma_start3A_175 = arith.constant 0 : i32
      %dma_start3A_176 = tpu.memref_slice %arg5[%add3A_169, %dma_start3A_175] : memref<20224x64xf32, #tpu.memory_space<hbm>> -> memref<16x64xf32, #tpu.memory_space<hbm>>
      %dma_start3A_177 = arith.constant 0 : i32
      %dma_start3A_178 = arith.constant 0 : i32
      %dma_start3A_179 = tpu.memref_slice %arg9[%dma_start3A_177, %dma_start3A_178] : memref<88x64xf32, #tpu.memory_space<vmem>> -> memref<16x64xf32, #tpu.memory_space<vmem>>
      tpu.enqueue_dma source(%dma_start3A_179 : memref<16x64xf32, #tpu.memory_space<vmem>>) target(%dma_start3A_176 : memref<16x64xf32, #tpu.memory_space<hbm>>) target_semaphore(%run_scoped3A : memref<!tpu.dma_semaphore, #tpu.memory_space<semaphore_mem>>)
      %dma_wait3A = arith.constant 0 : i32
      %dma_wait3A_180 = arith.constant 0 : i32
      %dma_wait3A_181 = tpu.memref_slice %arg9[%dma_wait3A, %dma_wait3A_180] : memref<88x64xf32, #tpu.memory_space<vmem>> -> memref<16x64xf32, #tpu.memory_space<vmem>>
      %dma_wait3A_182 = arith.constant 0 : i32
      %dma_wait3A_183 = tpu.memref_slice %arg5[%add3A_169, %dma_wait3A_182] : memref<20224x64xf32, #tpu.memory_space<hbm>> -> memref<16x64xf32, #tpu.memory_space<hbm>>
      %dma_wait3A_184 = arith.constant 0 : i32
      %dma_wait3A_185 = tpu.memref_slice %arg5[%add3A_169, %dma_wait3A_184] : memref<20224x64xf32, #tpu.memory_space<hbm>> -> memref<16x64xf32, #tpu.memory_space<hbm>>
      %dma_wait3A_186 = arith.constant 0 : i32
      %dma_wait3A_187 = arith.constant 0 : i32
      %dma_wait3A_188 = tpu.memref_slice %arg9[%dma_wait3A_186, %dma_wait3A_187] : memref<88x64xf32, #tpu.memory_space<vmem>> -> memref<16x64xf32, #tpu.memory_space<vmem>>
      tpu.wait_dma2 semaphore(%run_scoped3A : memref<!tpu.dma_semaphore, #tpu.memory_space<semaphore_mem>>) src(%dma_wait3A_188 : memref<16x64xf32, #tpu.memory_space<vmem>>) dst(%dma_wait3A_185 : memref<16x64xf32, #tpu.memory_space<hbm>>)
      tpu.yield
    }) : () -> ()
    return
  }
}

module attributes {stable_mosaic.version = 14 : i64} {
  func.func @body(%arg0: memref<10000x128xf32, #tpu.memory_space<vmem>>, %arg1: memref<128x128xf32, #tpu.memory_space<vmem>>, %arg2: memref<20224x16xf32, #tpu.memory_space<vmem>>, %arg3: memref<10000x128xf32, #tpu.memory_space<vmem>>, %arg4: memref<10000x1xf32, #tpu.memory_space<vmem>>) attributes {dimension_semantics = [], scalar_prefetch = 0 : i64, scratch_operands = 0 : i64, tpu.core_type = #tpu.core_type<tc>} {
    %get3A = arith.constant 0 : index
    %get3A_0 = arith.constant 0 : index
    %get3A_1 = vector.load %arg2[%get3A, %get3A_0] : memref<20224x16xf32, #tpu.memory_space<vmem>>, vector<10000x1xf32>
    %get3A_2 = arith.constant 10112 : index
    %get3A_3 = arith.constant 0 : index
    %get3A_4 = vector.load %arg2[%get3A_2, %get3A_3] : memref<20224x16xf32, #tpu.memory_space<vmem>>, vector<10000x1xf32>
    %add3A = arith.addf %get3A_1, %get3A_4 : vector<10000x1xf32>
    %add3A_5 = arith.constant 1.000000e+00 : f32
    %add3A_6 = vector.broadcast %add3A_5 : f32 to vector<10000x1xf32>
    %add3A_7 = arith.addf %add3A, %add3A_6 : vector<10000x1xf32>
    %rsqrt3A = math.rsqrt %add3A_7 : vector<10000x1xf32>
    %get3A_8 = arith.constant 0 : index
    %get3A_9 = arith.constant 0 : index
    %get3A_10 = vector.load %arg0[%get3A_8, %get3A_9] : memref<10000x128xf32, #tpu.memory_space<vmem>>, vector<10000x128xf32>
    %get3A_11 = arith.constant 0 : index
    %get3A_12 = arith.constant 0 : index
    %get3A_13 = vector.load %arg1[%get3A_11, %get3A_12] : memref<128x128xf32, #tpu.memory_space<vmem>>, vector<128x128xf32>
    %dot_general3A = arith.constant dense<0.000000e+00> : vector<10000x128xf32>
    %dot_general3A_14 = tpu.matmul %get3A_10, %get3A_13, %dot_general3A {dimension_numbers = #tpu.dot_dimension_numbers<[1], [0], [0], [1], [0, 0, 1, 1], [], []>, transpose_lhs_hint = false} : vector<10000x128xf32>, vector<128x128xf32>, vector<10000x128xf32> -> vector<10000x128xf32>
    %mul3A = vector.broadcast %rsqrt3A : vector<10000x1xf32> to vector<10000x128xf32>
    %mul3A_15 = arith.mulf %dot_general3A_14, %mul3A : vector<10000x128xf32>
    %swap3A = arith.constant 0 : index
    %swap3A_16 = arith.constant 0 : index
    %swap3A_17 = vector.load %arg3[%swap3A, %swap3A_16] : memref<10000x128xf32, #tpu.memory_space<vmem>>, vector<10000x128xf32>
    tpu.vector_store %arg3[%swap3A, %swap3A_16], %mul3A_15 {strides = array<i32>} : memref<10000x128xf32, #tpu.memory_space<vmem>>, vector<10000x128xf32>,
    %swap3A_18 = arith.constant 0 : index
    %swap3A_19 = arith.constant 0 : index
    %swap3A_20 = vector.load %arg4[%swap3A_18, %swap3A_19] : memref<10000x1xf32, #tpu.memory_space<vmem>>, vector<10000x1xf32>
    tpu.vector_store %arg4[%swap3A_18, %swap3A_19], %rsqrt3A {strides = array<i32>} : memref<10000x1xf32, #tpu.memory_space<vmem>>, vector<10000x1xf32>,
    return
  }
}

module attributes {stable_mosaic.version = 14 : i64} {
  func.func @body(%arg0: memref<20224x128xf32, #tpu.memory_space<vmem>>, %arg1: memref<10000x128xf32, #tpu.memory_space<vmem>>, %arg2: memref<10000x1xf32, #tpu.memory_space<vmem>>, %arg3: memref<1x128xf32, #tpu.memory_space<vmem>>, %arg4: memref<128x64xf32, #tpu.memory_space<vmem>>, %arg5: memref<10000x64xf32, #tpu.memory_space<vmem>>) attributes {dimension_semantics = [], scalar_prefetch = 0 : i64, scratch_operands = 0 : i64, tpu.core_type = #tpu.core_type<tc>} {
    %get3A = arith.constant 0 : index
    %get3A_0 = arith.constant 0 : index
    %get3A_1 = vector.load %arg2[%get3A, %get3A_0] : memref<10000x1xf32, #tpu.memory_space<vmem>>, vector<10000x1xf32>
    %get3A_2 = arith.constant 0 : index
    %get3A_3 = arith.constant 0 : index
    %get3A_4 = vector.load %arg0[%get3A_2, %get3A_3] : memref<20224x128xf32, #tpu.memory_space<vmem>>, vector<10000x128xf32>
    %get3A_5 = arith.constant 10112 : index
    %get3A_6 = arith.constant 0 : index
    %get3A_7 = vector.load %arg0[%get3A_5, %get3A_6] : memref<20224x128xf32, #tpu.memory_space<vmem>>, vector<10000x128xf32>
    %add3A = arith.addf %get3A_4, %get3A_7 : vector<10000x128xf32>
    %get3A_8 = arith.constant 0 : index
    %get3A_9 = arith.constant 0 : index
    %get3A_10 = vector.load %arg1[%get3A_8, %get3A_9] : memref<10000x128xf32, #tpu.memory_space<vmem>>, vector<10000x128xf32>
    %add3A_11 = arith.addf %add3A, %get3A_10 : vector<10000x128xf32>
    %mul3A = vector.broadcast %get3A_1 : vector<10000x1xf32> to vector<10000x128xf32>
    %mul3A_12 = arith.mulf %mul3A, %add3A_11 : vector<10000x128xf32>
    %get3A_13 = arith.constant 0 : index
    %get3A_14 = arith.constant 0 : index
    %get3A_15 = vector.load %arg3[%get3A_13, %get3A_14] : memref<1x128xf32, #tpu.memory_space<vmem>>, vector<1x128xf32>
    %add3A_16 = vector.broadcast %get3A_15 : vector<1x128xf32> to vector<10000x128xf32>
    %add3A_17 = arith.addf %mul3A_12, %add3A_16 : vector<10000x128xf32>
    %max3A = arith.constant 0.000000e+00 : f32
    %max3A_18 = vector.broadcast %max3A : f32 to vector<10000x128xf32>
    %max3A_19 = arith.maximumf %add3A_17, %max3A_18 : vector<10000x128xf32>
    %get3A_20 = arith.constant 0 : index
    %get3A_21 = arith.constant 0 : index
    %get3A_22 = vector.load %arg4[%get3A_20, %get3A_21] : memref<128x64xf32, #tpu.memory_space<vmem>>, vector<128x64xf32>
    %dot_general3A = arith.constant dense<0.000000e+00> : vector<10000x64xf32>
    %dot_general3A_23 = tpu.matmul %max3A_19, %get3A_22, %dot_general3A {dimension_numbers = #tpu.dot_dimension_numbers<[1], [0], [0], [1], [0, 0, 1, 1], [], []>, transpose_lhs_hint = false} : vector<10000x128xf32>, vector<128x64xf32>, vector<10000x64xf32> -> vector<10000x64xf32>
    %mul3A_24 = vector.broadcast %get3A_1 : vector<10000x1xf32> to vector<10000x64xf32>
    %mul3A_25 = arith.mulf %dot_general3A_23, %mul3A_24 : vector<10000x64xf32>
    %swap3A = arith.constant 0 : index
    %swap3A_26 = arith.constant 0 : index
    %swap3A_27 = vector.load %arg5[%swap3A, %swap3A_26] : memref<10000x64xf32, #tpu.memory_space<vmem>>, vector<10000x64xf32>
    tpu.vector_store %arg5[%swap3A, %swap3A_26], %mul3A_25 {strides = array<i32>} : memref<10000x64xf32, #tpu.memory_space<vmem>>, vector<10000x64xf32>,
    return
  }
}

module attributes {stable_mosaic.version = 14 : i64} {
  func.func @body(%arg0: memref<20224x64xf32, #tpu.memory_space<vmem>>, %arg1: memref<10000x64xf32, #tpu.memory_space<vmem>>, %arg2: memref<10000x1xf32, #tpu.memory_space<vmem>>, %arg3: memref<1x64xf32, #tpu.memory_space<vmem>>, %arg4: memref<10000x64xf32, #tpu.memory_space<vmem>>) attributes {dimension_semantics = [], scalar_prefetch = 0 : i64, scratch_operands = 0 : i64, tpu.core_type = #tpu.core_type<tc>} {
    %get3A = arith.constant 0 : index
    %get3A_0 = arith.constant 0 : index
    %get3A_1 = vector.load %arg0[%get3A, %get3A_0] : memref<20224x64xf32, #tpu.memory_space<vmem>>, vector<10000x64xf32>
    %get3A_2 = arith.constant 10112 : index
    %get3A_3 = arith.constant 0 : index
    %get3A_4 = vector.load %arg0[%get3A_2, %get3A_3] : memref<20224x64xf32, #tpu.memory_space<vmem>>, vector<10000x64xf32>
    %add3A = arith.addf %get3A_1, %get3A_4 : vector<10000x64xf32>
    %get3A_5 = arith.constant 0 : index
    %get3A_6 = arith.constant 0 : index
    %get3A_7 = vector.load %arg2[%get3A_5, %get3A_6] : memref<10000x1xf32, #tpu.memory_space<vmem>>, vector<10000x1xf32>
    %get3A_8 = arith.constant 0 : index
    %get3A_9 = arith.constant 0 : index
    %get3A_10 = vector.load %arg1[%get3A_8, %get3A_9] : memref<10000x64xf32, #tpu.memory_space<vmem>>, vector<10000x64xf32>
    %add3A_11 = arith.addf %add3A, %get3A_10 : vector<10000x64xf32>
    %mul3A = vector.broadcast %get3A_7 : vector<10000x1xf32> to vector<10000x64xf32>
    %mul3A_12 = arith.mulf %mul3A, %add3A_11 : vector<10000x64xf32>
    %get3A_13 = arith.constant 0 : index
    %get3A_14 = arith.constant 0 : index
    %get3A_15 = vector.load %arg3[%get3A_13, %get3A_14] : memref<1x64xf32, #tpu.memory_space<vmem>>, vector<1x64xf32>
    %add3A_16 = vector.broadcast %get3A_15 : vector<1x64xf32> to vector<10000x64xf32>
    %add3A_17 = arith.addf %mul3A_12, %add3A_16 : vector<10000x64xf32>
    %reduce_max3A = arith.constant dense<0xFF800000> : vector<10000xf32>
    %reduce_max3A_18 = vector.multi_reduction <maximumf>, %add3A_17, %reduce_max3A [1] : vector<10000x64xf32> to vector<10000xf32>
    %broadcast_in_dim3A = vector.shape_cast %reduce_max3A_18 : vector<10000xf32> to vector<10000x1xf32>
    %sub3A = vector.broadcast %broadcast_in_dim3A : vector<10000x1xf32> to vector<10000x64xf32>
    %sub3A_19 = arith.subf %add3A_17, %sub3A : vector<10000x64xf32>
    %exp3A = math.exp %sub3A_19 : vector<10000x64xf32>
    %reduce_sum3A = arith.constant dense<0.000000e+00> : vector<10000xf32>
    %reduce_sum3A_20 = vector.multi_reduction <add>, %exp3A, %reduce_sum3A [1] : vector<10000x64xf32> to vector<10000xf32>
    %broadcast_in_dim3A_21 = vector.shape_cast %reduce_sum3A_20 : vector<10000xf32> to vector<10000x1xf32>
    %log3A = math.log %broadcast_in_dim3A_21 : vector<10000x1xf32>
    %sub3A_22 = vector.broadcast %log3A : vector<10000x1xf32> to vector<10000x64xf32>
    %sub3A_23 = arith.subf %sub3A_19, %sub3A_22 : vector<10000x64xf32>
    %swap3A = arith.constant 0 : index
    %swap3A_24 = arith.constant 0 : index
    %swap3A_25 = vector.load %arg4[%swap3A, %swap3A_24] : memref<10000x64xf32, #tpu.memory_space<vmem>>, vector<10000x64xf32>
    tpu.vector_store %arg4[%swap3A, %swap3A_24], %sub3A_23 {strides = array<i32>} : memref<10000x64xf32, #tpu.memory_space<vmem>>, vector<10000x64xf32>,
    return
  }
}

</mosaic_0001>

<sc_bundles>
// kernel: kernel.11.cloned.1.call-start
scs
__scs_entry_jumppad:
0x0: {  	(pc) =	sbr.rel $0x88, $3  }
0x1: {  	(tag) =	ssettag $0x0;
	lr =	simm.s32 $0x1  }
0x2: {  	[smem:$0x3F9B] =	sst lr;
	_ =	strace $0xD0000000  }
0x3: {  	_ = 	snop  }
0x4: {  	_ = 	snop  }
0x5: {  	_ = 	snop  }
0x6: {  	_ = 	snop  }
0x7: {  	_ = 	snop  }
__scs_overlays_trampoline_lowered:
0x8: {  	[smem:$0x3FAA] =	sst s0  }
0x9: {  	[smem:$0x3FAB] =	sst s1  }
0xa: {  	[smem:$0x3FAC] =	sst s2  }
0xb: {  	[smem:$0x3FAD] =	sst s3  }
0xc: {  	[smem:$0x3FAE] =	sst s4  }
0xd: {  	[smem:$0x3FAF] =	sst s5  }
0xe: {  	[smem:$0x3FB0] =	sst s6  }
0xf: {  	[smem:$0x3FB1] =	sst s7  }
0x10: {  	[smem:$0x3FB2] =	sst s8  }
0x11: {  	[smem:$0x3FB3] =	sst s9;
	s0 =	simm.s32 @!p0 $0x0  }
0x12: {  	s1 =	sld [smem:$0x3F99];
	s0 =	simm.s32 @p0 $0x1  }
0x13: {  	[smem:$0x3FB4] =	sst s0;
	s0 =	simm.s32 @!p1 $0x0  }
0x14: {  	s2 =	sld [smem:$0x3F98];
	s0 =	simm.s32 @p1 $0x1  }
0x15: {  	[smem:$0x3FB5] =	sst s0;
	s0 =	simm.s32 @!p2 $0x0  }
0x16: {  	s3 =	sld [smem:$0x3FDB];
	s0 =	simm.s32 @p2 $0x1  }
0x17: {  	s4 =	simm.s32 $0x1BF5;
	[smem:$0x3FB7] =	sst s0  }
0x18: {  	s0 =	sld [smem:$0x3F9A];
	_ =	swait.ge [sflag:s4], $0x0  }
0x19: {  	s7 =	sld [smem:$0x3F9B]  }
0x1a: {  	s8 =	sadd.s32 $0xFFFFE003, lr  }
0x1b: {  	s9 =	sadd.s32 $0xFFFFFEF7, lr;
	s5 =	simm.s32 $0xFFFFFFFF;
	p2 =	slt.u32 s8, $0xFFFFF086  }
0x1c: {  	p1 =	slt.u32 s9, $0xF7A;
	s5 =	simm.s32 @!p2 $0x0  }
0x1d: {  	s5 =	simm.s32 @p1 $0x1;
	p0 =	seq.s32 s7, s2  }
0x1e: {  	s7 =	smul.u32 @!p0 $0xF7A, s2;
	p2 =	seq.s32 @!p0 s5, $0x0  }
0x1f: {  	s9 =	smul.u32 $0xF7A, s1;
	s8 =	simm.s32 @!p0 $0x1BF5;
	p2 =	por !p2, p0  }
0x20: {  	[sflag:s8] =	ssyncset.s32 @!p0 $0xFFFFF086;
	s6 =	sadd.s32 @!p0 s3, s7;
	s7 =	simm.s32 @!p0 $0x108  }
0x21: {  	s3 =	sadd.s32 s3, s9;
	s6 =	sadd.s32 @!p0 $0x88, s6;
	s7 =	simm.s32 @p2 $0x1082  }
0x22: {  	[simem:s7], [sflag:s8] =	dma.local @!p0 [hbm:s6], $0xF7A  }
0x23: {  	s9 =	sor.u32 $0xD0000000, s2;
	s6 =	simm.s32 $0x108;
	_ =	swait.ge @!p0 [sflag:s8], $0x0  }
0x24: {  	s3 =	sadd.s32 $0x88, s3;
	s6 =	simm.s32 @!p1 $0x1082;
	[sflag:s4] =	ssyncset.s32 $0xFFFFF086  }
0x25: {  	[simem:s6], [sflag:s4] =	dma.local [hbm:s3], $0xF7A  }
0x26: {  	[smem:$0x3F9B] =	sst s1;
	(tag) =	ssettag s2;
	_ =	strace s9  }
0x27: {  	s1 =	sld [smem:$0x3FAB]  }
0x28: {  	s2 =	sld [smem:$0x3FAC]  }
0x29: {  	s4 =	sld [smem:$0x3FAE]  }
0x2a: {  	p0 =	seq.s32 s5, $0x0;
	s5 =	sld [smem:$0x3FAF]  }
0x2b: {  	s6 =	sld [smem:$0x3FB0]  }
0x2c: {  	s7 =	sld [smem:$0x3FB1]  }
0x2d: {  	s3 =	simm.s32 $0x108;
	s8 =	sld [smem:$0x3FB2]  }
0x2e: {  	s3 =	simm.s32 @!p0 $0x1082;
	s9 =	sld [smem:$0x3FB3]  }
0x2f: {  	lr =	sadd.s32 s0, s3;
	s0 =	sld [smem:$0x3FAA]  }
0x30: {  	s3 =	sld [smem:$0x3FAD]  }
0x31: {  	[smem:$0x3FB6] =	sst s10  }
0x32: {  	s10 =	sld [smem:$0x3FB4];
	_ =	sdelay $0x3  }
0x33: {  	p0 =	seq.s32 s10, $0x1;
	s10 =	sld [smem:$0x3FB6];
	_ =	sdelay $0x3  }
0x34: {  	[smem:$0x3FB6] =	sst s10  }
0x35: {  	s10 =	sld [smem:$0x3FB5];
	_ =	sdelay $0x3  }
0x36: {  	p1 =	seq.s32 s10, $0x1;
	s10 =	sld [smem:$0x3FB6];
	_ =	sdelay $0x3  }
0x37: {  	[smem:$0x3FB6] =	sst s10  }
0x38: {  	s10 =	sld [smem:$0x3FB7]  }
0x39: {  	_ = 	snop;
	(pc) =	sbr.ind lr, $3  }
0x3a: {  	_ = 	snop  }
0x3b: {  	_ = 	snop  }
0x3c: {  	p2 =	seq.s32 s10, $0x1;
	s10 =	sld [smem:$0x3FB6]  }
0x3d: {  	_ =	shalt  }
0x3e: {  	_ =	shalt  }
0x3f: {  	_ =	shalt  }
0x40: {  	_ =	shalt  }
0x41: {  	_ =	shalt  }
0x42: {  	_ =	shalt  }
0x43: {  	_ =	shalt  }
0x44: {  	_ =	shalt  }
0x45: {  	_ =	shalt  }
0x46: {  	_ =	shalt  }
0x47: {  	_ =	shalt  }
0x48: {  	_ =	shalt  }
0x49: {  	_ =	shalt  }
0x4a: {  	_ =	shalt  }
0x4b: {  	_ =	shalt  }
0x4c: {  	_ =	shalt  }
0x4d: {  	_ =	shalt  }
0x4e: {  	_ =	shalt  }
0x4f: {  	_ =	shalt  }
0x50: {  	_ =	shalt  }
0x51: {  	_ =	shalt  }
0x52: {  	_ =	shalt  }
0x53: {  	_ =	shalt  }
0x54: {  	_ =	shalt  }
0x55: {  	_ =	shalt  }
0x56: {  	_ =	shalt  }
0x57: {  	_ =	shalt  }
0x58: {  	_ =	shalt  }
0x59: {  	_ =	shalt  }
0x5a: {  	_ =	shalt  }
0x5b: {  	_ =	shalt  }
0x5c: {  	_ =	shalt  }
0x5d: {  	_ =	shalt  }
0x5e: {  	_ =	shalt  }
0x5f: {  	_ =	shalt  }
0x60: {  	_ =	shalt  }
0x61: {  	_ =	shalt  }
0x62: {  	_ =	shalt  }
0x63: {  	_ =	shalt  }
0x64: {  	_ =	shalt  }
0x65: {  	_ =	shalt  }
0x66: {  	_ =	shalt  }
0x67: {  	_ =	shalt  }
0x68: {  	_ =	shalt  }
0x69: {  	_ =	shalt  }
0x6a: {  	_ =	shalt  }
0x6b: {  	_ =	shalt  }
0x6c: {  	_ =	shalt  }
0x6d: {  	_ =	shalt  }
0x6e: {  	_ =	shalt  }
0x6f: {  	_ =	shalt  }
0x70: {  	_ =	shalt  }
0x71: {  	_ =	shalt  }
0x72: {  	_ =	shalt  }
0x73: {  	_ =	shalt  }
0x74: {  	_ =	shalt  }
0x75: {  	_ =	shalt  }
0x76: {  	_ =	shalt  }
0x77: {  	_ =	shalt  }
0x78: {  	_ =	shalt  }
0x79: {  	_ =	shalt  }
0x7a: {  	_ =	shalt  }
0x7b: {  	_ =	shalt  }
0x7c: {  	_ =	shalt  }
0x7d: {  	_ =	shalt  }
0x7e: {  	_ =	shalt  }
0x7f: {  	_ =	shalt  }
0x80: {  	_ =	shalt  }
0x81: {  	_ =	shalt  }
0x82: {  	_ =	shalt  }
0x83: {  	_ =	shalt  }
0x84: {  	_ =	shalt  }
0x85: {  	_ =	shalt  }
0x86: {  	_ =	shalt  }
0x87: {  	_ =	shalt  }
.Lfunc_end0:
.L_simem_size_0:
called_computation.1_lowered:
.L_overlay_start_0:
0x88: {  	s2 =	sld [smem:$0x3FD9]  }
0x89: {  	s3 =	sld [smem:$0x3FFE];
	_ =	sdelay $0x1  }
0x8a: {  	s1 =	srdreg.scid  }
0x8b: {  	s0 =	sand.u32 $0x1, s1  }
0x8c: {  	s17 =	sshll.u32 s0, $0xA;
	s2 =	sadd.s32 s3, s2  }
0x8d: {  	s2 =	sadd.s32 s2, s17  }
0x8e: {  	[smem:$0x3FC2] =	sst s2  }
0x8f: {  	_ = 	snop  }
0x90: {  	s2 =	sld [smem:$0x3FD0];
	(tm) =	ssettm $0x1  }
0x91: {  	s18 =	sld [smem:$0x3FFB];
	_ =	sdelay $0x3  }
0x92: {  	_ =	strace s18  }
0x93: {  	s3 =	sld [smem:$0x3FFC];
	_ =	sdelay $0x3  }
0x94: {  	_ =	strace s3  }
0x95: {  	s3 =	sld [smem:$0x3FFD];
	_ =	sdelay $0x3  }
0x96: {  	_ =	strace s3  }
0x97: {  	_ =	strace $0x8FFFFFFF  }
0x98: {  	s19 =	sld [smem:$0x3FDB];
	_ =	sdelay $0x1  }
0x99: {  	s4 =	simm.s32 $_scs_section_size  }
0x9a: {  	s5 =	simm.s32 $_size__tile_overlayer_lowered;
	s6 =	simm.s32 $_tile_overlayer_lowered  }
0x9b: {  	s22 =	simm.s32 $0x1BFF;
	s21 =	sshll.u32 s6, $0x1;
	s3 =	sadd.s32 s4, s19  }
0x9c: {  	s7 =	simm.s32 $0x0;
	s20 =	sshll.u32 s5, $0x1;
	s5 =	sadd.s32 s21, s3  }
0x9d: {  	[timem:s7], [sflag:s22] =	dma.local [hbm:s5], s20  }
0x9e: {  	_ =	swait.ge [sflag:s22], s20  }
0x9f: {  	s4 =	ssub.s32 $0x0, s20;
	[sflag:s22] =	ssyncset.done $0x0  }
0xa0: {  	[sflag:s22] =	ssyncadd.s32 s4;
	_ =	sdelay $0x1  }
0xa1: {  	s23 =	simm.s32 $0x1B8B  }
0xa2: {  	_ =	swait.ge [sflag:s23], $0x1  }
0xa3: {  	[sflag:s23] =	ssyncset.done $0x0  }
0xa4: {  	s25 =	simm.s32 $0x1B8E;
	s24 =	sld [smem:$0x3FFE];
	[sflag:s23] =	ssyncadd.s32 $0xFFFFFFFF  }
0xa5: {  	s26 =	simm.s32 $execute0_lowered;
	[smem:$0x3FD2] =	sst s25  }
0xa6: {  	s5 =	sshll.u32 s26, $0x1;
	_ =	strace $0x80000049;
	[dreg:$0x1] =	wrdreg $0xFFFFFFFF  }
0xa7: {  	s28 =	simm.s32 $_size_execute0_lowered;
	s3 =	sadd.s32 s3, s5;
	[dreg:$0x0] =	wrdreg $0x0  }
0xa8: {  	s5 =	sshll.u32 s28, $0x1;
	[dreg:$0x2] =	wrdreg s3  }
0xa9: {  	[dreg:$0x3] =	wrdreg s5  }
0xaa: {  	[dreg:$0x4] =	wrdreg $0xC0  }
0xab: {  	_ =	task [dreg:s7], $0x5FFFF  }
0xac: {  	[dreg:$0x1] =	wrdreg $0xFFFFFFFF  }
0xad: {  	[dreg:$0x0] =	wrdreg $0x60  }
0xae: {  	[dreg:$0x2] =	wrdreg s24  }
0xaf: {  	[dreg:$0x3] =	wrdreg s2  }
0xb0: {  	[dreg:$0x4] =	wrdreg $0x61A00  }
0xb1: {  	[dreg:$0x5] =	wrdreg $0x9  }
0xb2: {  	_ =	task.clear_ibuf [dreg:s7], $0x6FFFF;
	_ =	strace $0x90000049  }
0xb3: {  	s29 =	simm.s32 $0x9;
	_ =	strace $0x8000004B  }
0xb4: {  	_ =	swait.ge [sflag:s29], $0x1  }
0xb5: {  	[sflag:s29] =	ssyncadd.s32 $0xFFFFFFFF  }
0xb6: {  	_ =	strace $0x9000004B  }
0xb7: {  	_ =	sfence  }
0xb8: {  	s30 =	sld [smem:$0x0];
	_ =	sdelay $0x2  }
0xb9: {  	s31 =	sshll.u32 s1, $0xD;
	s1 =	sshrl.u32 s1, $0x2  }
0xba: {  	s3 =	sand.u32 $0x4000, s31;
	s1 =	sadd.s32 s1, s30  }
0xbb: {  	s0 =	sor.u32 s3, s0;
	s1 =	sshll.u32 s1, $0x11  }
0xbc: {  	s0 =	sor.u32 s1, s0  }
0xbd: {  	s0 =	sadd.s32 $0x8F2B, s0  }
0xbe: {  	[sflag:s0] =	ssyncadd.remote.s32 $0x1  }
0xbf: {  	_ =	sfence.sel $0xFFFF  }
0xc0: {  	[dreg:$0x0] =	wrdreg $0xFFFFFFFF;
	(pc) =	sbr.abs _section_cstart, $3  }
0xc1: {  	[dreg:$0x1] =	wrdreg $0xFFFFFFFF  }
0xc2: {  	_ =	task.clear_ibuf [dreg:s7], $0x2FFFF;
	_ =	strace $0x9FFFFFFF  }
0xc3: {  	(tm) =	ssettm $0x7FFFFFFF  }
tec
execute0_lowered:
.L_overlay_start_1:
0x0: {  	(tag) =	ssettag $0x1  }
0x1: {  	s0 =	rddreg [dreg:$0x0]  }
0x2: {  	s1 =	rddreg [dreg:$0x1]  }
0x3: {  	s2 =	rddreg [dreg:$0x2]  }
0x4: {  	s3 =	simm.s32 $0x0;
	s4 =	srdreg.scid;
	s9 =	stileid.u32  }
0x5: {  	s11 =	simm.s32 $0x8E;
	s29 =	simm.s32 $0x19DA0;
	s30 =	simm.s32 $0x58  }
0x6: {  	s31 =	simm.s32 $0x1C9A0;
	s28 =	simm.s32 $0x0;
	s6 =	smul.u32 $0x278, s9  }
0x7: {  	s5 =	sand.u32 $0x1, s4;
	s13 =	sshll.u32 s9, $0x1;
	s14 =	smul.u32 $0x4F000, s9  }
0x8: {  	[smem:$0x7FF] =	sst s3;
	s4 =	sor.u32 s5, s13;
	s7 =	smul.u32 $0x2780, s5  }
0x9: {  	_ =	strace $0x8000004A;
	s10 =	ssub.s32 $0x2, s5;
	p0 =	seq.s32 s5, $0x0  }
0xa: {  	s8 =	smul.u32 $0x61A, s4;
	s4 =	sadd.s32 $0x1C400, s0;
	s16 =	sshrl.u32 s10, $0x1  }
0xb: {  	s11 =	simm.s32 @!p0 $0x56;
	s6 =	sadd.s32 s6, s7;
	s7 =	sshrl.u32 s14, $0x2  }
0xc: {  	s16 =	ssub.s32 s10, s16;
	s18 =	sshrl.u32 s11, $0x1;
	s15 =	sadd.s32 s8, s0  }
0xd: {  	s6 =	sshll.u32 s6, $0x4;
	s1 =	sadd.s32 s1, s8;
	s26 =	smax.u32 s16, $0x1  }
0xe: {  	s0 =	sadd.s32 s6, s0;
	s17 =	sadd.s32 $0x10000, s15;
	[dreg:$0x5] =	wrdreg s1  }
0xf: {  	s6 =	sadd.s32 s7, s2;
	[dreg:$0xe] =	wrdreg s26;
	s26 =	simm.s32 $0x3  }
0x10: {  	s1 =	simm.s32 $0x2;
	[dreg:$0x4] =	wrdreg s17;
	s19 =	sadd.s32 $0x43600, s0  }
0x11: {  	s8 =	sadd.s32 $0x2C00, s6;
	s20 =	sadd.s32 $0x43B80, s0;
	[dreg:$0x6] =	wrdreg s19  }
0x12: {  	s9 =	sadd.s32 $0x5800, s6;
	s21 =	sadd.s32 $0x44100, s0;
	[dreg:$0x7] =	wrdreg s20  }
0x13: {  	s10 =	sadd.s32 $0x8400, s6;
	s22 =	sadd.s32 $0x44680, s0;
	[dreg:$0x8] =	wrdreg s21  }
0x14: {  	s12 =	sadd.s32 $0xB000, s6;
	s23 =	sadd.s32 $0x44C00, s0;
	[dreg:$0x9] =	wrdreg s22  }
0x15: {  	s13 =	sadd.s32 $0xDC00, s6;
	s24 =	sadd.s32 $0x45180, s0;
	[dreg:$0xa] =	wrdreg s23  }
0x16: {  	s14 =	sadd.s32 $0x10800, s6;
	s25 =	sadd.s32 $0x45700, s0;
	[dreg:$0xb] =	wrdreg s24  }
0x17: {  	s15 =	sadd.s32 $0x13400, s6;
	s0 =	sadd.s32 $0x45C80, s0;
	[dreg:$0xc] =	wrdreg s25  }
0x18: {  	v0 =	vimm.f32 $0.0e+00;
	[dreg:$0xd] =	wrdreg s0;
	s25 =	sadd.s32 $0xFFFFFFFF, s18;
	s0 =	simm.s32 $0x1  }
.LBB2_1:
0x19: {  	s5 =	rddreg [dreg:$0x4]  }
0x1a: {  	[tilespmem:s3], [sflag:$0x3] =	stream.linear.gather [hbm4b:s5+s3], $0x30D0, $0x38;
	[tilespmem:$0x1F5A0] =	vst v63  }
0x1b: {  	_ =	swait.ge [sflag:s26], $0x30D0  }
0x1c: {  	[sflag:s26] =	ssyncset.done $0x0  }
0x1d: {  	s7 =	simm.s32 $0x30D0;
	s24 =	rddreg [dreg:$0x5];
	[sflag:s26] =	ssyncadd.s32 $0xFFFFCF30  }
0x1e: {  	[tilespmem:s7], [sflag:$0x3] =	stream.linear.gather [hbm4b:s24+s3], $0x30D0, $0x38;
	[tilespmem:$0x1F5A0] =	vst v63  }
0x1f: {  	_ =	swait.ge [sflag:s26], $0x30D0  }
0x20: {  	[sflag:s26] =	ssyncset.done $0x0  }
0x21: {  	s5 =	simm.s32 $0x0;
	s7 =	simm.s32 $0x200;
	[sflag:s26] =	ssyncadd.s32 $0xFFFFCF30  }
.LBB2_2:
0x22: {  	p0 =	sne.s32 s7, $0xAE00;
	[tilespmem:s5+$0x19E10] =	vst v0  }
0x23: {  	[tilespmem:s5+$0x19DA0] =	vst v0  }
0x24: {  	[tilespmem:s5+$0x19DB0] =	vst v0  }
.Ltmp0:
0x25: {  	[tilespmem:s5+$0x19DC0] =	vst v0;
	(pc) =	sbr.rel @p0 .LBB2_2-.Ltmp0, $4  }
0x26: {  	[tilespmem:s5+$0x19DD0] =	vst v0  }
0x27: {  	[tilespmem:s5+$0x19DE0] =	vst v0  }
0x28: {  	[tilespmem:s5+$0x19DF0] =	vst v0  }
0x29: {  	[tilespmem:s5+$0x19E00] =	vst v0;
	s5 =	sshra.s32 s7, $0x2;
	s7 =	sadd.s32 $0x200, s7  }
0x2a: {  	[tilespmem:s5+$0x19E10] =	vst v0  }
0x2b: {  	[tilespmem:s5+$0x19DA0] =	vst v0  }
0x2c: {  	[tilespmem:s5+$0x19DB0] =	vst v0  }
0x2d: {  	[tilespmem:s5+$0x19DC0] =	vst v0  }
0x2e: {  	[tilespmem:s5+$0x19DD0] =	vst v0  }
0x2f: {  	[tilespmem:s5+$0x19DE0] =	vst v0  }
0x30: {  	[tilespmem:s5+$0x19DF0] =	vst v0  }
0x31: {  	[tilespmem:s5+$0x19E00] =	vst v0;
	s23 =	simm.s32 $0x3  }
0x32: {  	[spmem:s6] =	stream.linear.scatter [tilespmem:s29], [sflag:$0x3], $0x2C00, $0x38;
	[tilespmem:$0x1F5A0] =	vst v63  }
0x33: {  	_ =	swait.ge [sflag:s23], $0x2C00  }
0x34: {  	[sflag:s23] =	ssyncset.done $0x0  }
0x35: {  	[sflag:s23] =	ssyncadd.s32 $0xFFFFD400  }
0x36: {  	[spmem:s8] =	stream.linear.scatter [tilespmem:s29], [sflag:$0x3], $0x2C00, $0x38;
	[tilespmem:$0x1F5A0] =	vst v63  }
0x37: {  	_ =	swait.ge [sflag:s23], $0x2C00  }
0x38: {  	[sflag:s23] =	ssyncset.done $0x0  }
0x39: {  	[sflag:s23] =	ssyncadd.s32 $0xFFFFD400  }
0x3a: {  	[spmem:s9] =	stream.linear.scatter [tilespmem:s29], [sflag:$0x3], $0x2C00, $0x38;
	[tilespmem:$0x1F5A0] =	vst v63  }
0x3b: {  	_ =	swait.ge [sflag:s23], $0x2C00  }
0x3c: {  	[sflag:s23] =	ssyncset.done $0x0  }
0x3d: {  	[sflag:s23] =	ssyncadd.s32 $0xFFFFD400  }
0x3e: {  	[spmem:s10] =	stream.linear.scatter [tilespmem:s29], [sflag:$0x3], $0x2C00, $0x38;
	[tilespmem:$0x1F5A0] =	vst v63  }
0x3f: {  	_ =	swait.ge [sflag:s23], $0x2C00  }
0x40: {  	[sflag:s23] =	ssyncset.done $0x0  }
0x41: {  	[sflag:s23] =	ssyncadd.s32 $0xFFFFD400  }
0x42: {  	[spmem:s12] =	stream.linear.scatter [tilespmem:s29], [sflag:$0x3], $0x2C00, $0x38;
	[tilespmem:$0x1F5A0] =	vst v63  }
0x43: {  	_ =	swait.ge [sflag:s23], $0x2C00  }
0x44: {  	[sflag:s23] =	ssyncset.done $0x0  }
0x45: {  	[sflag:s23] =	ssyncadd.s32 $0xFFFFD400  }
0x46: {  	[spmem:s13] =	stream.linear.scatter [tilespmem:s29], [sflag:$0x3], $0x2C00, $0x38;
	[tilespmem:$0x1F5A0] =	vst v63  }
0x47: {  	_ =	swait.ge [sflag:s23], $0x2C00  }
0x48: {  	[sflag:s23] =	ssyncset.done $0x0  }
0x49: {  	[sflag:s23] =	ssyncadd.s32 $0xFFFFD400  }
0x4a: {  	[spmem:s14] =	stream.linear.scatter [tilespmem:s29], [sflag:$0x3], $0x2C00, $0x38;
	[tilespmem:$0x1F5A0] =	vst v63  }
0x4b: {  	_ =	swait.ge [sflag:s23], $0x2C00  }
0x4c: {  	[sflag:s23] =	ssyncset.done $0x0  }
0x4d: {  	[sflag:s23] =	ssyncadd.s32 $0xFFFFD400  }
0x4e: {  	[spmem:s15] =	stream.linear.scatter [tilespmem:s29], [sflag:$0x3], $0x800, $0x38;
	[tilespmem:$0x1F5A0] =	vst v63  }
0x4f: {  	_ =	swait.ge [sflag:s23], $0x800  }
0x50: {  	[sflag:s23] =	ssyncset.done $0x0  }
0x51: {  	[sflag:s23] =	ssyncadd.s32 $0xFFFFF800  }
0x52: {  	[bflag:$0x0] =	sbarrier.arrive $0xFFFF  }
0x53: {  	[tilespmem:s29], [sflag:$0x1] =	stream.indirect.gather [hbm4b:s4+s30], $0x80, s3, s30, $0xb8;
	[tilespmem:$0x1F5A0] =	vst v63  }
0x54: {  	_ = 	snop  }
0x55: {  	[tilespmem:s31], [sflag:$0x2] =	stream.indirect.gather [hbm4b:s4+s30], $0x80, s30, s30, $0xb8;
	[tilespmem:$0x1F5A0] =	vst v63  }
0x56: {  	_ =	swait.ge [sflag:s0], $0x2C00  }
0x57: {  	[sflag:s0] =	ssyncset.done $0x0  }
0x58: {  	s24 =	simm.s32 $0x30D0;
	[sflag:s0] =	ssyncadd.s32 $0xFFFFD400  }
0x59: {  	[spmem:s2] =	stream.indirect.scatter.add.f32 [tilespmem:s29], [sflag:$0x3], $0x80, s24, s30, $0xb8;
	[tilespmem:$0x1F5A0] =	vst v63  }
0x5a: {  	p0 =	sle.u32 s11, $0x2;
	s18 =	sadd.s32 $0xFFFFFFFF, s25;
	_ =	swait.ge [sflag:s26], $0x2C00  }
0x5b: {  	s17 =	simm.s32 $0x3128;
	s5 =	simm.s32 @!p0 $0xB0;
	[sflag:s26] =	ssyncset.done $0x0  }
0x5c: {  	s7 =	simm.s32 @!p0 $0x58;
	s16 =	simm.s32 @!p0 $0x19DA0;
	[sflag:s26] =	ssyncadd.s32 $0xFFFFD400  }
0x5d: {  	[tilespmem:s16], [sflag:$0x1] =	stream.indirect.gather @!p0 [hbm4b:s4+s7], $0x80, s5, s7, $0xb8;
	[tilespmem:$0x1F5A0] =	vst v63  }
0x5e: {  	p1 =	sle.u32 s11, $0x3;
	p0 =	sne.s32 s18, $0x0;
	_ =	swait.ge [sflag:s1], $0x2C00  }
.Ltmp1:
0x5f: {  	s20 =	simm.s32 $0x108;
	[sflag:s1] =	ssyncset.done $0x0;
	(pc) =	sbr.rel @!p0 .LBB2_5-.Ltmp1, $4  }
0x60: {  	s19 =	simm.s32 $0x108;
	s21 =	simm.s32 @!p1 $0x58;
	[sflag:s1] =	ssyncadd.s32 $0xFFFFD400  }
0x61: {  	[spmem:s2] =	stream.indirect.scatter.add.f32 [tilespmem:s31], [sflag:$0x3], $0x80, s17, s30, $0xb8;
	[tilespmem:$0x1F5A0] =	vst v63  }
0x62: {  	s22 =	simm.s32 @!p1 $0x1C9A0;
	s5 =	simm.s32 $0x108;
	_ =	swait.ge [sflag:s26], $0x2C00  }
0x63: {  	s16 =	simm.s32 $0x31D8;
	s7 =	simm.s32 $0x5;
	[sflag:s26] =	ssyncset.done $0x0  }
.LBB2_4:
0x64: {  	s19 =	smov.u32 s5;
	s17 =	smov.u32 s16  }
0x65: {  	s18 =	sadd.s32 $0xFFFFFFFF, s18;
	s5 =	sadd.s32 $0xB0, s5;
	[sflag:s26] =	ssyncadd.s32 $0xFFFFD400  }
0x66: {  	[tilespmem:s22], [sflag:$0x2] =	stream.indirect.gather @!p1 [hbm4b:s4+s21], $0x80, s20, s21, $0xb8;
	[tilespmem:$0x1F5A0] =	vst v63  }
0x67: {  	p0 =	sne.s32 s18, $0x0;
	s20 =	smov.u32 s5;
	_ =	swait.ge [sflag:s0], $0x2C00  }
0x68: {  	s21 =	sadd.s32 $0xFFFFFFA8, s16;
	s22 =	smov.u32 s16;
	[sflag:s0] =	ssyncset.done $0x0  }
0x69: {  	s23 =	sadd.s32 $0xFFFFFFFF, s7;
	[sflag:s0] =	ssyncadd.s32 $0xFFFFD400  }
0x6a: {  	[spmem:s2] =	stream.indirect.scatter.add.f32 [tilespmem:s29], [sflag:$0x3], $0x80, s21, s30, $0xb8;
	[tilespmem:$0x1F5A0] =	vst v63  }
0x6b: {  	p1 =	sge.u32 s23, s11;
	_ =	swait.ge [sflag:s26], $0x2C00  }
0x6c: {  	s23 =	simm.s32 @!p1 $0x58;
	s21 =	sadd.s32 @!p1 $0xFFFFFFA8, s5;
	[sflag:s26] =	ssyncset.done $0x0  }
0x6d: {  	s24 =	simm.s32 @!p1 $0x19DA0;
	[sflag:s26] =	ssyncadd.s32 $0xFFFFD400  }
0x6e: {  	[tilespmem:s24], [sflag:$0x1] =	stream.indirect.gather @!p1 [hbm4b:s4+s23], $0x80, s21, s23, $0xb8;
	[tilespmem:$0x1F5A0] =	vst v63  }
0x6f: {  	_ =	swait.ge [sflag:s1], $0x2C00  }
.Ltmp2:
0x70: {  	[sflag:s1] =	ssyncset.done $0x0;
	(pc) =	sbr.rel @p0 .LBB2_4-.Ltmp2, $4  }
0x71: {  	s16 =	sadd.s32 $0xB0, s16;
	[sflag:s1] =	ssyncadd.s32 $0xFFFFD400  }
0x72: {  	[spmem:s2] =	stream.indirect.scatter.add.f32 [tilespmem:s31], [sflag:$0x3], $0x80, s22, s30, $0xb8;
	[tilespmem:$0x1F5A0] =	vst v63  }
0x73: {  	p1 =	sge.u32 s7, s11;
	s7 =	sadd.s32 $0x2, s7;
	_ =	swait.ge [sflag:s26], $0x2C00  }
0x74: {  	s21 =	simm.s32 @!p1 $0x58;
	s22 =	simm.s32 @!p1 $0x1C9A0;
	[sflag:s26] =	ssyncset.done $0x0  }
.LBB2_5:
0x75: {  	[sflag:s26] =	ssyncadd.s32 $0xFFFFD400  }
0x76: {  	[tilespmem:s22], [sflag:$0x2] =	stream.indirect.gather @!p1 [hbm4b:s4+s21], $0x80, s20, s21, $0xb8;
	[tilespmem:$0x1F5A0] =	vst v63  }
0x77: {  	_ =	swait.ge [sflag:s0], $0x2C00  }
0x78: {  	[sflag:s0] =	ssyncset.done $0x0  }
0x79: {  	s17 =	sadd.s32 $0x58, s17;
	s24 =	sadd.s32 $0xFFFFFFFF, s7;
	[sflag:s0] =	ssyncadd.s32 $0xFFFFD400  }
0x7a: {  	[spmem:s2] =	stream.indirect.scatter.add.f32 [tilespmem:s29], [sflag:$0x3], $0x80, s17, s30, $0xb8;
	[tilespmem:$0x1F5A0] =	vst v63  }
0x7b: {  	p0 =	sge.u32 s24, s11;
	_ =	swait.ge [sflag:s26], $0x2C00  }
0x7c: {  	s18 =	simm.s32 @!p0 $0x58;
	[sflag:s26] =	ssyncset.done $0x0  }
0x7d: {  	s17 =	sadd.s32 @!p0 $0x58, s19;
	s19 =	simm.s32 @!p0 $0x19DA0;
	[sflag:s26] =	ssyncadd.s32 $0xFFFFD400  }
0x7e: {  	[tilespmem:s19], [sflag:$0x1] =	stream.indirect.gather @!p0 [hbm4b:s4+s18], $0x80, s17, s18, $0xb8;
	[tilespmem:$0x1F5A0] =	vst v63  }
0x7f: {  	_ =	swait.ge [sflag:s1], $0x2C00  }
0x80: {  	[sflag:s1] =	ssyncset.done $0x0  }
0x81: {  	[sflag:s1] =	ssyncadd.s32 $0xFFFFD400  }
0x82: {  	[spmem:s2] =	stream.indirect.scatter.add.f32 [tilespmem:s31], [sflag:$0x3], $0x80, s16, s30, $0xb8;
	[tilespmem:$0x1F5A0] =	vst v63  }
0x83: {  	_ =	swait.ge [sflag:s26], $0x2C00  }
0x84: {  	s5 =	sadd.s32 $0xB0, s5;
	p0 =	sge.u32 s7, s11;
	[sflag:s26] =	ssyncset.done $0x0  }
0x85: {  	s7 =	simm.s32 @!p0 $0x58;
	s16 =	simm.s32 @!p0 $0x1C9A0;
	[sflag:s26] =	ssyncadd.s32 $0xFFFFD400  }
0x86: {  	[tilespmem:s16], [sflag:$0x2] =	stream.indirect.gather @!p0 [hbm4b:s4+s7], $0x80, s5, s7, $0xb8;
	[tilespmem:$0x1F5A0] =	vst v63  }
0x87: {  	[bflag:$0x0] =	sbarrier.arrive $0xFFFF  }
0x88: {  	[tilespmem:s29], [sflag:$0x3] =	stream.linear.gather [spmem:s6], $0x2C00, $0x38;
	[tilespmem:$0x1F5A0] =	vst v63  }
0x89: {  	_ =	swait.ge [sflag:s26], $0x2C00  }
0x8a: {  	[sflag:s26] =	ssyncset.done $0x0  }
0x8b: {  	s16 =	rddreg [dreg:$0x6];
	[sflag:s26] =	ssyncadd.s32 $0xFFFFD400  }
0x8c: {  	[hbm4b:s16+s3] =	stream.linear.scatter [tilespmem:s29], [sflag:$0x3], $0x2C00, $0x38;
	[tilespmem:$0x1F5A0] =	vst v63  }
0x8d: {  	_ =	swait.ge [sflag:s26], $0x2C00  }
0x8e: {  	[sflag:s26] =	ssyncset.done $0x0  }
0x8f: {  	[sflag:s26] =	ssyncadd.s32 $0xFFFFD400  }
0x90: {  	[tilespmem:s29], [sflag:$0x3] =	stream.linear.gather [spmem:s8], $0x2C00, $0x38;
	[tilespmem:$0x1F5A0] =	vst v63  }
0x91: {  	_ =	swait.ge [sflag:s26], $0x2C00  }
0x92: {  	[sflag:s26] =	ssyncset.done $0x0  }
0x93: {  	s17 =	rddreg [dreg:$0x7];
	[sflag:s26] =	ssyncadd.s32 $0xFFFFD400  }
0x94: {  	[hbm4b:s17+s3] =	stream.linear.scatter [tilespmem:s29], [sflag:$0x3], $0x2C00, $0x38;
	[tilespmem:$0x1F5A0] =	vst v63  }
0x95: {  	_ =	swait.ge [sflag:s26], $0x2C00  }
0x96: {  	[sflag:s26] =	ssyncset.done $0x0  }
0x97: {  	[sflag:s26] =	ssyncadd.s32 $0xFFFFD400  }
0x98: {  	[tilespmem:s29], [sflag:$0x3] =	stream.linear.gather [spmem:s9], $0x2C00, $0x38;
	[tilespmem:$0x1F5A0] =	vst v63  }
0x99: {  	_ =	swait.ge [sflag:s26], $0x2C00  }
0x9a: {  	[sflag:s26] =	ssyncset.done $0x0  }
0x9b: {  	s18 =	rddreg [dreg:$0x8];
	[sflag:s26] =	ssyncadd.s32 $0xFFFFD400  }
0x9c: {  	[hbm4b:s18+s3] =	stream.linear.scatter [tilespmem:s29], [sflag:$0x3], $0x2C00, $0x38;
	[tilespmem:$0x1F5A0] =	vst v63  }
0x9d: {  	_ =	swait.ge [sflag:s26], $0x2C00  }
0x9e: {  	[sflag:s26] =	ssyncset.done $0x0  }
0x9f: {  	[sflag:s26] =	ssyncadd.s32 $0xFFFFD400  }
0xa0: {  	[tilespmem:s29], [sflag:$0x3] =	stream.linear.gather [spmem:s10], $0x2C00, $0x38;
	[tilespmem:$0x1F5A0] =	vst v63  }
0xa1: {  	_ =	swait.ge [sflag:s26], $0x2C00  }
0xa2: {  	[sflag:s26] =	ssyncset.done $0x0  }
0xa3: {  	s19 =	rddreg [dreg:$0x9];
	[sflag:s26] =	ssyncadd.s32 $0xFFFFD400  }
0xa4: {  	[hbm4b:s19+s3] =	stream.linear.scatter [tilespmem:s29], [sflag:$0x3], $0x2C00, $0x38;
	[tilespmem:$0x1F5A0] =	vst v63  }
0xa5: {  	_ =	swait.ge [sflag:s26], $0x2C00  }
0xa6: {  	[sflag:s26] =	ssyncset.done $0x0  }
0xa7: {  	[sflag:s26] =	ssyncadd.s32 $0xFFFFD400  }
0xa8: {  	[tilespmem:s29], [sflag:$0x3] =	stream.linear.gather [spmem:s12], $0x2C00, $0x38;
	[tilespmem:$0x1F5A0] =	vst v63  }
0xa9: {  	_ =	swait.ge [sflag:s26], $0x2C00  }
0xaa: {  	[sflag:s26] =	ssyncset.done $0x0  }
0xab: {  	s20 =	rddreg [dreg:$0xa];
	[sflag:s26] =	ssyncadd.s32 $0xFFFFD400  }
0xac: {  	[hbm4b:s20+s3] =	stream.linear.scatter [tilespmem:s29], [sflag:$0x3], $0x2C00, $0x38;
	[tilespmem:$0x1F5A0] =	vst v63  }
0xad: {  	_ =	swait.ge [sflag:s26], $0x2C00  }
0xae: {  	[sflag:s26] =	ssyncset.done $0x0  }
0xaf: {  	[sflag:s26] =	ssyncadd.s32 $0xFFFFD400  }
0xb0: {  	[tilespmem:s29], [sflag:$0x3] =	stream.linear.gather [spmem:s13], $0x2C00, $0x38;
	[tilespmem:$0x1F5A0] =	vst v63  }
0xb1: {  	_ =	swait.ge [sflag:s26], $0x2C00  }
0xb2: {  	[sflag:s26] =	ssyncset.done $0x0  }
0xb3: {  	s21 =	rddreg [dreg:$0xb];
	[sflag:s26] =	ssyncadd.s32 $0xFFFFD400  }
0xb4: {  	[hbm4b:s21+s3] =	stream.linear.scatter [tilespmem:s29], [sflag:$0x3], $0x2C00, $0x38;
	[tilespmem:$0x1F5A0] =	vst v63  }
0xb5: {  	_ =	swait.ge [sflag:s26], $0x2C00  }
0xb6: {  	[sflag:s26] =	ssyncset.done $0x0  }
0xb7: {  	[sflag:s26] =	ssyncadd.s32 $0xFFFFD400  }
0xb8: {  	[tilespmem:s29], [sflag:$0x3] =	stream.linear.gather [spmem:s14], $0x2C00, $0x38;
	[tilespmem:$0x1F5A0] =	vst v63  }
0xb9: {  	_ =	swait.ge [sflag:s26], $0x2C00  }
0xba: {  	[sflag:s26] =	ssyncset.done $0x0  }
0xbb: {  	s22 =	rddreg [dreg:$0xc];
	[sflag:s26] =	ssyncadd.s32 $0xFFFFD400  }
0xbc: {  	[hbm4b:s22+s3] =	stream.linear.scatter [tilespmem:s29], [sflag:$0x3], $0x2C00, $0x38;
	[tilespmem:$0x1F5A0] =	vst v63  }
0xbd: {  	_ =	swait.ge [sflag:s26], $0x2C00  }
0xbe: {  	[sflag:s26] =	ssyncset.done $0x0  }
0xbf: {  	[sflag:s26] =	ssyncadd.s32 $0xFFFFD400  }
0xc0: {  	[tilespmem:s29], [sflag:$0x3] =	stream.linear.gather [spmem:s15], $0x800, $0x38;
	[tilespmem:$0x1F5A0] =	vst v63  }
0xc1: {  	_ =	swait.ge [sflag:s26], $0x800  }
0xc2: {  	[sflag:s26] =	ssyncset.done $0x0  }
0xc3: {  	s23 =	rddreg [dreg:$0xd];
	[sflag:s26] =	ssyncadd.s32 $0xFFFFF800  }
0xc4: {  	[hbm4b:s23+s3] =	stream.linear.scatter [tilespmem:s29], [sflag:$0x3], $0x800, $0x38;
	[tilespmem:$0x1F5A0] =	vst v63  }
0xc5: {  	_ =	swait.ge [sflag:s26], $0x800  }
0xc6: {  	s28 =	sadd.s32 $0x1, s28;
	s24 =	rddreg [dreg:$0xe]  }
0xc7: {  	p0 =	sne.s32 s28, s24  }
.Ltmp3:
0xc8: {  	_ = 	snop;
	(pc) =	sbr.rel @p0 .LBB2_1-.Ltmp3, $3  }
0xc9: {  	_ =	sdelay $0x1  }
0xca: {  	[sflag:s26] =	ssyncset.done $0x0  }
0xcb: {  	[sflag:s26] =	ssyncadd.s32 $0xFFFFF800  }
0xcc: {  	_ =	sfence.sel $0x180000  }
0xcd: {  	[bflag:$0x0] =	sbarrier.arrive $0xFFFF  }
0xce: {  	_ =	strace $0x9000004A  }
0xcf: {  	s0 =	stileid.u32;
	[bflag:$0x2] =	sbarrier.arrive $0xFFFF  }
0xd0: {  	p0 =	sne.s32 s0, $0x0;
	s0 =	rddreg [dreg:$0x3]  }
0xd1: {  	s0 =	sadd.s32 @!p0 $0x100000, s0  }
0xd2: {  	[sflag:s0] =	ssyncadd.tile.s32 @!p0 $0x1;
	_ =	shalt  }
.Lfunc_end2:
_tile_overlayer_lowered:
.L_overlay_start_2:
0xd3: {  	(tag) =	ssettag $0x2  }
0xd4: {  	s0 =	rddreg [dreg:$0x0];
	s2 =	stileid.u32  }
0xd5: {  	s1 =	rddreg [dreg:$0x1];
	p0 =	sne.s32 s2, $0x0  }
0xd6: {  	s3 =	rddreg [dreg:$0x2];
	[bflag:$0x3] =	sbarrier.arrive $0xFFFF;
	s2 =	simm.s32 @!p0 $0x1C03  }
0xd7: {  	[timem:s3], [sflag:s2] =	dma.local @!p0 [hbm:s0], s1  }
0xd8: {  	s0 =	simm.s32 @!p0 $0x3  }
0xd9: {  	_ =	swait.ge @!p0 [sflag:s0], s1  }
0xda: {  	s1 =	ssub.s32 @!p0 $0x0, s1;
	[sflag:s0] =	ssyncset.done @!p0 $0x0  }
0xdb: {  	[sflag:s0] =	ssyncadd.s32 @!p0 s1  }
0xdc: {  	[bflag:$0x3] =	sbarrier.arrive $0xFFFF  }
0xdd: {  	_ =	shalt  }

// kernel: kernel.14.cloned.1.call-start
scs
__scs_entry_jumppad:
0x0: {  	(pc) =	sbr.rel $0x88, $3  }
0x1: {  	(tag) =	ssettag $0x0;
	lr =	simm.s32 $0x1  }
0x2: {  	[smem:$0x3F9B] =	sst lr;
	_ =	strace $0xD0000000  }
0x3: {  	_ = 	snop  }
0x4: {  	_ = 	snop  }
0x5: {  	_ = 	snop  }
0x6: {  	_ = 	snop  }
0x7: {  	_ = 	snop  }
__scs_overlays_trampoline_lowered:
0x8: {  	[smem:$0x3FAA] =	sst s0  }
0x9: {  	[smem:$0x3FAB] =	sst s1  }
0xa: {  	[smem:$0x3FAC] =	sst s2  }
0xb: {  	[smem:$0x3FAD] =	sst s3  }
0xc: {  	[smem:$0x3FAE] =	sst s4  }
0xd: {  	[smem:$0x3FAF] =	sst s5  }
0xe: {  	[smem:$0x3FB0] =	sst s6  }
0xf: {  	[smem:$0x3FB1] =	sst s7  }
0x10: {  	[smem:$0x3FB2] =	sst s8  }
0x11: {  	[smem:$0x3FB3] =	sst s9;
	s0 =	simm.s32 @!p0 $0x0  }
0x12: {  	s1 =	sld [smem:$0x3F99];
	s0 =	simm.s32 @p0 $0x1  }
0x13: {  	[smem:$0x3FB4] =	sst s0;
	s0 =	simm.s32 @!p1 $0x0  }
0x14: {  	s2 =	sld [smem:$0x3F98];
	s0 =	simm.s32 @p1 $0x1  }
0x15: {  	[smem:$0x3FB5] =	sst s0;
	s0 =	simm.s32 @!p2 $0x0  }
0x16: {  	s3 =	sld [smem:$0x3FDB];
	s0 =	simm.s32 @p2 $0x1  }
0x17: {  	s4 =	simm.s32 $0x1BF5;
	[smem:$0x3FB7] =	sst s0  }
0x18: {  	s0 =	sld [smem:$0x3F9A];
	_ =	swait.ge [sflag:s4], $0x0  }
0x19: {  	s7 =	sld [smem:$0x3F9B]  }
0x1a: {  	s8 =	sadd.s32 $0xFFFFE003, lr  }
0x1b: {  	s9 =	sadd.s32 $0xFFFFFEF7, lr;
	s5 =	simm.s32 $0xFFFFFFFF;
	p2 =	slt.u32 s8, $0xFFFFF086  }
0x1c: {  	p1 =	slt.u32 s9, $0xF7A;
	s5 =	simm.s32 @!p2 $0x0  }
0x1d: {  	s5 =	simm.s32 @p1 $0x1;
	p0 =	seq.s32 s7, s2  }
0x1e: {  	s7 =	smul.u32 @!p0 $0xF7A, s2;
	p2 =	seq.s32 @!p0 s5, $0x0  }
0x1f: {  	s9 =	smul.u32 $0xF7A, s1;
	s8 =	simm.s32 @!p0 $0x1BF5;
	p2 =	por !p2, p0  }
0x20: {  	[sflag:s8] =	ssyncset.s32 @!p0 $0xFFFFF086;
	s6 =	sadd.s32 @!p0 s3, s7;
	s7 =	simm.s32 @!p0 $0x108  }
0x21: {  	s3 =	sadd.s32 s3, s9;
	s6 =	sadd.s32 @!p0 $0x88, s6;
	s7 =	simm.s32 @p2 $0x1082  }
0x22: {  	[simem:s7], [sflag:s8] =	dma.local @!p0 [hbm:s6], $0xF7A  }
0x23: {  	s9 =	sor.u32 $0xD0000000, s2;
	s6 =	simm.s32 $0x108;
	_ =	swait.ge @!p0 [sflag:s8], $0x0  }
0x24: {  	s3 =	sadd.s32 $0x88, s3;
	s6 =	simm.s32 @!p1 $0x1082;
	[sflag:s4] =	ssyncset.s32 $0xFFFFF086  }
0x25: {  	[simem:s6], [sflag:s4] =	dma.local [hbm:s3], $0xF7A  }
0x26: {  	[smem:$0x3F9B] =	sst s1;
	(tag) =	ssettag s2;
	_ =	strace s9  }
0x27: {  	s1 =	sld [smem:$0x3FAB]  }
0x28: {  	s2 =	sld [smem:$0x3FAC]  }
0x29: {  	s4 =	sld [smem:$0x3FAE]  }
0x2a: {  	p0 =	seq.s32 s5, $0x0;
	s5 =	sld [smem:$0x3FAF]  }
0x2b: {  	s6 =	sld [smem:$0x3FB0]  }
0x2c: {  	s7 =	sld [smem:$0x3FB1]  }
0x2d: {  	s3 =	simm.s32 $0x108;
	s8 =	sld [smem:$0x3FB2]  }
0x2e: {  	s3 =	simm.s32 @!p0 $0x1082;
	s9 =	sld [smem:$0x3FB3]  }
0x2f: {  	lr =	sadd.s32 s0, s3;
	s0 =	sld [smem:$0x3FAA]  }
0x30: {  	s3 =	sld [smem:$0x3FAD]  }
0x31: {  	[smem:$0x3FB6] =	sst s10  }
0x32: {  	s10 =	sld [smem:$0x3FB4];
	_ =	sdelay $0x3  }
0x33: {  	p0 =	seq.s32 s10, $0x1;
	s10 =	sld [smem:$0x3FB6];
	_ =	sdelay $0x3  }
0x34: {  	[smem:$0x3FB6] =	sst s10  }
0x35: {  	s10 =	sld [smem:$0x3FB5];
	_ =	sdelay $0x3  }
0x36: {  	p1 =	seq.s32 s10, $0x1;
	s10 =	sld [smem:$0x3FB6];
	_ =	sdelay $0x3  }
0x37: {  	[smem:$0x3FB6] =	sst s10  }
0x38: {  	s10 =	sld [smem:$0x3FB7]  }
0x39: {  	_ = 	snop;
	(pc) =	sbr.ind lr, $3  }
0x3a: {  	_ = 	snop  }
0x3b: {  	_ = 	snop  }
0x3c: {  	p2 =	seq.s32 s10, $0x1;
	s10 =	sld [smem:$0x3FB6]  }
0x3d: {  	_ =	shalt  }
0x3e: {  	_ =	shalt  }
0x3f: {  	_ =	shalt  }
0x40: {  	_ =	shalt  }
0x41: {  	_ =	shalt  }
0x42: {  	_ =	shalt  }
0x43: {  	_ =	shalt  }
0x44: {  	_ =	shalt  }
0x45: {  	_ =	shalt  }
0x46: {  	_ =	shalt  }
0x47: {  	_ =	shalt  }
0x48: {  	_ =	shalt  }
0x49: {  	_ =	shalt  }
0x4a: {  	_ =	shalt  }
0x4b: {  	_ =	shalt  }
0x4c: {  	_ =	shalt  }
0x4d: {  	_ =	shalt  }
0x4e: {  	_ =	shalt  }
0x4f: {  	_ =	shalt  }
0x50: {  	_ =	shalt  }
0x51: {  	_ =	shalt  }
0x52: {  	_ =	shalt  }
0x53: {  	_ =	shalt  }
0x54: {  	_ =	shalt  }
0x55: {  	_ =	shalt  }
0x56: {  	_ =	shalt  }
0x57: {  	_ =	shalt  }
0x58: {  	_ =	shalt  }
0x59: {  	_ =	shalt  }
0x5a: {  	_ =	shalt  }
0x5b: {  	_ =	shalt  }
0x5c: {  	_ =	shalt  }
0x5d: {  	_ =	shalt  }
0x5e: {  	_ =	shalt  }
0x5f: {  	_ =	shalt  }
0x60: {  	_ =	shalt  }
0x61: {  	_ =	shalt  }
0x62: {  	_ =	shalt  }
0x63: {  	_ =	shalt  }
0x64: {  	_ =	shalt  }
0x65: {  	_ =	shalt  }
0x66: {  	_ =	shalt  }
0x67: {  	_ =	shalt  }
0x68: {  	_ =	shalt  }
0x69: {  	_ =	shalt  }
0x6a: {  	_ =	shalt  }
0x6b: {  	_ =	shalt  }
0x6c: {  	_ =	shalt  }
0x6d: {  	_ =	shalt  }
0x6e: {  	_ =	shalt  }
0x6f: {  	_ =	shalt  }
0x70: {  	_ =	shalt  }
0x71: {  	_ =	shalt  }
0x72: {  	_ =	shalt  }
0x73: {  	_ =	shalt  }
0x74: {  	_ =	shalt  }
0x75: {  	_ =	shalt  }
0x76: {  	_ =	shalt  }
0x77: {  	_ =	shalt  }
0x78: {  	_ =	shalt  }
0x79: {  	_ =	shalt  }
0x7a: {  	_ =	shalt  }
0x7b: {  	_ =	shalt  }
0x7c: {  	_ =	shalt  }
0x7d: {  	_ =	shalt  }
0x7e: {  	_ =	shalt  }
0x7f: {  	_ =	shalt  }
0x80: {  	_ =	shalt  }
0x81: {  	_ =	shalt  }
0x82: {  	_ =	shalt  }
0x83: {  	_ =	shalt  }
0x84: {  	_ =	shalt  }
0x85: {  	_ =	shalt  }
0x86: {  	_ =	shalt  }
0x87: {  	_ =	shalt  }
.Lfunc_end0:
.L_simem_size_0:
called_computation.2_lowered:
.L_overlay_start_0:
0x88: {  	s2 =	sld [smem:$0x3FD9]  }
0x89: {  	s3 =	sld [smem:$0x3FFE];
	_ =	sdelay $0x1  }
0x8a: {  	s1 =	srdreg.scid  }
0x8b: {  	s0 =	sand.u32 $0x1, s1  }
0x8c: {  	s17 =	sshll.u32 s0, $0xA;
	s2 =	sadd.s32 s3, s2  }
0x8d: {  	s2 =	sadd.s32 s2, s17  }
0x8e: {  	[smem:$0x3FC2] =	sst s2  }
0x8f: {  	_ = 	snop  }
0x90: {  	s2 =	sld [smem:$0x3FD0];
	(tm) =	ssettm $0x1  }
0x91: {  	s18 =	sld [smem:$0x3FFB];
	_ =	sdelay $0x3  }
0x92: {  	_ =	strace s18  }
0x93: {  	s3 =	sld [smem:$0x3FFC];
	_ =	sdelay $0x3  }
0x94: {  	_ =	strace s3  }
0x95: {  	s3 =	sld [smem:$0x3FFD];
	_ =	sdelay $0x3  }
0x96: {  	_ =	strace s3  }
0x97: {  	_ =	strace $0x8FFFFFFF  }
0x98: {  	s19 =	sld [smem:$0x3FDB];
	_ =	sdelay $0x1  }
0x99: {  	s4 =	simm.s32 $_scs_section_size  }
0x9a: {  	s5 =	simm.s32 $_size__tile_overlayer_lowered;
	s6 =	simm.s32 $_tile_overlayer_lowered  }
0x9b: {  	s22 =	simm.s32 $0x1BFF;
	s21 =	sshll.u32 s6, $0x1;
	s3 =	sadd.s32 s4, s19  }
0x9c: {  	s7 =	simm.s32 $0x0;
	s20 =	sshll.u32 s5, $0x1;
	s5 =	sadd.s32 s21, s3  }
0x9d: {  	[timem:s7], [sflag:s22] =	dma.local [hbm:s5], s20  }
0x9e: {  	_ =	swait.ge [sflag:s22], s20  }
0x9f: {  	s4 =	ssub.s32 $0x0, s20;
	[sflag:s22] =	ssyncset.done $0x0  }
0xa0: {  	[sflag:s22] =	ssyncadd.s32 s4;
	_ =	sdelay $0x1  }
0xa1: {  	s23 =	simm.s32 $0x1B8B  }
0xa2: {  	_ =	swait.ge [sflag:s23], $0x1  }
0xa3: {  	[sflag:s23] =	ssyncset.done $0x0  }
0xa4: {  	s25 =	simm.s32 $0x1B8E;
	s24 =	sld [smem:$0x3FFE];
	[sflag:s23] =	ssyncadd.s32 $0xFFFFFFFF  }
0xa5: {  	s26 =	simm.s32 $execute0_lowered;
	[smem:$0x3FD2] =	sst s25  }
0xa6: {  	s5 =	sshll.u32 s26, $0x1;
	_ =	strace $0x8000004C;
	[dreg:$0x1] =	wrdreg $0xFFFFFFFF  }
0xa7: {  	s28 =	simm.s32 $_size_execute0_lowered;
	s3 =	sadd.s32 s3, s5;
	[dreg:$0x0] =	wrdreg $0x0  }
0xa8: {  	s5 =	sshll.u32 s28, $0x1;
	[dreg:$0x2] =	wrdreg s3  }
0xa9: {  	[dreg:$0x3] =	wrdreg s5  }
0xaa: {  	[dreg:$0x4] =	wrdreg $0xC0  }
0xab: {  	_ =	task [dreg:s7], $0x5FFFF  }
0xac: {  	[dreg:$0x1] =	wrdreg $0xFFFFFFFF  }
0xad: {  	[dreg:$0x0] =	wrdreg $0x60  }
0xae: {  	[dreg:$0x2] =	wrdreg s2  }
0xaf: {  	[dreg:$0x3] =	wrdreg s24  }
0xb0: {  	[dreg:$0x4] =	wrdreg $0x5AC00  }
0xb1: {  	[dreg:$0x5] =	wrdreg $0x9  }
0xb2: {  	_ =	task.clear_ibuf [dreg:s7], $0x6FFFF;
	_ =	strace $0x9000004C  }
0xb3: {  	s29 =	simm.s32 $0x9;
	_ =	strace $0x8000004E  }
0xb4: {  	_ =	swait.ge [sflag:s29], $0x1  }
0xb5: {  	[sflag:s29] =	ssyncadd.s32 $0xFFFFFFFF  }
0xb6: {  	_ =	strace $0x9000004E  }
0xb7: {  	_ =	sfence  }
0xb8: {  	s30 =	sld [smem:$0x0];
	_ =	sdelay $0x2  }
0xb9: {  	s31 =	sshll.u32 s1, $0xD;
	s1 =	sshrl.u32 s1, $0x2  }
0xba: {  	s3 =	sand.u32 $0x4000, s31;
	s1 =	sadd.s32 s1, s30  }
0xbb: {  	s0 =	sor.u32 s3, s0;
	s1 =	sshll.u32 s1, $0x11  }
0xbc: {  	s0 =	sor.u32 s1, s0  }
0xbd: {  	s0 =	sadd.s32 $0x8F2B, s0  }
0xbe: {  	[sflag:s0] =	ssyncadd.remote.s32 $0x1  }
0xbf: {  	_ =	sfence.sel $0xFFFF  }
0xc0: {  	[dreg:$0x0] =	wrdreg $0xFFFFFFFF;
	(pc) =	sbr.abs _section_cstart, $3  }
0xc1: {  	[dreg:$0x1] =	wrdreg $0xFFFFFFFF  }
0xc2: {  	_ =	task.clear_ibuf [dreg:s7], $0x2FFFF;
	_ =	strace $0x9FFFFFFF  }
0xc3: {  	(tm) =	ssettm $0x7FFFFFFF  }
tec
execute0_lowered:
.L_overlay_start_1:
0x0: {  	(tag) =	ssettag $0x1  }
0x1: {  	s0 =	srdreg.scid;
	s1 =	rddreg [dreg:$0x0]  }
0x2: {  	s8 =	stileid.u32;
	s5 =	rddreg [dreg:$0x1]  }
0x3: {  	s3 =	rddreg [dreg:$0x2];
	s4 =	simm.s32 $0x0;
	s13 =	simm.s32 $0x84  }
0x4: {  	s29 =	simm.s32 $0xF8C0;
	s30 =	simm.s32 $0x58;
	s31 =	simm.s32 $0x10EC0  }
0x5: {  	s28 =	simm.s32 $0x0;
	s0 =	sand.u32 $0x1, s0;
	s6 =	smul.u32 $0x278, s8  }
0x6: {  	s2 =	sshll.u32 s8, $0x1;
	[smem:$0x7FF] =	sst s4;
	s8 =	smul.u32 $0x27800, s8  }
0x7: {  	s2 =	sor.u32 s0, s2;
	s7 =	smul.u32 $0x2780, s0;
	_ =	strace $0x8000004D  }
0x8: {  	s19 =	ssub.s32 $0x2, s0;
	p0 =	seq.s32 s0, $0x0;
	s0 =	simm.s32 $0x2  }
0x9: {  	s2 =	smul.u32 $0x5AC, s2;
	s9 =	sshrl.u32 s19, $0x1;
	s8 =	sshrl.u32 s8, $0x2  }
0xa: {  	s13 =	simm.s32 @!p0 $0x60;
	s6 =	sadd.s32 s6, s7;
	s7 =	ssub.s32 s19, s9  }
0xb: {  	s21 =	sshrl.u32 s13, $0x1;
	s2 =	sadd.s32 s2, s5;
	s6 =	sshll.u32 s6, $0x3  }
0xc: {  	[dreg:$0x6] =	wrdreg s21;
	s6 =	sadd.s32 s6, s5;
	s20 =	sadd.s32 $0x92600, s2  }
0xd: {  	s5 =	sadd.s32 s8, s3;
	s2 =	sadd.s32 $0x1200, s2;
	[dreg:$0x4] =	wrdreg s20  }
0xe: {  	[dreg:$0x5] =	wrdreg s2;
	s8 =	sadd.s32 $0x1600, s5;
	s9 =	sadd.s32 $0x2C00, s5  }
0xf: {  	s10 =	sadd.s32 $0x4200, s5;
	s11 =	sadd.s32 $0x5800, s5;
	s22 =	sadd.s32 $0xC800, s6  }
0x10: {  	s12 =	sadd.s32 $0x6E00, s5;
	s23 =	sadd.s32 $0xCAC0, s6;
	[dreg:$0x7] =	wrdreg s22  }
0x11: {  	s14 =	sadd.s32 $0x8400, s5;
	s24 =	sadd.s32 $0xCD80, s6;
	[dreg:$0x8] =	wrdreg s23  }
0x12: {  	s15 =	sadd.s32 $0x9A00, s5;
	s25 =	sadd.s32 $0xD040, s6;
	[dreg:$0x9] =	wrdreg s24  }
0x13: {  	s26 =	sadd.s32 $0xD300, s6;
	s2 =	simm.s32 $0x1;
	[dreg:$0xa] =	wrdreg s25  }
0x14: {  	[dreg:$0xb] =	wrdreg s26;
	s22 =	sadd.s32 $0xD5C0, s6;
	s23 =	sadd.s32 $0xD880, s6  }
0x15: {  	v0 =	vimm.f32 $0.0e+00;
	s24 =	sadd.s32 $0xDB40, s6;
	s25 =	smax.u32 s7, $0x1;
	s26 =	simm.s32 $0x3  }
.LBB2_1:
0x16: {  	s6 =	rddreg [dreg:$0x4]  }
0x17: {  	[tilespmem:s4], [sflag:$0x3] =	stream.linear.gather [hbm4b:s6+s4], $0x2D60, $0x38;
	[tilespmem:$0x124C0] =	vst v63  }
0x18: {  	_ =	swait.ge [sflag:s26], $0x2D60  }
0x19: {  	[sflag:s26] =	ssyncset.done $0x0  }
0x1a: {  	s7 =	simm.s32 $0x2D60;
	s21 =	rddreg [dreg:$0x5];
	[sflag:s26] =	ssyncadd.s32 $0xFFFFD2A0  }
0x1b: {  	[tilespmem:s7], [sflag:$0x3] =	stream.linear.gather [hbm4b:s21+s4], $0x2D60, $0x38;
	[tilespmem:$0x124C0] =	vst v63  }
0x1c: {  	_ =	swait.ge [sflag:s26], $0x2D60  }
0x1d: {  	[sflag:s26] =	ssyncset.done $0x0  }
0x1e: {  	s6 =	simm.s32 $0x0;
	s7 =	simm.s32 $0x100;
	[sflag:s26] =	ssyncadd.s32 $0xFFFFD2A0  }
.LBB2_2:
0x1f: {  	p0 =	sne.s32 s7, $0x5700;
	[tilespmem:s6+$0xF8F0] =	vst v0;
	s16 =	smov.u32 s7;
	s7 =	sadd.s32 $0x100, s7  }
.Ltmp0:
0x20: {  	[tilespmem:s6+$0xF8E0] =	vst v0;
	(pc) =	sbr.rel @p0 .LBB2_2-.Ltmp0, $3  }
0x21: {  	[tilespmem:s6+$0xF8C0] =	vst v0  }
0x22: {  	[tilespmem:s6+$0xF8D0] =	vst v0;
	_ =	sdelay $0x1  }
0x23: {  	s6 =	sshra.s32 s16, $0x2  }
0x24: {  	[tilespmem:s6+$0xF8F0] =	vst v0  }
0x25: {  	[tilespmem:s6+$0xF8E0] =	vst v0  }
0x26: {  	[tilespmem:s6+$0xF8C0] =	vst v0  }
0x27: {  	[tilespmem:s6+$0xF8D0] =	vst v0  }
0x28: {  	[spmem:s5] =	stream.linear.scatter [tilespmem:s29], [sflag:$0x3], $0x1600, $0x38;
	[tilespmem:$0x124C0] =	vst v63  }
0x29: {  	_ =	swait.ge [sflag:s26], $0x1600  }
0x2a: {  	[sflag:s26] =	ssyncset.done $0x0  }
0x2b: {  	[sflag:s26] =	ssyncadd.s32 $0xFFFFEA00  }
0x2c: {  	[spmem:s8] =	stream.linear.scatter [tilespmem:s29], [sflag:$0x3], $0x1600, $0x38;
	[tilespmem:$0x124C0] =	vst v63  }
0x2d: {  	_ =	swait.ge [sflag:s26], $0x1600  }
0x2e: {  	[sflag:s26] =	ssyncset.done $0x0  }
0x2f: {  	[sflag:s26] =	ssyncadd.s32 $0xFFFFEA00  }
0x30: {  	[spmem:s9] =	stream.linear.scatter [tilespmem:s29], [sflag:$0x3], $0x1600, $0x38;
	[tilespmem:$0x124C0] =	vst v63  }
0x31: {  	_ =	swait.ge [sflag:s26], $0x1600  }
0x32: {  	[sflag:s26] =	ssyncset.done $0x0  }
0x33: {  	[sflag:s26] =	ssyncadd.s32 $0xFFFFEA00  }
0x34: {  	[spmem:s10] =	stream.linear.scatter [tilespmem:s29], [sflag:$0x3], $0x1600, $0x38;
	[tilespmem:$0x124C0] =	vst v63  }
0x35: {  	_ =	swait.ge [sflag:s26], $0x1600  }
0x36: {  	[sflag:s26] =	ssyncset.done $0x0  }
0x37: {  	[sflag:s26] =	ssyncadd.s32 $0xFFFFEA00  }
0x38: {  	[spmem:s11] =	stream.linear.scatter [tilespmem:s29], [sflag:$0x3], $0x1600, $0x38;
	[tilespmem:$0x124C0] =	vst v63  }
0x39: {  	_ =	swait.ge [sflag:s26], $0x1600  }
0x3a: {  	[sflag:s26] =	ssyncset.done $0x0  }
0x3b: {  	[sflag:s26] =	ssyncadd.s32 $0xFFFFEA00  }
0x3c: {  	[spmem:s12] =	stream.linear.scatter [tilespmem:s29], [sflag:$0x3], $0x1600, $0x38;
	[tilespmem:$0x124C0] =	vst v63  }
0x3d: {  	_ =	swait.ge [sflag:s26], $0x1600  }
0x3e: {  	[sflag:s26] =	ssyncset.done $0x0  }
0x3f: {  	[sflag:s26] =	ssyncadd.s32 $0xFFFFEA00  }
0x40: {  	[spmem:s14] =	stream.linear.scatter [tilespmem:s29], [sflag:$0x3], $0x1600, $0x38;
	[tilespmem:$0x124C0] =	vst v63  }
0x41: {  	_ =	swait.ge [sflag:s26], $0x1600  }
0x42: {  	[sflag:s26] =	ssyncset.done $0x0  }
0x43: {  	[sflag:s26] =	ssyncadd.s32 $0xFFFFEA00  }
0x44: {  	[spmem:s15] =	stream.linear.scatter [tilespmem:s29], [sflag:$0x3], $0x400, $0x38;
	[tilespmem:$0x124C0] =	vst v63  }
0x45: {  	_ =	swait.ge [sflag:s26], $0x400  }
0x46: {  	[sflag:s26] =	ssyncset.done $0x0  }
0x47: {  	[sflag:s26] =	ssyncadd.s32 $0xFFFFFC00  }
0x48: {  	[bflag:$0x0] =	sbarrier.arrive $0xFFFF  }
0x49: {  	[tilespmem:s29], [sflag:$0x1] =	stream.indirect.gather [hbm4b:s1+s30], $0x40, s4, s30, $0xb8;
	[tilespmem:$0x124C0] =	vst v63  }
0x4a: {  	_ = 	snop  }
0x4b: {  	[tilespmem:s31], [sflag:$0x2] =	stream.indirect.gather [hbm4b:s1+s30], $0x40, s30, s30, $0xb8;
	[tilespmem:$0x124C0] =	vst v63  }
0x4c: {  	_ =	swait.ge [sflag:s2], $0x1600  }
0x4d: {  	[sflag:s2] =	ssyncset.done $0x0  }
0x4e: {  	s20 =	simm.s32 $0x2D60;
	[sflag:s2] =	ssyncadd.s32 $0xFFFFEA00  }
0x4f: {  	[spmem:s3] =	stream.indirect.scatter.add.f32 [tilespmem:s29], [sflag:$0x3], $0x40, s20, s30, $0xb8;
	[tilespmem:$0x124C0] =	vst v63  }
0x50: {  	p0 =	sle.u32 s13, $0x2;
	_ =	swait.ge [sflag:s26], $0x1600  }
0x51: {  	s6 =	simm.s32 $0xB0;
	s7 =	simm.s32 @!p0 $0x58;
	[sflag:s26] =	ssyncset.done $0x0  }
0x52: {  	s16 =	simm.s32 @!p0 $0xF8C0;
	s21 =	rddreg [dreg:$0x6];
	[sflag:s26] =	ssyncadd.s32 $0xFFFFEA00  }
0x53: {  	[tilespmem:s16], [sflag:$0x1] =	stream.indirect.gather @!p0 [hbm4b:s1+s7], $0x40, s6, s7, $0xb8;
	[tilespmem:$0x124C0] =	vst v63  }
0x54: {  	s6 =	sadd.s32 $0xFFFFFFFF, s21  }
0x55: {  	_ =	swait.ge [sflag:s0], $0x1600;
	p0 =	sne.s32 s6, $0x0  }
.Ltmp1:
0x56: {  	p1 =	sle.u32 s13, $0x3;
	[sflag:s0] =	ssyncset.done $0x0;
	(pc) =	sbr.rel @!p0 .LBB2_5-.Ltmp1, $4  }
0x57: {  	s17 =	simm.s32 $0x2DB8;
	s18 =	simm.s32 @!p1 $0x108;
	[sflag:s0] =	ssyncadd.s32 $0xFFFFEA00  }
0x58: {  	[spmem:s3] =	stream.indirect.scatter.add.f32 [tilespmem:s31], [sflag:$0x3], $0x40, s17, s30, $0xb8;
	[tilespmem:$0x124C0] =	vst v63  }
0x59: {  	s19 =	simm.s32 @!p1 $0x58;
	s7 =	simm.s32 $0x4;
	_ =	swait.ge [sflag:s26], $0x1600  }
0x5a: {  	s16 =	simm.s32 $0x160;
	s17 =	simm.s32 $0x2E68;
	[sflag:s26] =	ssyncset.done $0x0  }
.LBB2_4:
0x5b: {  	s6 =	sadd.s32 $0xFFFFFFFF, s6;
	[sflag:s26] =	ssyncadd.s32 $0xFFFFEA00;
	s20 =	simm.s32 @!p1 $0x10EC0  }
0x5c: {  	[tilespmem:s20], [sflag:$0x2] =	stream.indirect.gather @!p1 [hbm4b:s1+s19], $0x40, s18, s19, $0xb8;
	[tilespmem:$0x124C0] =	vst v63  }
0x5d: {  	p0 =	sne.s32 s6, $0x0;
	s18 =	smov.u32 s7;
	_ =	swait.ge [sflag:s2], $0x1600  }
0x5e: {  	s19 =	sadd.s32 $0xFFFFFFA8, s17;
	s20 =	smov.u32 s16;
	[sflag:s2] =	ssyncset.done $0x0  }
0x5f: {  	[sflag:s2] =	ssyncadd.s32 $0xFFFFEA00  }
0x60: {  	[spmem:s3] =	stream.indirect.scatter.add.f32 [tilespmem:s29], [sflag:$0x3], $0x40, s19, s30, $0xb8;
	[tilespmem:$0x124C0] =	vst v63  }
0x61: {  	p1 =	sge.u32 s7, s13;
	_ =	swait.ge [sflag:s26], $0x1600  }
0x62: {  	s21 =	simm.s32 @!p1 $0xF8C0;
	s19 =	simm.s32 @!p1 $0x58;
	[sflag:s26] =	ssyncset.done $0x0  }
0x63: {  	[sflag:s26] =	ssyncadd.s32 $0xFFFFEA00  }
0x64: {  	[tilespmem:s21], [sflag:$0x1] =	stream.indirect.gather @!p1 [hbm4b:s1+s19], $0x40, s16, s19, $0xb8;
	[tilespmem:$0x124C0] =	vst v63  }
0x65: {  	_ =	swait.ge [sflag:s0], $0x1600  }
.Ltmp2:
0x66: {  	s7 =	sadd.s32 $0x2, s7;
	[sflag:s0] =	ssyncset.done $0x0;
	(pc) =	sbr.rel @p0 .LBB2_4-.Ltmp2, $4  }
0x67: {  	s18 =	sadd.s32 $0x1, s18;
	s16 =	sadd.s32 $0xB0, s16;
	[sflag:s0] =	ssyncadd.s32 $0xFFFFEA00  }
0x68: {  	[spmem:s3] =	stream.indirect.scatter.add.f32 [tilespmem:s31], [sflag:$0x3], $0x40, s17, s30, $0xb8;
	[tilespmem:$0x124C0] =	vst v63  }
0x69: {  	p1 =	sge.u32 s18, s13;
	s17 =	sadd.s32 $0xB0, s17;
	_ =	swait.ge [sflag:s26], $0x1600  }
0x6a: {  	s18 =	sadd.s32 @!p1 $0x58, s20;
	s19 =	simm.s32 @!p1 $0x58;
	[sflag:s26] =	ssyncset.done $0x0  }
.LBB2_5:
0x6b: {  	[sflag:s26] =	ssyncadd.s32 $0xFFFFEA00;
	s6 =	simm.s32 @!p1 $0x10EC0  }
0x6c: {  	[tilespmem:s6], [sflag:$0x2] =	stream.indirect.gather @!p1 [hbm4b:s1+s19], $0x40, s18, s19, $0xb8;
	[tilespmem:$0x124C0] =	vst v63  }
0x6d: {  	[bflag:$0x0] =	sbarrier.arrive $0xFFFF  }
0x6e: {  	[tilespmem:s29], [sflag:$0x3] =	stream.linear.gather [spmem:s5], $0x1600, $0x38;
	[tilespmem:$0x124C0] =	vst v63  }
0x6f: {  	_ =	swait.ge [sflag:s26], $0x1600  }
0x70: {  	[sflag:s26] =	ssyncset.done $0x0  }
0x71: {  	s17 =	rddreg [dreg:$0x7];
	[sflag:s26] =	ssyncadd.s32 $0xFFFFEA00  }
0x72: {  	[hbm4b:s17+s4] =	stream.linear.scatter [tilespmem:s29], [sflag:$0x3], $0x1600, $0x38;
	[tilespmem:$0x124C0] =	vst v63  }
0x73: {  	_ =	swait.ge [sflag:s26], $0x1600  }
0x74: {  	[sflag:s26] =	ssyncset.done $0x0  }
0x75: {  	[sflag:s26] =	ssyncadd.s32 $0xFFFFEA00  }
0x76: {  	[tilespmem:s29], [sflag:$0x3] =	stream.linear.gather [spmem:s8], $0x1600, $0x38;
	[tilespmem:$0x124C0] =	vst v63  }
0x77: {  	_ =	swait.ge [sflag:s26], $0x1600  }
0x78: {  	[sflag:s26] =	ssyncset.done $0x0  }
0x79: {  	s18 =	rddreg [dreg:$0x8];
	[sflag:s26] =	ssyncadd.s32 $0xFFFFEA00  }
0x7a: {  	[hbm4b:s18+s4] =	stream.linear.scatter [tilespmem:s29], [sflag:$0x3], $0x1600, $0x38;
	[tilespmem:$0x124C0] =	vst v63  }
0x7b: {  	_ =	swait.ge [sflag:s26], $0x1600  }
0x7c: {  	[sflag:s26] =	ssyncset.done $0x0  }
0x7d: {  	[sflag:s26] =	ssyncadd.s32 $0xFFFFEA00  }
0x7e: {  	[tilespmem:s29], [sflag:$0x3] =	stream.linear.gather [spmem:s9], $0x1600, $0x38;
	[tilespmem:$0x124C0] =	vst v63  }
0x7f: {  	_ =	swait.ge [sflag:s26], $0x1600  }
0x80: {  	[sflag:s26] =	ssyncset.done $0x0  }
0x81: {  	s19 =	rddreg [dreg:$0x9];
	[sflag:s26] =	ssyncadd.s32 $0xFFFFEA00  }
0x82: {  	[hbm4b:s19+s4] =	stream.linear.scatter [tilespmem:s29], [sflag:$0x3], $0x1600, $0x38;
	[tilespmem:$0x124C0] =	vst v63  }
0x83: {  	_ =	swait.ge [sflag:s26], $0x1600  }
0x84: {  	[sflag:s26] =	ssyncset.done $0x0  }
0x85: {  	[sflag:s26] =	ssyncadd.s32 $0xFFFFEA00  }
0x86: {  	[tilespmem:s29], [sflag:$0x3] =	stream.linear.gather [spmem:s10], $0x1600, $0x38;
	[tilespmem:$0x124C0] =	vst v63  }
0x87: {  	_ =	swait.ge [sflag:s26], $0x1600  }
0x88: {  	[sflag:s26] =	ssyncset.done $0x0  }
0x89: {  	s20 =	rddreg [dreg:$0xa];
	[sflag:s26] =	ssyncadd.s32 $0xFFFFEA00  }
0x8a: {  	[hbm4b:s20+s4] =	stream.linear.scatter [tilespmem:s29], [sflag:$0x3], $0x1600, $0x38;
	[tilespmem:$0x124C0] =	vst v63  }
0x8b: {  	_ =	swait.ge [sflag:s26], $0x1600  }
0x8c: {  	[sflag:s26] =	ssyncset.done $0x0  }
0x8d: {  	[sflag:s26] =	ssyncadd.s32 $0xFFFFEA00  }
0x8e: {  	[tilespmem:s29], [sflag:$0x3] =	stream.linear.gather [spmem:s11], $0x1600, $0x38;
	[tilespmem:$0x124C0] =	vst v63  }
0x8f: {  	_ =	swait.ge [sflag:s26], $0x1600  }
0x90: {  	[sflag:s26] =	ssyncset.done $0x0  }
0x91: {  	s21 =	rddreg [dreg:$0xb];
	[sflag:s26] =	ssyncadd.s32 $0xFFFFEA00  }
0x92: {  	[hbm4b:s21+s4] =	stream.linear.scatter [tilespmem:s29], [sflag:$0x3], $0x1600, $0x38;
	[tilespmem:$0x124C0] =	vst v63  }
0x93: {  	_ =	swait.ge [sflag:s26], $0x1600  }
0x94: {  	[sflag:s26] =	ssyncset.done $0x0  }
0x95: {  	[sflag:s26] =	ssyncadd.s32 $0xFFFFEA00  }
0x96: {  	[tilespmem:s29], [sflag:$0x3] =	stream.linear.gather [spmem:s12], $0x1600, $0x38;
	[tilespmem:$0x124C0] =	vst v63  }
0x97: {  	_ =	swait.ge [sflag:s26], $0x1600  }
0x98: {  	[sflag:s26] =	ssyncset.done $0x0  }
0x99: {  	[sflag:s26] =	ssyncadd.s32 $0xFFFFEA00  }
0x9a: {  	[hbm4b:s22+s4] =	stream.linear.scatter [tilespmem:s29], [sflag:$0x3], $0x1600, $0x38;
	[tilespmem:$0x124C0] =	vst v63  }
0x9b: {  	_ =	swait.ge [sflag:s26], $0x1600  }
0x9c: {  	[sflag:s26] =	ssyncset.done $0x0  }
0x9d: {  	[sflag:s26] =	ssyncadd.s32 $0xFFFFEA00  }
0x9e: {  	[tilespmem:s29], [sflag:$0x3] =	stream.linear.gather [spmem:s14], $0x1600, $0x38;
	[tilespmem:$0x124C0] =	vst v63  }
0x9f: {  	_ =	swait.ge [sflag:s26], $0x1600  }
0xa0: {  	[sflag:s26] =	ssyncset.done $0x0  }
0xa1: {  	[sflag:s26] =	ssyncadd.s32 $0xFFFFEA00  }
0xa2: {  	[hbm4b:s23+s4] =	stream.linear.scatter [tilespmem:s29], [sflag:$0x3], $0x1600, $0x38;
	[tilespmem:$0x124C0] =	vst v63  }
0xa3: {  	_ =	swait.ge [sflag:s26], $0x1600  }
0xa4: {  	[sflag:s26] =	ssyncset.done $0x0  }
0xa5: {  	[sflag:s26] =	ssyncadd.s32 $0xFFFFEA00  }
0xa6: {  	[tilespmem:s29], [sflag:$0x3] =	stream.linear.gather [spmem:s15], $0x400, $0x38;
	[tilespmem:$0x124C0] =	vst v63  }
0xa7: {  	s28 =	sadd.s32 $0x1, s28;
	_ =	swait.ge [sflag:s26], $0x400  }
0xa8: {  	p0 =	sne.s32 s28, s25;
	[sflag:s26] =	ssyncset.done $0x0  }
.Ltmp3:
0xa9: {  	[sflag:s26] =	ssyncadd.s32 $0xFFFFFC00;
	(pc) =	sbr.rel @p0 .LBB2_1-.Ltmp3, $4  }
0xaa: {  	[hbm4b:s24+s4] =	stream.linear.scatter [tilespmem:s29], [sflag:$0x3], $0x400, $0x38;
	[tilespmem:$0x124C0] =	vst v63  }
0xab: {  	_ =	swait.ge [sflag:s26], $0x400  }
0xac: {  	[sflag:s26] =	ssyncset.done $0x0  }
0xad: {  	[sflag:s26] =	ssyncadd.s32 $0xFFFFFC00  }
0xae: {  	_ =	sfence.sel $0x180000  }
0xaf: {  	[bflag:$0x0] =	sbarrier.arrive $0xFFFF  }
0xb0: {  	_ =	strace $0x9000004D  }
0xb1: {  	s0 =	stileid.u32;
	[bflag:$0x2] =	sbarrier.arrive $0xFFFF  }
0xb2: {  	p0 =	sne.s32 s0, $0x0;
	s0 =	rddreg [dreg:$0x3]  }
0xb3: {  	s0 =	sadd.s32 @!p0 $0x100000, s0  }
0xb4: {  	[sflag:s0] =	ssyncadd.tile.s32 @!p0 $0x1;
	_ =	shalt  }
.Lfunc_end2:
_tile_overlayer_lowered:
.L_overlay_start_2:
0xb5: {  	(tag) =	ssettag $0x2  }
0xb6: {  	s0 =	rddreg [dreg:$0x0];
	s2 =	stileid.u32  }
0xb7: {  	s1 =	rddreg [dreg:$0x1];
	p0 =	sne.s32 s2, $0x0  }
0xb8: {  	s3 =	rddreg [dreg:$0x2];
	[bflag:$0x3] =	sbarrier.arrive $0xFFFF;
	s2 =	simm.s32 @!p0 $0x1C03  }
0xb9: {  	[timem:s3], [sflag:s2] =	dma.local @!p0 [hbm:s0], s1  }
0xba: {  	s0 =	simm.s32 @!p0 $0x3  }
0xbb: {  	_ =	swait.ge @!p0 [sflag:s0], s1  }
0xbc: {  	s1 =	ssub.s32 @!p0 $0x0, s1;
	[sflag:s0] =	ssyncset.done @!p0 $0x0  }
0xbd: {  	[sflag:s0] =	ssyncadd.s32 @!p0 s1  }
0xbe: {  	[bflag:$0x3] =	sbarrier.arrive $0xFFFF  }
0xbf: {  	_ =	shalt  }

// kernel: kernel.8.cloned.1.call-start
scs
__scs_entry_jumppad:
0x0: {  	(pc) =	sbr.rel $0x88, $3  }
0x1: {  	(tag) =	ssettag $0x0;
	lr =	simm.s32 $0x1  }
0x2: {  	[smem:$0x3F9B] =	sst lr;
	_ =	strace $0xD0000000  }
0x3: {  	_ = 	snop  }
0x4: {  	_ = 	snop  }
0x5: {  	_ = 	snop  }
0x6: {  	_ = 	snop  }
0x7: {  	_ = 	snop  }
__scs_overlays_trampoline_lowered:
0x8: {  	[smem:$0x3FAA] =	sst s0  }
0x9: {  	[smem:$0x3FAB] =	sst s1  }
0xa: {  	[smem:$0x3FAC] =	sst s2  }
0xb: {  	[smem:$0x3FAD] =	sst s3  }
0xc: {  	[smem:$0x3FAE] =	sst s4  }
0xd: {  	[smem:$0x3FAF] =	sst s5  }
0xe: {  	[smem:$0x3FB0] =	sst s6  }
0xf: {  	[smem:$0x3FB1] =	sst s7  }
0x10: {  	[smem:$0x3FB2] =	sst s8  }
0x11: {  	[smem:$0x3FB3] =	sst s9;
	s0 =	simm.s32 @!p0 $0x0  }
0x12: {  	s1 =	sld [smem:$0x3F99];
	s0 =	simm.s32 @p0 $0x1  }
0x13: {  	[smem:$0x3FB4] =	sst s0;
	s0 =	simm.s32 @!p1 $0x0  }
0x14: {  	s2 =	sld [smem:$0x3F98];
	s0 =	simm.s32 @p1 $0x1  }
0x15: {  	[smem:$0x3FB5] =	sst s0;
	s0 =	simm.s32 @!p2 $0x0  }
0x16: {  	s3 =	sld [smem:$0x3FDB];
	s0 =	simm.s32 @p2 $0x1  }
0x17: {  	s4 =	simm.s32 $0x1BF5;
	[smem:$0x3FB7] =	sst s0  }
0x18: {  	s0 =	sld [smem:$0x3F9A];
	_ =	swait.ge [sflag:s4], $0x0  }
0x19: {  	s7 =	sld [smem:$0x3F9B]  }
0x1a: {  	s8 =	sadd.s32 $0xFFFFE003, lr  }
0x1b: {  	s9 =	sadd.s32 $0xFFFFFEF7, lr;
	s5 =	simm.s32 $0xFFFFFFFF;
	p2 =	slt.u32 s8, $0xFFFFF086  }
0x1c: {  	p1 =	slt.u32 s9, $0xF7A;
	s5 =	simm.s32 @!p2 $0x0  }
0x1d: {  	s5 =	simm.s32 @p1 $0x1;
	p0 =	seq.s32 s7, s2  }
0x1e: {  	s7 =	smul.u32 @!p0 $0xF7A, s2;
	p2 =	seq.s32 @!p0 s5, $0x0  }
0x1f: {  	s9 =	smul.u32 $0xF7A, s1;
	s8 =	simm.s32 @!p0 $0x1BF5;
	p2 =	por !p2, p0  }
0x20: {  	[sflag:s8] =	ssyncset.s32 @!p0 $0xFFFFF086;
	s6 =	sadd.s32 @!p0 s3, s7;
	s7 =	simm.s32 @!p0 $0x108  }
0x21: {  	s3 =	sadd.s32 s3, s9;
	s6 =	sadd.s32 @!p0 $0x88, s6;
	s7 =	simm.s32 @p2 $0x1082  }
0x22: {  	[simem:s7], [sflag:s8] =	dma.local @!p0 [hbm:s6], $0xF7A  }
0x23: {  	s9 =	sor.u32 $0xD0000000, s2;
	s6 =	simm.s32 $0x108;
	_ =	swait.ge @!p0 [sflag:s8], $0x0  }
0x24: {  	s3 =	sadd.s32 $0x88, s3;
	s6 =	simm.s32 @!p1 $0x1082;
	[sflag:s4] =	ssyncset.s32 $0xFFFFF086  }
0x25: {  	[simem:s6], [sflag:s4] =	dma.local [hbm:s3], $0xF7A  }
0x26: {  	[smem:$0x3F9B] =	sst s1;
	(tag) =	ssettag s2;
	_ =	strace s9  }
0x27: {  	s1 =	sld [smem:$0x3FAB]  }
0x28: {  	s2 =	sld [smem:$0x3FAC]  }
0x29: {  	s4 =	sld [smem:$0x3FAE]  }
0x2a: {  	p0 =	seq.s32 s5, $0x0;
	s5 =	sld [smem:$0x3FAF]  }
0x2b: {  	s6 =	sld [smem:$0x3FB0]  }
0x2c: {  	s7 =	sld [smem:$0x3FB1]  }
0x2d: {  	s3 =	simm.s32 $0x108;
	s8 =	sld [smem:$0x3FB2]  }
0x2e: {  	s3 =	simm.s32 @!p0 $0x1082;
	s9 =	sld [smem:$0x3FB3]  }
0x2f: {  	lr =	sadd.s32 s0, s3;
	s0 =	sld [smem:$0x3FAA]  }
0x30: {  	s3 =	sld [smem:$0x3FAD]  }
0x31: {  	[smem:$0x3FB6] =	sst s10  }
0x32: {  	s10 =	sld [smem:$0x3FB4];
	_ =	sdelay $0x3  }
0x33: {  	p0 =	seq.s32 s10, $0x1;
	s10 =	sld [smem:$0x3FB6];
	_ =	sdelay $0x3  }
0x34: {  	[smem:$0x3FB6] =	sst s10  }
0x35: {  	s10 =	sld [smem:$0x3FB5];
	_ =	sdelay $0x3  }
0x36: {  	p1 =	seq.s32 s10, $0x1;
	s10 =	sld [smem:$0x3FB6];
	_ =	sdelay $0x3  }
0x37: {  	[smem:$0x3FB6] =	sst s10  }
0x38: {  	s10 =	sld [smem:$0x3FB7]  }
0x39: {  	_ = 	snop;
	(pc) =	sbr.ind lr, $3  }
0x3a: {  	_ = 	snop  }
0x3b: {  	_ = 	snop  }
0x3c: {  	p2 =	seq.s32 s10, $0x1;
	s10 =	sld [smem:$0x3FB6]  }
0x3d: {  	_ =	shalt  }
0x3e: {  	_ =	shalt  }
0x3f: {  	_ =	shalt  }
0x40: {  	_ =	shalt  }
0x41: {  	_ =	shalt  }
0x42: {  	_ =	shalt  }
0x43: {  	_ =	shalt  }
0x44: {  	_ =	shalt  }
0x45: {  	_ =	shalt  }
0x46: {  	_ =	shalt  }
0x47: {  	_ =	shalt  }
0x48: {  	_ =	shalt  }
0x49: {  	_ =	shalt  }
0x4a: {  	_ =	shalt  }
0x4b: {  	_ =	shalt  }
0x4c: {  	_ =	shalt  }
0x4d: {  	_ =	shalt  }
0x4e: {  	_ =	shalt  }
0x4f: {  	_ =	shalt  }
0x50: {  	_ =	shalt  }
0x51: {  	_ =	shalt  }
0x52: {  	_ =	shalt  }
0x53: {  	_ =	shalt  }
0x54: {  	_ =	shalt  }
0x55: {  	_ =	shalt  }
0x56: {  	_ =	shalt  }
0x57: {  	_ =	shalt  }
0x58: {  	_ =	shalt  }
0x59: {  	_ =	shalt  }
0x5a: {  	_ =	shalt  }
0x5b: {  	_ =	shalt  }
0x5c: {  	_ =	shalt  }
0x5d: {  	_ =	shalt  }
0x5e: {  	_ =	shalt  }
0x5f: {  	_ =	shalt  }
0x60: {  	_ =	shalt  }
0x61: {  	_ =	shalt  }
0x62: {  	_ =	shalt  }
0x63: {  	_ =	shalt  }
0x64: {  	_ =	shalt  }
0x65: {  	_ =	shalt  }
0x66: {  	_ =	shalt  }
0x67: {  	_ =	shalt  }
0x68: {  	_ =	shalt  }
0x69: {  	_ =	shalt  }
0x6a: {  	_ =	shalt  }
0x6b: {  	_ =	shalt  }
0x6c: {  	_ =	shalt  }
0x6d: {  	_ =	shalt  }
0x6e: {  	_ =	shalt  }
0x6f: {  	_ =	shalt  }
0x70: {  	_ =	shalt  }
0x71: {  	_ =	shalt  }
0x72: {  	_ =	shalt  }
0x73: {  	_ =	shalt  }
0x74: {  	_ =	shalt  }
0x75: {  	_ =	shalt  }
0x76: {  	_ =	shalt  }
0x77: {  	_ =	shalt  }
0x78: {  	_ =	shalt  }
0x79: {  	_ =	shalt  }
0x7a: {  	_ =	shalt  }
0x7b: {  	_ =	shalt  }
0x7c: {  	_ =	shalt  }
0x7d: {  	_ =	shalt  }
0x7e: {  	_ =	shalt  }
0x7f: {  	_ =	shalt  }
0x80: {  	_ =	shalt  }
0x81: {  	_ =	shalt  }
0x82: {  	_ =	shalt  }
0x83: {  	_ =	shalt  }
0x84: {  	_ =	shalt  }
0x85: {  	_ =	shalt  }
0x86: {  	_ =	shalt  }
0x87: {  	_ =	shalt  }
.Lfunc_end0:
.L_simem_size_0:
called_computation_lowered:
.L_overlay_start_0:
0x88: {  	s2 =	sld [smem:$0x3FD9]  }
0x89: {  	s3 =	sld [smem:$0x3FFE];
	_ =	sdelay $0x1  }
0x8a: {  	s1 =	srdreg.scid  }
0x8b: {  	s0 =	sand.u32 $0x1, s1  }
0x8c: {  	s17 =	sshll.u32 s0, $0xA;
	s2 =	sadd.s32 s3, s2  }
0x8d: {  	s2 =	sadd.s32 s2, s17  }
0x8e: {  	[smem:$0x3FC2] =	sst s2  }
0x8f: {  	_ = 	snop  }
0x90: {  	s2 =	sld [smem:$0x3FD0];
	(tm) =	ssettm $0x1  }
0x91: {  	s18 =	sld [smem:$0x3FFB];
	_ =	sdelay $0x3  }
0x92: {  	_ =	strace s18  }
0x93: {  	s3 =	sld [smem:$0x3FFC];
	_ =	sdelay $0x3  }
0x94: {  	_ =	strace s3  }
0x95: {  	s3 =	sld [smem:$0x3FFD];
	_ =	sdelay $0x3  }
0x96: {  	_ =	strace s3  }
0x97: {  	_ =	strace $0x8FFFFFFF  }
0x98: {  	s19 =	sld [smem:$0x3FDB];
	_ =	sdelay $0x1  }
0x99: {  	s4 =	simm.s32 $_scs_section_size  }
0x9a: {  	s5 =	simm.s32 $_size__tile_overlayer_lowered;
	s6 =	simm.s32 $_tile_overlayer_lowered  }
0x9b: {  	s22 =	simm.s32 $0x1BFF;
	s21 =	sshll.u32 s6, $0x1;
	s3 =	sadd.s32 s4, s19  }
0x9c: {  	s7 =	simm.s32 $0x0;
	s20 =	sshll.u32 s5, $0x1;
	s5 =	sadd.s32 s21, s3  }
0x9d: {  	[timem:s7], [sflag:s22] =	dma.local [hbm:s5], s20  }
0x9e: {  	_ =	swait.ge [sflag:s22], s20  }
0x9f: {  	s4 =	ssub.s32 $0x0, s20;
	[sflag:s22] =	ssyncset.done $0x0  }
0xa0: {  	[sflag:s22] =	ssyncadd.s32 s4;
	_ =	sdelay $0x1  }
0xa1: {  	s23 =	simm.s32 $0x1B8B  }
0xa2: {  	_ =	swait.ge [sflag:s23], $0x1  }
0xa3: {  	[sflag:s23] =	ssyncset.done $0x0  }
0xa4: {  	s25 =	simm.s32 $0x1B8E;
	s24 =	sld [smem:$0x3FFE];
	[sflag:s23] =	ssyncadd.s32 $0xFFFFFFFF  }
0xa5: {  	s26 =	simm.s32 $execute0_lowered;
	[smem:$0x3FD2] =	sst s25  }
0xa6: {  	s5 =	sshll.u32 s26, $0x1;
	_ =	strace $0x80000046;
	[dreg:$0x1] =	wrdreg $0xFFFFFFFF  }
0xa7: {  	s28 =	simm.s32 $_size_execute0_lowered;
	s3 =	sadd.s32 s3, s5;
	[dreg:$0x0] =	wrdreg $0x0  }
0xa8: {  	s5 =	sshll.u32 s28, $0x1;
	[dreg:$0x2] =	wrdreg s3  }
0xa9: {  	[dreg:$0x3] =	wrdreg s5  }
0xaa: {  	[dreg:$0x4] =	wrdreg $0xC0  }
0xab: {  	_ =	task [dreg:s7], $0x5FFFF  }
0xac: {  	[dreg:$0x1] =	wrdreg $0xFFFFFFFF  }
0xad: {  	[dreg:$0x0] =	wrdreg $0x60  }
0xae: {  	[dreg:$0x2] =	wrdreg s2  }
0xaf: {  	[dreg:$0x3] =	wrdreg s24  }
0xb0: {  	[dreg:$0x4] =	wrdreg $0x36500  }
0xb1: {  	[dreg:$0x5] =	wrdreg $0x9  }
0xb2: {  	_ =	task.clear_ibuf [dreg:s7], $0x6FFFF;
	_ =	strace $0x90000046  }
0xb3: {  	s29 =	simm.s32 $0x9;
	_ =	strace $0x80000048  }
0xb4: {  	_ =	swait.ge [sflag:s29], $0x1  }
0xb5: {  	[sflag:s29] =	ssyncadd.s32 $0xFFFFFFFF  }
0xb6: {  	_ =	strace $0x90000048  }
0xb7: {  	_ =	sfence  }
0xb8: {  	s30 =	sld [smem:$0x0];
	_ =	sdelay $0x2  }
0xb9: {  	s31 =	sshll.u32 s1, $0xD;
	s1 =	sshrl.u32 s1, $0x2  }
0xba: {  	s3 =	sand.u32 $0x4000, s31;
	s1 =	sadd.s32 s1, s30  }
0xbb: {  	s0 =	sor.u32 s3, s0;
	s1 =	sshll.u32 s1, $0x11  }
0xbc: {  	s0 =	sor.u32 s1, s0  }
0xbd: {  	s0 =	sadd.s32 $0x8F2B, s0  }
0xbe: {  	[sflag:s0] =	ssyncadd.remote.s32 $0x1  }
0xbf: {  	_ =	sfence.sel $0xFFFF  }
0xc0: {  	[dreg:$0x0] =	wrdreg $0xFFFFFFFF;
	(pc) =	sbr.abs _section_cstart, $3  }
0xc1: {  	[dreg:$0x1] =	wrdreg $0xFFFFFFFF  }
0xc2: {  	_ =	task.clear_ibuf [dreg:s7], $0x2FFFF;
	_ =	strace $0x9FFFFFFF  }
0xc3: {  	(tm) =	ssettm $0x7FFFFFFF  }
tec
execute0_lowered:
.L_overlay_start_1:
0x0: {  	(tag) =	ssettag $0x1  }
0x1: {  	s4 =	rddreg [dreg:$0x0]  }
0x2: {  	s5 =	rddreg [dreg:$0x1]  }
0x3: {  	s2 =	rddreg [dreg:$0x2]  }
0x4: {  	s0 =	rddreg [dreg:$0x3];
	s1 =	stileid.u32  }
0x5: {  	s3 =	simm.s32 $0x0;
	s7 =	srdreg.scid;
	s13 =	simm.s32 $0x30D0  }
0x6: {  	s14 =	simm.s32 $0x0;
	s6 =	smul.u32 $0x2780, s1;
	[smem:$0x7FF] =	sst s3  }
0x7: {  	s7 =	sand.u32 $0x1, s7;
	s8 =	smul.u32 $0x4F0, s1;
	s10 =	sshll.u32 s1, $0x1  }
0x8: {  	s31 =	sshll.u32 s1, $0x6;
	_ =	strace $0x80000047;
	s9 =	smul.u32 $0x4F00, s7  }
0x9: {  	s12 =	ssub.s32 $0x2, s7;
	s10 =	sor.u32 s7, s10;
	p0 =	seq.s32 s7, $0x0  }
0xa: {  	s11 =	sshrl.u32 s6, $0x3;
	s29 =	sshrl.u32 s12, $0x1;
	s10 =	smul.u32 $0x61A, s10  }
0xb: {  	s30 =	sadd.s32 s6, s2;
	s8 =	sadd.s32 s8, s9;
	s11 =	sadd.s32 s11, s5  }
0xc: {  	s9 =	ssub.s32 s12, s29;
	s12 =	simm.s32 $0x58;
	s8 =	sadd.s32 s8, s5  }
0xd: {  	s4 =	sadd.s32 s4, s10;
	s5 =	simm.s32 $0x8E;
	s6 =	sadd.s32 $0x1200, s11  }
0xe: {  	s10 =	sor.u32 $0x1C01, s31;
	s11 =	sshrl.u32 s30, $0x3;
	s5 =	simm.s32 @!p0 $0x56  }
0xf: {  	v0 =	vimm.f32 $1.000000000e+00;
	s7 =	sadd.s32 $0x6200, s8;
	s8 =	smax.u32 s9, $0x1;
	s9 =	simm.s32 $0x1  }
.LBB2_1:
0x10: {  	[tilespmem:s3], [sflag:$0x1] =	stream.linear.gather [hbm4b:s4+s3], $0x30D0, $0x38;
	[tilespmem:$0x5DD0] =	vst v63  }
0x11: {  	_ =	swait.ge [sflag:s9], $0x30D0  }
0x12: {  	[sflag:s9] =	ssyncset.done $0x0  }
0x13: {  	s15 =	simm.s32 $0x40;
	s16 =	simm.s32 $0x0;
	[sflag:s9] =	ssyncadd.s32 $0xFFFFCF30  }
.LBB2_2:
0x14: {  	p0 =	sne.s32 s15, $0x15C0;
	[tilespmem:s16+$0x30D0] =	vst v0;
	s16 =	smov.u32 s15;
	s15 =	sadd.s32 $0x40, s15  }
.Ltmp0:
0x15: {  	(pc) =	sbr.rel @p0 .LBB2_2-.Ltmp0, $2  }
0x16: {  	_ =	sdelay $0x2  }
0x17: {  	s16 =	sshra.s32 s16, $0x2  }
0x18: {  	[tilespmem:s16+$0x30D0] =	vst v0  }
0x19: {  	[spmem:s11], [sflag:s10] =	dma.local [hbm:s6], $0x4F0  }
0x1a: {  	_ =	swait.ge [sflag:s9], $0x4F0  }
0x1b: {  	p0 =	sne.s32 s5, $0x1;
	[sflag:s9] =	ssyncset.done $0x0  }
.Ltmp1:
0x1c: {  	[sflag:s9] =	ssyncadd.s32 $0xFFFFFB10;
	(pc) =	sbr.rel @!p0 .LBB2_5-.Ltmp1, $4  }
0x1d: {  	s15 =	simm.s32 $0x0;
	[bflag:$0x0] =	sbarrier.arrive $0xFFFF  }
0x1e: {  	[spmem:s2] =	stream.indirect.scatter.add.f32 [tilespmem:s13], [sflag:$0x1], $0x10, s15, s12, $0xb8;
	[tilespmem:$0x5DD0] =	vst v63  }
0x1f: {  	_ =	swait.ge [sflag:s9], $0x580  }
0x20: {  	s16 =	sadd.s32 $0xFFFFFFFF, s5;
	[sflag:s9] =	ssyncset.done $0x0  }
.LBB2_4:
0x21: {  	p0 =	sne.s32 s16, $0x1;
	[sflag:s9] =	ssyncadd.s32 $0xFFFFFA80;
	s15 =	sadd.s32 $0x58, s15  }
.Ltmp2:
0x22: {  	s16 =	sadd.s32 $0xFFFFFFFF, s16;
	(pc) =	sbr.rel @p0 .LBB2_4-.Ltmp2, $4  }
0x23: {  	_ = 	snop  }
0x24: {  	[spmem:s2] =	stream.indirect.scatter.add.f32 [tilespmem:s13], [sflag:$0x1], $0x10, s15, s12, $0xb8;
	[tilespmem:$0x5DD0] =	vst v63  }
0x25: {  	_ =	swait.ge [sflag:s9], $0x580  }
0x26: {  	[sflag:s9] =	ssyncset.done $0x0  }
.LBB2_5:
0x27: {  	s14 =	sadd.s32 $0x1, s14  }
0x28: {  	[sflag:s9] =	ssyncadd.s32 $0xFFFFFA80;
	p0 =	sne.s32 s14, s8  }
.Ltmp3:
0x29: {  	[bflag:$0x0] =	sbarrier.arrive $0xFFFF;
	(pc) =	sbr.rel @p0 .LBB2_1-.Ltmp3, $4  }
0x2a: {  	[hbm:s7], [sflag:s10] =	dma.local [spmem:s11], $0x4F0  }
0x2b: {  	_ =	swait.ge [sflag:s9], $0x4F0  }
0x2c: {  	[sflag:s9] =	ssyncset.done $0x0  }
0x2d: {  	[sflag:s9] =	ssyncadd.s32 $0xFFFFFB10  }
0x2e: {  	_ =	sfence.sel $0x180000  }
0x2f: {  	[bflag:$0x0] =	sbarrier.arrive $0xFFFF  }
0x30: {  	p0 =	sne.s32 s1, $0x0;
	_ =	strace $0x90000047  }
0x31: {  	s0 =	sadd.s32 @!p0 $0x100000, s0;
	[bflag:$0x2] =	sbarrier.arrive $0xFFFF  }
0x32: {  	[sflag:s0] =	ssyncadd.tile.s32 @!p0 $0x1;
	_ =	shalt  }
.Lfunc_end2:
_tile_overlayer_lowered:
.L_overlay_start_2:
0x33: {  	(tag) =	ssettag $0x2  }
0x34: {  	s0 =	rddreg [dreg:$0x0];
	s2 =	stileid.u32  }
0x35: {  	s1 =	rddreg [dreg:$0x1];
	p0 =	sne.s32 s2, $0x0  }
0x36: {  	s3 =	rddreg [dreg:$0x2];
	[bflag:$0x3] =	sbarrier.arrive $0xFFFF;
	s2 =	simm.s32 @!p0 $0x1C01  }
0x37: {  	[timem:s3], [sflag:s2] =	dma.local @!p0 [hbm:s0], s1  }
0x38: {  	s0 =	simm.s32 @!p0 $0x1  }
0x39: {  	_ =	swait.ge @!p0 [sflag:s0], s1  }
0x3a: {  	s1 =	ssub.s32 @!p0 $0x0, s1;
	[sflag:s0] =	ssyncset.done @!p0 $0x0  }
0x3b: {  	[sflag:s0] =	ssyncadd.s32 @!p0 s1  }
0x3c: {  	[bflag:$0x3] =	sbarrier.arrive $0xFFFF  }
0x3d: {  	_ =	shalt  }

</sc_bundles>
